<compile_context>
chip_gen: v7x
topology: tpu7x:2x2x1
jax: 0.10.2.dev20260603
libtpu: 0.0.44.dev20260713+nightly
codegen_flags: <defaults>
</compile_context>

<pallas_src>
import functools

import jax
import jax.numpy as jnp
from jax import lax
from jax.experimental import pallas as pl
from jax.experimental.pallas import tpu as pltpu
from jax.experimental.pallas import tpu_sc as plsc

_EPS = 1e-5
_TE = 1280
_GW = 128
_CH = 128
_SPLIT = 81920


def _leaky(h):
    return jnp.maximum(h, 0.01 * h)


def _sc_gather(x, idx2, e0, ec):
    n, nd = x.shape
    assert ec % _GW == 0 and e0 % _GW == 0
    w0 = e0 // _GW
    mesh = plsc.VectorSubcoreMesh(core_axis_name="core", subcore_axis_name="subcore")

    @functools.partial(
        pl.kernel,
        out_type=jax.ShapeDtypeStruct((ec, nd), jnp.float32),
        mesh=mesh,
    )
    def k(x_hbm, i_hbm, o_hbm):
        def body(i_vmem, o_vmem):
            pltpu.sync_copy(x_hbm.at[i_vmem.at[0]], o_vmem)

        pltpu.emit_pipeline(
            body,
            grid=(ec // _GW,),
            in_specs=[pl.BlockSpec((1, _GW), index_map=lambda i: (0, i + w0))],
            out_specs=[pl.BlockSpec((_GW, nd), index_map=lambda i: (i, 0))],
            core_axis_name=("core", "subcore"),
            dimension_semantics=(pltpu.PARALLEL,),
        )(i_hbm, o_hbm)

    return k(x, idx2)


def _sc_scatter_add(m_wide, dst, n, e0, od):
    ec = m_wide.shape[0]
    e_half = ec // 2
    epc = e_half // 16
    n_full = epc // _CH
    tail = epc - n_full * _CH
    nz = -(-n // (16 * 8)) * 8
    npad = nz * 16
    assert epc % 8 == 0 and tail % 8 == 0 and e0 % 8 == 0
    mesh = plsc.VectorSubcoreMesh(core_axis_name="core", subcore_axis_name="subcore")

    scratch = [
        pltpu.VMEM((_CH,), jnp.int32),
        pltpu.VMEM((_CH, od), jnp.float32),
        pltpu.VMEM((nz, od), jnp.float32),
        pltpu.VMEM_SHARED((npad, od), jnp.float32),
    ]
    if tail:
        scratch += [
            pltpu.VMEM((tail,), jnp.int32),
            pltpu.VMEM((tail, od), jnp.float32),
        ]

    @functools.partial(
        pl.kernel,
        out_type=jax.ShapeDtypeStruct((2, npad, 128), jnp.float32),
        mesh=mesh,
        scratch_types=scratch,
        compiler_params=pltpu.CompilerParams(use_tc_tiling_on_sc=False),
    )
    def k(m_hbm, d_hbm, o_hbm, idx_v, rows_v, z_v, acc_sh, *tail_refs):
        c = lax.axis_index("core")
        s = lax.axis_index("subcore")
        mbase = c * e_half + s * epc
        dbase = e0 + mbase

        @pl.loop(0, nz)
        def _(i):
            z_v[i, :] = jnp.zeros((od,), jnp.float32)

        pltpu.sync_copy(z_v, acc_sh.at[pl.ds(s * nz, nz)])
        plsc.subcore_barrier()

        @pl.loop(0, n_full)
        def _(j):
            pltpu.sync_copy(d_hbm.at[pl.ds(dbase + j * _CH, _CH)], idx_v)
            pltpu.sync_copy(m_hbm.at[pl.ds(mbase + j * _CH, _CH), pl.ds(0, od)],
                            rows_v)
            pltpu.sync_copy(rows_v, acc_sh.at[idx_v], add=True)

        if tail:
            idxt_v, rowst_v = tail_refs
            offt = n_full * _CH
            pltpu.sync_copy(d_hbm.at[pl.ds(dbase + offt, tail)], idxt_v)
            pltpu.sync_copy(m_hbm.at[pl.ds(mbase + offt, tail), pl.ds(0, od)],
                            rowst_v)
            pltpu.sync_copy(rowst_v, acc_sh.at[idxt_v], add=True)

        plsc.subcore_barrier()
        pltpu.sync_copy(acc_sh.at[pl.ds(s * nz, nz)],
                        o_hbm.at[c, pl.ds(s * nz, nz), pl.ds(0, od)])

    return k(m_wide, dst)


def _mlp_body(ea_ref, xj_ref, w1_ref, b1_ref, w2_ref, b2_ref, m_ref):
    te, nd = xj_ref.shape
    od = b2_ref.shape[-1] // b1_ref.shape[-1]
    h1p = jnp.dot(ea_ref[...], w1_ref[...], preferred_element_type=jnp.float32)
    h1 = h1p.reshape(te, b1_ref.shape[-1])
    h1 = _leaky(h1 + b1_ref[...])
    h2 = jnp.dot(h1.astype(w2_ref.dtype), w2_ref[...],
                 preferred_element_type=jnp.float32)
    h2 = _leaky(h2 + b2_ref[...])
    xj = xj_ref[...]
    cols = [
        jnp.sum(h2[:, o * nd:(o + 1) * nd] * xj, axis=-1, keepdims=True)
        for o in range(od)
    ]
    cols.append(jnp.zeros((te, m_ref.shape[-1] - od), jnp.float32))
    m_ref[...] = jnp.concatenate(cols, axis=-1)


def _tc_mlp(ea_w, x_j, w1big, b1f, w2p, b2p, od, e0):
    ec, nd = x_j.shape
    hd = b1f.shape[-1]
    ed8 = ea_w.shape[-1]
    assert ec % _TE == 0 and e0 % _TE == 0
    t0 = e0 // _TE
    return pl.pallas_call(
        _mlp_body,
        grid=(ec // _TE,),
        in_specs=[
            pl.BlockSpec((_TE // 8, ed8), lambda i: (i + t0, 0)),
            pl.BlockSpec((_TE, nd), lambda i: (i, 0)),
            pl.BlockSpec((ed8, 8 * hd), lambda i: (0, 0)),
            pl.BlockSpec((1, hd), lambda i: (0, 0)),
            pl.BlockSpec((nd, hd * od), lambda i: (0, 0)),
            pl.BlockSpec((1, hd * od), lambda i: (0, 0)),
        ],
        out_specs=pl.BlockSpec((_TE, 128), lambda i: (i, 0)),
        out_shape=jax.ShapeDtypeStruct((ec, 128), jnp.float32),
    )(ea_w, x_j, w1big, b1f, w2p, b2p)


def _make_finish_body(n, od):
    def _finish_body(p0_ref, p1_ref, x_ref, rw_ref, b_ref, o_ref):
        root = jnp.dot(x_ref[...], rw_ref[...], preferred_element_type=jnp.float32)
        acc = (p0_ref[0, :n, :od] + p0_ref[1, :n, :od]
               + p1_ref[0, :n, :od] + p1_ref[1, :n, :od])
        o_ref[...] = acc + root + b_ref[...]
    return _finish_body


def _tc_finish(partials0, partials1, x, root_w, bias):
    n, nd = x.shape
    od = root_w.shape[1]
    return pl.pallas_call(
        _make_finish_body(n, od),
        out_shape=jax.ShapeDtypeStruct((n, od), jnp.float32),
    )(partials0, partials1, x, root_w, bias.reshape(1, od))


def kernel(x, edge_index, edge_attr, batch, lin1_w, lin1_b, bn1_g, bn1_b,
           bn1_rm, bn1_rv, lin2_w, lin2_b, bn2_g, bn2_b, bn2_rm, bn2_rv,
           root_w, bias):
    n, nd = x.shape
    e, ed = edge_attr.shape
    hd = lin1_w.shape[1]
    od = root_w.shape[1]
    src2 = edge_index[0].reshape(1, e)
    dst = edge_index[1]

    s1 = bn1_g * lax.rsqrt(bn1_rv + _EPS)
    w1f = lin1_w * s1
    b1f = (s1 * (lin1_b - bn1_rm) + bn1_b).reshape(1, hd)
    s2 = bn2_g * lax.rsqrt(bn2_rv + _EPS)
    w2f = lin2_w * s2
    b2f = s2 * (lin2_b - bn2_rm) + bn2_b
    w2p = w2f.reshape(hd, hd, od).transpose(0, 2, 1).reshape(hd, hd * od)
    w2p = w2p.astype(jnp.bfloat16)
    b2p = b2f.reshape(hd, od).T.reshape(1, hd * od)

    w1big = jnp.zeros((8, ed, 8, hd), jnp.float32)
    for j in range(8):
        w1big = w1big.at[j, :, j, :].set(w1f)
    w1big = w1big.reshape(8 * ed, 8 * hd)

    bounds = [(0, _SPLIT), (_SPLIT, e - _SPLIT)]
    partials = []
    x_js = [_sc_gather(x, src2, e0, ec) for e0, ec in bounds]
    ea_w = edge_attr.reshape(e // 8, 8 * ed)
    for (e0, ec), x_j in zip(bounds, x_js):
        m_wide = _tc_mlp(ea_w, x_j, w1big, b1f, w2p, b2p, od, e0)
        partials.append(_sc_scatter_add(m_wide, dst, n, e0, od))
    return _tc_finish(partials[0], partials[1], x, root_w, bias)

# --- scband reference (transcript-rebuilt; emitter-appended) ---
"""Pipeline reference for scband-edge-conditioned-convolution-23570780521006 (READ-ONLY COPY).

The authoritative reference and input builder live on the scoring server;
editing this copy changes nothing except your own understanding.
"""

import jax, jax.numpy as jnp
import numpy as np

N = 10000
E = 160000
ND = 128   # node_dim (= NNConv in_channels)
ED = 16    # edge_dim
HD = 128   # hidden_dim (must equal node_dim for NNConv nn output to be in*out)
OD = 16    # out_dim
EPS = 1e-5


def setup_inputs(seed: int = 0) -> dict:
    key = jax.random.key(seed)
    ks = jax.random.split(key, 24)
    x = jax.random.normal(ks[0], (N, ND), dtype=jnp.float32)
    edge_index = jax.random.randint(ks[1], (2, E), 0, N, dtype=jnp.int32)
    edge_attr = jax.random.normal(ks[2], (E, ED), dtype=jnp.float32)
    batch = jnp.zeros((N,), dtype=jnp.int32)
    # edge-conditioning MLP params
    lin1_w = jax.random.normal(ks[3], (ED, HD), dtype=jnp.float32) / np.sqrt(ED)
    lin1_b = jax.random.normal(ks[4], (HD,), dtype=jnp.float32) * 0.01
    bn1_g = 1.0 + 0.1 * jax.random.normal(ks[5], (HD,), dtype=jnp.float32)
    bn1_b = 0.1 * jax.random.normal(ks[6], (HD,), dtype=jnp.float32)
    bn1_rm = 0.1 * jax.random.normal(ks[7], (HD,), dtype=jnp.float32)
    bn1_rv = 1.0 + 0.1 * jax.random.uniform(ks[8], (HD,), dtype=jnp.float32)
    lin2_w = jax.random.normal(ks[9], (HD, HD * OD), dtype=jnp.float32) / np.sqrt(HD)
    lin2_b = jax.random.normal(ks[10], (HD * OD,), dtype=jnp.float32) * 0.01
    bn2_g = 1.0 + 0.1 * jax.random.normal(ks[11], (HD * OD,), dtype=jnp.float32)
    bn2_b = 0.1 * jax.random.normal(ks[12], (HD * OD,), dtype=jnp.float32)
    bn2_rm = 0.1 * jax.random.normal(ks[13], (HD * OD,), dtype=jnp.float32)
    bn2_rv = 1.0 + 0.1 * jax.random.uniform(ks[14], (HD * OD,), dtype=jnp.float32)
    # NNConv root weight (Linear(in, out, bias=False)) and bias
    root_w = jax.random.normal(ks[15], (ND, OD), dtype=jnp.float32) / np.sqrt(ND)
    bias = jax.random.normal(ks[16], (OD,), dtype=jnp.float32) * 0.01
    return {
        "x": x, "edge_index": edge_index, "edge_attr": edge_attr, "batch": batch,
        "lin1_w": lin1_w, "lin1_b": lin1_b, "bn1_g": bn1_g, "bn1_b": bn1_b,
        "bn1_rm": bn1_rm, "bn1_rv": bn1_rv,
        "lin2_w": lin2_w, "lin2_b": lin2_b, "bn2_g": bn2_g, "bn2_b": bn2_b,
        "bn2_rm": bn2_rm, "bn2_rv": bn2_rv,
        "root_w": root_w, "bias": bias,
    }


def _bn_eval(h, g, b, rm, rv):
    return g * (h - rm) / jnp.sqrt(rv + EPS) + b


def _leaky(h):
    return jnp.where(h >= 0, h, 0.01 * h)


def reference(x, edge_index, edge_attr, batch, lin1_w, lin1_b, bn1_g, bn1_b,
              bn1_rm, bn1_rv, lin2_w, lin2_b, bn2_g, bn2_b, bn2_rm, bn2_rv,
              root_w, bias):
    # edge-conditioning network (eval mode: BN uses running stats, dropout = identity)
    h = edge_attr @ lin1_w + lin1_b
    h = _leaky(_bn_eval(h, bn1_g, bn1_b, bn1_rm, bn1_rv))
    h = h @ lin2_w + lin2_b
    h = _leaky(_bn_eval(h, bn2_g, bn2_b, bn2_rm, bn2_rv))
    W = h.reshape(E, ND, OD)  # per-edge weight matrix
    src = edge_index[0]
    dst = edge_index[1]
    x_j = x[src]                                   # gather source node feats
    m = jnp.einsum('ei,eio->eo', x_j, W)           # NNConv message
    aggr = jax.ops.segment_sum(m, dst, num_segments=N)  # default aggr='add'
    out = aggr + x @ root_w + bias                 # root transform + bias
    return out

if __name__ == "__main__":
    import jax
    _d = setup_inputs()
    print(jax.jit(kernel)(*tuple(_d.values())))

</pallas_src>

<mosaic_0001>
#map = affine_map<(d0, d1) -> (0, 0)>
module attributes {stable_mosaic.version = 14 : i64} {
  func.func @k(%arg0: i32, %arg1: i32, %arg2: memref<10000x128xf32, #tpu.memory_space<hbm>>, %arg3: memref<1x160000xi32, #tpu.memory_space<hbm>>, %arg4: memref<81920x128xf32, #tpu.memory_space<hbm>>) attributes {dimension_semantics = [#tpu.dimension_semantics<core_parallel>, #tpu.dimension_semantics<subcore_parallel>], iteration_bounds = array<i64: 2, 16>, scalar_prefetch = 0 : i64, scratch_operands = 0 : i64, tpu.core_type = #tpu.core_type<sc_vector_subcore>, window_params = [{transform_indices = #map}, {transform_indices = #map}, {transform_indices = #map}]} {
    %mul3A = arith.constant 1 : i32
    %mul3A_0 = arith.muli %arg1, %mul3A : i32
    %add3A = arith.constant 0 : i32
    %add3A_1 = arith.addi %add3A, %mul3A_0 : i32
    %mul3A_2 = arith.constant 16 : i32
    %mul3A_3 = arith.muli %arg0, %mul3A_2 : i32
    %add3A_4 = arith.addi %add3A_1, %mul3A_3 : i32
    %mul3A_5 = arith.constant 20 : i32
    %mul3A_6 = arith.muli %add3A_4, %mul3A_5 : i32
    "tpu.region"() ({
      %run_scoped3A = memref.alloca() : memref<2x1x128xi32, #tpu.memory_space<vmem>>
      %run_scoped3A_7 = tpu.sem_alloc : memref<2x!tpu.dma_semaphore, #tpu.memory_space<semaphore_mem>>
      %run_scoped3A_8 = memref.alloca() : memref<2x128x128xf32, #tpu.memory_space<vmem>>
      %run_scoped3A_9 = tpu.sem_alloc : memref<2x!tpu.dma_semaphore, #tpu.memory_space<semaphore_mem>>
      %add3A_10 = arith.constant 0 : i32
      %add3A_11 = arith.addi %add3A_10, %mul3A_6 : i32
      %select_n3A = arith.constant true
      %select_n3A_12 = arith.constant 0 : i32
      %select_n3A_13 = arith.constant -1 : i32
      %select_n3A_14 = arith.select %select_n3A, %select_n3A_13, %select_n3A_12 : i32
      %eq3A = arith.constant -1 : i32
      %eq3A_15 = arith.cmpi eq, %select_n3A_14, %eq3A : i32
      %select_n3A_16 = arith.constant 19 : i32
      %select_n3A_17 = arith.select %eq3A_15, %select_n3A_16, %select_n3A_14 : i32
      %add3A_18 = arith.addi %select_n3A_17, %mul3A_6 : i32
      %select_n3A_19 = arith.constant true
      %select_n3A_20 = arith.constant 0 : i32
      %select_n3A_21 = arith.constant 1 : i32
      %select_n3A_22 = arith.select %select_n3A_19, %select_n3A_21, %select_n3A_20 : i32
      %eq3A_23 = arith.constant 20 : i32
      %eq3A_24 = arith.cmpi eq, %select_n3A_22, %eq3A_23 : i32
      %select_n3A_25 = arith.constant 0 : i32
      %select_n3A_26 = arith.select %eq3A_24, %select_n3A_25, %select_n3A_22 : i32
      %add3A_27 = arith.addi %select_n3A_26, %mul3A_6 : i32
      %add3A_28 = arith.constant 1 : i32
      %add3A_29 = arith.addi %select_n3A_26, %add3A_28 : i32
      %select_n3A_30 = arith.constant true
      %select_n3A_31 = arith.select %select_n3A_30, %add3A_29, %select_n3A_26 : i32
      %eq3A_32 = arith.constant 20 : i32
      %eq3A_33 = arith.cmpi eq, %select_n3A_31, %eq3A_32 : i32
      %select_n3A_34 = arith.constant 0 : i32
      %select_n3A_35 = arith.select %eq3A_33, %select_n3A_34, %select_n3A_31 : i32
      %add3A_36 = arith.addi %select_n3A_35, %mul3A_6 : i32
      "tpu.trace_start"() <{level = 10 : i32, message = "ep_initialize_0"}> : () -> ()
      %rem3A = arith.constant 0 : i32
      %rem3A_37 = arith.constant 2 : i32
      %rem3A_38 = arith.remui %rem3A, %rem3A_37 : i32
      %add3A_39 = arith.constant 0 : i32
      %add3A_40 = arith.addi %add3A_11, %add3A_39 : i32
      %mul3A_41 = arith.constant 128 : i32
      %mul3A_42 = arith.muli %mul3A_41, %add3A_40 : i32
      %dma_start3A = arith.constant 0 : i32
      %dma_start3A_43 = arith.constant 0 : i32
      %dma_start3A_44 = tpu.memref_slice %run_scoped3A[%rem3A_38, %dma_start3A, %dma_start3A_43] : memref<2x1x128xi32, #tpu.memory_space<vmem>> -> memref<1x1x128xi32, #tpu.memory_space<vmem>>
      %dma_start3A_45 = tpu.memref_squeeze %dma_start3A_44 : memref<1x1x128xi32, #tpu.memory_space<vmem>> -> memref<1x128xi32, #tpu.memory_space<vmem>>
      %dma_start3A_46 = arith.constant 0 : i32
      %dma_start3A_47 = tpu.memref_slice %arg3[%dma_start3A_46, %mul3A_42] : memref<1x160000xi32, #tpu.memory_space<hbm>> -> memref<1x128xi32, #tpu.memory_space<hbm>>
      %dma_start3A_48 = tpu.memref_slice %run_scoped3A_7[%rem3A_38] : memref<2x!tpu.dma_semaphore, #tpu.memory_space<semaphore_mem>> -> memref<1x!tpu.dma_semaphore, #tpu.memory_space<semaphore_mem>>
      %dma_start3A_49 = tpu.memref_squeeze %dma_start3A_48 : memref<1x!tpu.dma_semaphore, #tpu.memory_space<semaphore_mem>> -> memref<!tpu.dma_semaphore, #tpu.memory_space<semaphore_mem>>
      %dma_start3A_50 = arith.constant 0 : i32
      %dma_start3A_51 = arith.constant 0 : i32
      %dma_start3A_52 = tpu.memref_slice %run_scoped3A[%rem3A_38, %dma_start3A_50, %dma_start3A_51] : memref<2x1x128xi32, #tpu.memory_space<vmem>> -> memref<1x1x128xi32, #tpu.memory_space<vmem>>
      %dma_start3A_53 = tpu.memref_squeeze %dma_start3A_52 : memref<1x1x128xi32, #tpu.memory_space<vmem>> -> memref<1x128xi32, #tpu.memory_space<vmem>>
      %dma_start3A_54 = arith.constant 0 : i32
      %dma_start3A_55 = tpu.memref_slice %arg3[%dma_start3A_54, %mul3A_42] : memref<1x160000xi32, #tpu.memory_space<hbm>> -> memref<1x128xi32, #tpu.memory_space<hbm>>
      tpu.enqueue_dma source(%dma_start3A_55 : memref<1x128xi32, #tpu.memory_space<hbm>>) target(%dma_start3A_53 : memref<1x128xi32, #tpu.memory_space<vmem>>) target_semaphore(%dma_start3A_49 : memref<!tpu.dma_semaphore, #tpu.memory_space<semaphore_mem>>)
      %add3A_56 = arith.constant 0 : i32
      %add3A_57 = arith.constant 1 : i32
      %add3A_58 = arith.addi %add3A_56, %add3A_57 : i32
      %select_n3A_59 = arith.constant true
      %select_n3A_60 = arith.constant 0 : i32
      %select_n3A_61 = arith.select %select_n3A_59, %add3A_58, %select_n3A_60 : i32
      "tpu.trace_stop"() : () -> ()
      %scan3A = arith.constant 0 : i32
      %scan3A_62 = arith.constant 0 : i32
      %scan3A_63 = arith.constant 0 : i32
      %scan3A_64 = arith.constant 0 : i32
      %scan3A_65 = arith.constant 0 : i32
      %scan3A_66 = arith.constant 20 : i32
      %scan3A_67 = arith.addi %scan3A_65, %scan3A_66 : i32
      %scan3A_68 = arith.constant 1 : i32
      %scan3A_69:5 = scf.for %scan3A_123 = %scan3A_65 to %scan3A_67 step %scan3A_68 iter_args(%scan3A_124 = %select_n3A_61, %scan3A_125 = %scan3A, %scan3A_126 = %scan3A_62, %scan3A_127 = %scan3A_63, %scan3A_128 = %scan3A_64) -> (i32, i32, i32, i32, i32)  : i32 {
        %eq3A_129 = arith.constant 0 : i32
        %eq3A_130 = arith.cmpi eq, %scan3A_123, %eq3A_129 : i32
        %eq3A_131 = arith.constant 19 : i32
        %eq3A_132 = arith.cmpi eq, %scan3A_123, %eq3A_131 : i32
        %add3A_133 = arith.addi %scan3A_128, %mul3A_6 : i32
        %sub3A_134 = arith.constant 1 : i32
        %sub3A_135 = arith.subi %scan3A_128, %sub3A_134 : i32
        %select_n3A_136 = arith.constant true
        %select_n3A_137 = arith.select %select_n3A_136, %sub3A_135, %scan3A_128 : i32
        %eq3A_138 = arith.constant -1 : i32
        %eq3A_139 = arith.cmpi eq, %select_n3A_137, %eq3A_138 : i32
        %select_n3A_140 = arith.constant 19 : i32
        %select_n3A_141 = arith.select %eq3A_139, %select_n3A_140, %select_n3A_137 : i32
        %add3A_142 = arith.addi %select_n3A_141, %mul3A_6 : i32
        %add3A_143 = arith.constant 1 : i32
        %add3A_144 = arith.addi %scan3A_128, %add3A_143 : i32
        %select_n3A_145 = arith.constant true
        %select_n3A_146 = arith.select %select_n3A_145, %add3A_144, %scan3A_128 : i32
        %eq3A_147 = arith.constant 20 : i32
        %eq3A_148 = arith.cmpi eq, %select_n3A_146, %eq3A_147 : i32
        %select_n3A_149 = arith.constant 0 : i32
        %select_n3A_150 = arith.select %eq3A_148, %select_n3A_149, %select_n3A_146 : i32
        %add3A_151 = arith.addi %select_n3A_150, %mul3A_6 : i32
        %add3A_152 = arith.constant 1 : i32
        %add3A_153 = arith.addi %select_n3A_150, %add3A_152 : i32
        %select_n3A_154 = arith.constant true
        %select_n3A_155 = arith.select %select_n3A_154, %add3A_153, %select_n3A_150 : i32
        %eq3A_156 = arith.constant 20 : i32
        %eq3A_157 = arith.cmpi eq, %select_n3A_155, %eq3A_156 : i32
        %select_n3A_158 = arith.constant 0 : i32
        %select_n3A_159 = arith.select %eq3A_157, %select_n3A_158, %select_n3A_155 : i32
        %add3A_160 = arith.addi %select_n3A_159, %mul3A_6 : i32
        %add3A_161 = arith.constant 0 : i32
        %add3A_162 = arith.addi %add3A_133, %add3A_161 : i32
        %add3A_163 = arith.constant 0 : i32
        %add3A_164 = arith.addi %add3A_151, %add3A_163 : i32
        %ne3A = arith.cmpi ne, %add3A_162, %add3A_164 : i32
        %or3A = arith.constant false
        %or3A_165 = arith.ori %or3A, %ne3A : i1
        %ge3A = arith.constant 19 : i32
        %ge3A_166 = arith.cmpi sge, %scan3A_123, %ge3A : i32
        %not3A = arith.constant true
        %not3A_167 = arith.xori %ge3A_166, %not3A : i1
        %and3A = arith.andi %or3A_165, %not3A_167 : i1
        %convert_element_type3A = arith.extui %and3A : i1 to i32
        %cond3A = arith.constant 0 : i32
        %cond3A_168 = arith.cmpi ne, %convert_element_type3A, %cond3A : i32
        scf.if %cond3A_168 {
          "tpu.trace_start"() <{level = 10 : i32, message = "ep_copy_in"}> : () -> ()
          %rem3A_286 = arith.constant 2 : i32
          %rem3A_287 = arith.remui %scan3A_124, %rem3A_286 : i32
          %add3A_288 = arith.constant 0 : i32
          %add3A_289 = arith.addi %add3A_151, %add3A_288 : i32
          %mul3A_290 = arith.constant 128 : i32
          %mul3A_291 = arith.muli %mul3A_290, %add3A_289 : i32
          %dma_start3A_292 = arith.constant 0 : i32
          %dma_start3A_293 = arith.constant 0 : i32
          %dma_start3A_294 = tpu.memref_slice %run_scoped3A[%rem3A_287, %dma_start3A_292, %dma_start3A_293] : memref<2x1x128xi32, #tpu.memory_space<vmem>> -> memref<1x1x128xi32, #tpu.memory_space<vmem>>
          %dma_start3A_295 = tpu.memref_squeeze %dma_start3A_294 : memref<1x1x128xi32, #tpu.memory_space<vmem>> -> memref<1x128xi32, #tpu.memory_space<vmem>>
          %dma_start3A_296 = arith.constant 0 : i32
          %dma_start3A_297 = tpu.memref_slice %arg3[%dma_start3A_296, %mul3A_291] : memref<1x160000xi32, #tpu.memory_space<hbm>> -> memref<1x128xi32, #tpu.memory_space<hbm>>
          %dma_start3A_298 = tpu.memref_slice %run_scoped3A_7[%rem3A_287] : memref<2x!tpu.dma_semaphore, #tpu.memory_space<semaphore_mem>> -> memref<1x!tpu.dma_semaphore, #tpu.memory_space<semaphore_mem>>
          %dma_start3A_299 = tpu.memref_squeeze %dma_start3A_298 : memref<1x!tpu.dma_semaphore, #tpu.memory_space<semaphore_mem>> -> memref<!tpu.dma_semaphore, #tpu.memory_space<semaphore_mem>>
          %dma_start3A_300 = arith.constant 0 : i32
          %dma_start3A_301 = arith.constant 0 : i32
          %dma_start3A_302 = tpu.memref_slice %run_scoped3A[%rem3A_287, %dma_start3A_300, %dma_start3A_301] : memref<2x1x128xi32, #tpu.memory_space<vmem>> -> memref<1x1x128xi32, #tpu.memory_space<vmem>>
          %dma_start3A_303 = tpu.memref_squeeze %dma_start3A_302 : memref<1x1x128xi32, #tpu.memory_space<vmem>> -> memref<1x128xi32, #tpu.memory_space<vmem>>
          %dma_start3A_304 = arith.constant 0 : i32
          %dma_start3A_305 = tpu.memref_slice %arg3[%dma_start3A_304, %mul3A_291] : memref<1x160000xi32, #tpu.memory_space<hbm>> -> memref<1x128xi32, #tpu.memory_space<hbm>>
          tpu.enqueue_dma source(%dma_start3A_305 : memref<1x128xi32, #tpu.memory_space<hbm>>) target(%dma_start3A_303 : memref<1x128xi32, #tpu.memory_space<vmem>>) target_semaphore(%dma_start3A_299 : memref<!tpu.dma_semaphore, #tpu.memory_space<semaphore_mem>>)
          "tpu.trace_stop"() : () -> ()
        } else {
        }
        %and3A_169 = arith.constant true
        %and3A_170 = arith.andi %and3A, %and3A_169 : i1
        %add3A_171 = arith.constant 1 : i32
        %add3A_172 = arith.addi %scan3A_124, %add3A_171 : i32
        %select_n3A_173 = arith.select %and3A_170, %add3A_172, %scan3A_124 : i32
        %ne3A_174 = arith.cmpi ne, %add3A_133, %add3A_151 : i32
        %or3A_175 = arith.constant false
        %or3A_176 = arith.ori %or3A_175, %ne3A_174 : i1
        %or3A_177 = arith.constant false
        %or3A_178 = arith.ori %or3A_176, %or3A_177 : i1
        %ge3A_179 = arith.constant 19 : i32
        %ge3A_180 = arith.cmpi sge, %scan3A_123, %ge3A_179 : i32
        %not3A_181 = arith.constant true
        %not3A_182 = arith.xori %ge3A_180, %not3A_181 : i1
        %and3A_183 = arith.andi %or3A_178, %not3A_182 : i1
        %add3A_184 = arith.constant 0 : i32
        %add3A_185 = arith.addi %add3A_133, %add3A_184 : i32
        %add3A_186 = arith.constant 0 : i32
        %add3A_187 = arith.addi %add3A_142, %add3A_186 : i32
        %ne3A_188 = arith.cmpi ne, %add3A_185, %add3A_187 : i32
        %or3A_189 = arith.constant false
        %or3A_190 = arith.ori %or3A_189, %ne3A_188 : i1
        %or3A_191 = arith.ori %or3A_190, %eq3A_130 : i1
        %convert_element_type3A_192 = arith.extui %or3A_191 : i1 to i32
        %cond3A_193 = arith.constant 0 : i32
        %cond3A_194 = arith.cmpi ne, %convert_element_type3A_192, %cond3A_193 : i32
        scf.if %cond3A_194 {
          "tpu.trace_start"() <{level = 10 : i32, message = "ep_wait_in"}> : () -> ()
          %add3A_286 = arith.constant 0 : i32
          %add3A_287 = arith.addi %add3A_133, %add3A_286 : i32
          %mul3A_288 = arith.constant 128 : i32
          %mul3A_289 = arith.muli %mul3A_288, %add3A_287 : i32
          %rem3A_290 = arith.constant 2 : i32
          %rem3A_291 = arith.remui %scan3A_125, %rem3A_290 : i32
          %dma_wait3A_292 = arith.constant 0 : i32
          %dma_wait3A_293 = arith.constant 0 : i32
          %dma_wait3A_294 = tpu.memref_slice %run_scoped3A[%rem3A_291, %dma_wait3A_292, %dma_wait3A_293] : memref<2x1x128xi32, #tpu.memory_space<vmem>> -> memref<1x1x128xi32, #tpu.memory_space<vmem>>
          %dma_wait3A_295 = tpu.memref_squeeze %dma_wait3A_294 : memref<1x1x128xi32, #tpu.memory_space<vmem>> -> memref<1x128xi32, #tpu.memory_space<vmem>>
          %dma_wait3A_296 = arith.constant 0 : i32
          %dma_wait3A_297 = tpu.memref_slice %arg3[%dma_wait3A_296, %mul3A_289] : memref<1x160000xi32, #tpu.memory_space<hbm>> -> memref<1x128xi32, #tpu.memory_space<hbm>>
          %dma_wait3A_298 = tpu.memref_slice %run_scoped3A_7[%rem3A_291] : memref<2x!tpu.dma_semaphore, #tpu.memory_space<semaphore_mem>> -> memref<1x!tpu.dma_semaphore, #tpu.memory_space<semaphore_mem>>
          %dma_wait3A_299 = tpu.memref_squeeze %dma_wait3A_298 : memref<1x!tpu.dma_semaphore, #tpu.memory_space<semaphore_mem>> -> memref<!tpu.dma_semaphore, #tpu.memory_space<semaphore_mem>>
          %dma_wait3A_300 = arith.constant 0 : i32
          %dma_wait3A_301 = arith.constant 0 : i32
          %dma_wait3A_302 = tpu.memref_slice %run_scoped3A[%rem3A_291, %dma_wait3A_300, %dma_wait3A_301] : memref<2x1x128xi32, #tpu.memory_space<vmem>> -> memref<1x1x128xi32, #tpu.memory_space<vmem>>
          %dma_wait3A_303 = tpu.memref_squeeze %dma_wait3A_302 : memref<1x1x128xi32, #tpu.memory_space<vmem>> -> memref<1x128xi32, #tpu.memory_space<vmem>>
          %dma_wait3A_304 = arith.constant 0 : i32
          %dma_wait3A_305 = tpu.memref_slice %arg3[%dma_wait3A_304, %mul3A_289] : memref<1x160000xi32, #tpu.memory_space<hbm>> -> memref<1x128xi32, #tpu.memory_space<hbm>>
          tpu.wait_dma2 semaphore(%dma_wait3A_299 : memref<!tpu.dma_semaphore, #tpu.memory_space<semaphore_mem>>) src(%dma_wait3A_305 : memref<1x128xi32, #tpu.memory_space<hbm>>) dst(%dma_wait3A_303 : memref<1x128xi32, #tpu.memory_space<vmem>>)
          "tpu.trace_stop"() : () -> ()
        } else {
        }
        %ne3A_195 = arith.cmpi ne, %add3A_133, %add3A_142 : i32
        %or3A_196 = arith.constant false
        %or3A_197 = arith.ori %or3A_196, %ne3A_195 : i1
        %or3A_198 = arith.constant false
        %or3A_199 = arith.ori %or3A_197, %or3A_198 : i1
        %or3A_200 = arith.ori %or3A_199, %eq3A_130 : i1
        %convert_element_type3A_201 = arith.extui %or3A_200 : i1 to i32
        %cond3A_202 = arith.constant 0 : i32
        %cond3A_203 = arith.cmpi ne, %convert_element_type3A_201, %cond3A_202 : i32
        scf.if %cond3A_203 {
        } else {
        }
        %rem3A_204 = arith.constant 2 : i32
        %rem3A_205 = arith.remui %scan3A_125, %rem3A_204 : i32
        %rem3A_206 = arith.constant 2 : i32
        %rem3A_207 = arith.remui %scan3A_126, %rem3A_206 : i32
        %run_scoped3A_208 = arith.constant 0 : i32
        "tpu.trace_start"() <{level = 10 : i32, message = "ep_run_kernel"}> : () -> ()
        "tpu.region"() ({
          %run_scoped3A_286 = tpu.sem_alloc : memref<!tpu.dma_semaphore, #tpu.memory_space<semaphore_mem>>
          %dma_start3A_287 = arith.constant 0 : i32
          %dma_start3A_288 = arith.constant 0 : i32
          %dma_start3A_289 = tpu.memref_slice %run_scoped3A_8[%rem3A_207, %dma_start3A_287, %dma_start3A_288] : memref<2x128x128xf32, #tpu.memory_space<vmem>> -> memref<1x128x128xf32, #tpu.memory_space<vmem>>
          %dma_start3A_290 = tpu.memref_squeeze %dma_start3A_289 : memref<1x128x128xf32, #tpu.memory_space<vmem>> -> memref<128x128xf32, #tpu.memory_space<vmem>>
          %dma_start3A_291 = arith.constant 0 : i32
          %dma_start3A_292 = arith.constant 0 : i32
          %dma_start3A_293 = tpu.memref_slice %run_scoped3A[%rem3A_205, %dma_start3A_291, %dma_start3A_292] : memref<2x1x128xi32, #tpu.memory_space<vmem>> -> memref<1x1x128xi32, #tpu.memory_space<vmem>>
          %dma_start3A_294 = tpu.memref_squeeze %dma_start3A_293 : memref<1x1x128xi32, #tpu.memory_space<vmem>> -> memref<1x128xi32, #tpu.memory_space<vmem>>
          %dma_start3A_295 = arith.constant 0 : i32
          %dma_start3A_296 = tpu.memref_slice %dma_start3A_294[%run_scoped3A_208, %dma_start3A_295] : memref<1x128xi32, #tpu.memory_space<vmem>> -> memref<1x128xi32, #tpu.memory_space<vmem>>
          %dma_start3A_297 = tpu.memref_squeeze %dma_start3A_296 : memref<1x128xi32, #tpu.memory_space<vmem>> -> memref<128xi32, #tpu.memory_space<vmem>>
          %dma_start3A_298 = arith.constant 0 : i32
          %dma_start3A_299 = arith.constant 0 : i32
          %dma_start3A_300 = tpu.memref_slice %arg2[%dma_start3A_298, %dma_start3A_299] : memref<10000x128xf32, #tpu.memory_space<hbm>> -> memref<10000x128xf32, #tpu.memory_space<hbm>>
          tpu.enqueue_indirect_dma source(%dma_start3A_300 : memref<10000x128xf32, #tpu.memory_space<hbm>>) target(%dma_start3A_290 : memref<128x128xf32, #tpu.memory_space<vmem>>) offsets(%dma_start3A_297 : memref<128xi32, #tpu.memory_space<vmem>>) semaphore(%run_scoped3A_286 : memref<!tpu.dma_semaphore, #tpu.memory_space<semaphore_mem>>)
          %dma_wait3A_301 = arith.constant 0 : i32
          %dma_wait3A_302 = arith.constant 0 : i32
          %dma_wait3A_303 = tpu.memref_slice %run_scoped3A_8[%rem3A_207, %dma_wait3A_301, %dma_wait3A_302] : memref<2x128x128xf32, #tpu.memory_space<vmem>> -> memref<1x128x128xf32, #tpu.memory_space<vmem>>
          %dma_wait3A_304 = tpu.memref_squeeze %dma_wait3A_303 : memref<1x128x128xf32, #tpu.memory_space<vmem>> -> memref<128x128xf32, #tpu.memory_space<vmem>>
          %dma_wait3A_305 = arith.constant 0 : i32
          %dma_wait3A_306 = arith.constant 0 : i32
          %dma_wait3A_307 = tpu.memref_slice %run_scoped3A[%rem3A_205, %dma_wait3A_305, %dma_wait3A_306] : memref<2x1x128xi32, #tpu.memory_space<vmem>> -> memref<1x1x128xi32, #tpu.memory_space<vmem>>
          %dma_wait3A_308 = tpu.memref_squeeze %dma_wait3A_307 : memref<1x1x128xi32, #tpu.memory_space<vmem>> -> memref<1x128xi32, #tpu.memory_space<vmem>>
          %dma_wait3A_309 = arith.constant 0 : i32
          %dma_wait3A_310 = tpu.memref_slice %dma_wait3A_308[%run_scoped3A_208, %dma_wait3A_309] : memref<1x128xi32, #tpu.memory_space<vmem>> -> memref<1x128xi32, #tpu.memory_space<vmem>>
          %dma_wait3A_311 = tpu.memref_squeeze %dma_wait3A_310 : memref<1x128xi32, #tpu.memory_space<vmem>> -> memref<128xi32, #tpu.memory_space<vmem>>
          %dma_wait3A_312 = arith.constant 0 : i32
          %dma_wait3A_313 = arith.constant 0 : i32
          %dma_wait3A_314 = tpu.memref_slice %arg2[%dma_wait3A_312, %dma_wait3A_313] : memref<10000x128xf32, #tpu.memory_space<hbm>> -> memref<10000x128xf32, #tpu.memory_space<hbm>>
          tpu.wait_indirect_dma semaphore(%run_scoped3A_286 : memref<!tpu.dma_semaphore, #tpu.memory_space<semaphore_mem>>) src(%dma_wait3A_314 : memref<10000x128xf32, #tpu.memory_space<hbm>>) dst(%dma_wait3A_304 : memref<128x128xf32, #tpu.memory_space<vmem>>)
          tpu.yield
        }) : () -> ()
        "tpu.trace_stop"() : () -> ()
        %add3A_209 = arith.constant 0 : i32
        %add3A_210 = arith.addi %add3A_133, %add3A_209 : i32
        %add3A_211 = arith.constant 0 : i32
        %add3A_212 = arith.addi %add3A_151, %add3A_211 : i32
        %ne3A_213 = arith.cmpi ne, %add3A_210, %add3A_212 : i32
        %or3A_214 = arith.constant false
        %or3A_215 = arith.ori %or3A_214, %ne3A_213 : i1
        %or3A_216 = arith.ori %or3A_215, %eq3A_132 : i1
        %convert_element_type3A_217 = arith.extui %or3A_216 : i1 to i32
        %cond3A_218 = arith.constant 0 : i32
        %cond3A_219 = arith.cmpi ne, %convert_element_type3A_217, %cond3A_218 : i32
        scf.if %cond3A_219 {
        } else {
        }
        %and3A_220 = arith.constant false
        %and3A_221 = arith.andi %or3A_216, %and3A_220 : i1
        %ne3A_222 = arith.cmpi ne, %add3A_133, %add3A_151 : i32
        %or3A_223 = arith.constant false
        %or3A_224 = arith.ori %or3A_223, %ne3A_222 : i1
        %or3A_225 = arith.constant false
        %or3A_226 = arith.ori %or3A_224, %or3A_225 : i1
        %or3A_227 = arith.ori %or3A_226, %eq3A_132 : i1
        %convert_element_type3A_228 = arith.extui %or3A_227 : i1 to i32
        %cond3A_229 = arith.constant 0 : i32
        %cond3A_230 = arith.cmpi ne, %convert_element_type3A_228, %cond3A_229 : i32
        scf.if %cond3A_230 {
          "tpu.trace_start"() <{level = 10 : i32, message = "ep_copy_out"}> : () -> ()
          %rem3A_286 = arith.constant 2 : i32
          %rem3A_287 = arith.remui %scan3A_126, %rem3A_286 : i32
          %mul3A_288 = arith.constant 128 : i32
          %mul3A_289 = arith.muli %mul3A_288, %add3A_133 : i32
          %dma_start3A_290 = arith.constant 0 : i32
          %dma_start3A_291 = arith.constant 0 : i32
          %dma_start3A_292 = tpu.memref_slice %run_scoped3A_8[%rem3A_287, %dma_start3A_290, %dma_start3A_291] : memref<2x128x128xf32, #tpu.memory_space<vmem>> -> memref<1x128x128xf32, #tpu.memory_space<vmem>>
          %dma_start3A_293 = tpu.memref_squeeze %dma_start3A_292 : memref<1x128x128xf32, #tpu.memory_space<vmem>> -> memref<128x128xf32, #tpu.memory_space<vmem>>
          %dma_start3A_294 = arith.constant 0 : i32
          %dma_start3A_295 = tpu.memref_slice %arg4[%mul3A_289, %dma_start3A_294] : memref<81920x128xf32, #tpu.memory_space<hbm>> -> memref<128x128xf32, #tpu.memory_space<hbm>>
          %dma_start3A_296 = tpu.memref_slice %run_scoped3A_9[%rem3A_287] : memref<2x!tpu.dma_semaphore, #tpu.memory_space<semaphore_mem>> -> memref<1x!tpu.dma_semaphore, #tpu.memory_space<semaphore_mem>>
          %dma_start3A_297 = tpu.memref_squeeze %dma_start3A_296 : memref<1x!tpu.dma_semaphore, #tpu.memory_space<semaphore_mem>> -> memref<!tpu.dma_semaphore, #tpu.memory_space<semaphore_mem>>
          %dma_start3A_298 = arith.constant 0 : i32
          %dma_start3A_299 = tpu.memref_slice %arg4[%mul3A_289, %dma_start3A_298] : memref<81920x128xf32, #tpu.memory_space<hbm>> -> memref<128x128xf32, #tpu.memory_space<hbm>>
          %dma_start3A_300 = arith.constant 0 : i32
          %dma_start3A_301 = arith.constant 0 : i32
          %dma_start3A_302 = tpu.memref_slice %run_scoped3A_8[%rem3A_287, %dma_start3A_300, %dma_start3A_301] : memref<2x128x128xf32, #tpu.memory_space<vmem>> -> memref<1x128x128xf32, #tpu.memory_space<vmem>>
          %dma_start3A_303 = tpu.memref_squeeze %dma_start3A_302 : memref<1x128x128xf32, #tpu.memory_space<vmem>> -> memref<128x128xf32, #tpu.memory_space<vmem>>
          tpu.enqueue_dma source(%dma_start3A_303 : memref<128x128xf32, #tpu.memory_space<vmem>>) target(%dma_start3A_299 : memref<128x128xf32, #tpu.memory_space<hbm>>) target_semaphore(%dma_start3A_297 : memref<!tpu.dma_semaphore, #tpu.memory_space<semaphore_mem>>)
          "tpu.trace_stop"() : () -> ()
        } else {
        }
        %and3A_231 = arith.constant true
        %and3A_232 = arith.andi %or3A_227, %and3A_231 : i1
        %add3A_233 = arith.constant 1 : i32
        %add3A_234 = arith.addi %scan3A_126, %add3A_233 : i32
        %select_n3A_235 = arith.select %and3A_232, %add3A_234, %scan3A_126 : i32
        %add3A_236 = arith.constant 0 : i32
        %add3A_237 = arith.addi %add3A_133, %add3A_236 : i32
        %add3A_238 = arith.constant 0 : i32
        %add3A_239 = arith.addi %add3A_142, %add3A_238 : i32
        %ne3A_240 = arith.cmpi ne, %add3A_237, %add3A_239 : i32
        %or3A_241 = arith.constant false
        %or3A_242 = arith.ori %or3A_241, %ne3A_240 : i1
        %not3A_243 = arith.constant true
        %not3A_244 = arith.xori %eq3A_130, %not3A_243 : i1
        %and3A_245 = arith.andi %or3A_242, %not3A_244 : i1
        %convert_element_type3A_246 = arith.extui %and3A_245 : i1 to i32
        %cond3A_247 = arith.constant 0 : i32
        %cond3A_248 = arith.cmpi ne, %convert_element_type3A_246, %cond3A_247 : i32
        scf.if %cond3A_248 {
        } else {
        }
        %and3A_249 = arith.constant false
        %and3A_250 = arith.andi %and3A_245, %and3A_249 : i1
        %ne3A_251 = arith.cmpi ne, %add3A_133, %add3A_142 : i32
        %or3A_252 = arith.constant false
        %or3A_253 = arith.ori %or3A_252, %ne3A_251 : i1
        %or3A_254 = arith.constant false
        %or3A_255 = arith.ori %or3A_253, %or3A_254 : i1
        %not3A_256 = arith.constant true
        %not3A_257 = arith.xori %eq3A_130, %not3A_256 : i1
        %and3A_258 = arith.andi %or3A_255, %not3A_257 : i1
        %convert_element_type3A_259 = arith.extui %and3A_258 : i1 to i32
        %cond3A_260 = arith.constant 0 : i32
        %cond3A_261 = arith.cmpi ne, %convert_element_type3A_259, %cond3A_260 : i32
        scf.if %cond3A_261 {
          "tpu.trace_start"() <{level = 10 : i32, message = "ep_wait_out"}> : () -> ()
          %rem3A_286 = arith.constant 2 : i32
          %rem3A_287 = arith.remui %scan3A_127, %rem3A_286 : i32
          %mul3A_288 = arith.constant 128 : i32
          %mul3A_289 = arith.muli %mul3A_288, %add3A_142 : i32
          %dma_wait3A_290 = arith.constant 0 : i32
          %dma_wait3A_291 = arith.constant 0 : i32
          %dma_wait3A_292 = tpu.memref_slice %run_scoped3A_8[%rem3A_287, %dma_wait3A_290, %dma_wait3A_291] : memref<2x128x128xf32, #tpu.memory_space<vmem>> -> memref<1x128x128xf32, #tpu.memory_space<vmem>>
          %dma_wait3A_293 = tpu.memref_squeeze %dma_wait3A_292 : memref<1x128x128xf32, #tpu.memory_space<vmem>> -> memref<128x128xf32, #tpu.memory_space<vmem>>
          %dma_wait3A_294 = arith.constant 0 : i32
          %dma_wait3A_295 = tpu.memref_slice %arg4[%mul3A_289, %dma_wait3A_294] : memref<81920x128xf32, #tpu.memory_space<hbm>> -> memref<128x128xf32, #tpu.memory_space<hbm>>
          %dma_wait3A_296 = tpu.memref_slice %run_scoped3A_9[%rem3A_287] : memref<2x!tpu.dma_semaphore, #tpu.memory_space<semaphore_mem>> -> memref<1x!tpu.dma_semaphore, #tpu.memory_space<semaphore_mem>>
          %dma_wait3A_297 = tpu.memref_squeeze %dma_wait3A_296 : memref<1x!tpu.dma_semaphore, #tpu.memory_space<semaphore_mem>> -> memref<!tpu.dma_semaphore, #tpu.memory_space<semaphore_mem>>
          %dma_wait3A_298 = arith.constant 0 : i32
          %dma_wait3A_299 = tpu.memref_slice %arg4[%mul3A_289, %dma_wait3A_298] : memref<81920x128xf32, #tpu.memory_space<hbm>> -> memref<128x128xf32, #tpu.memory_space<hbm>>
          %dma_wait3A_300 = arith.constant 0 : i32
          %dma_wait3A_301 = arith.constant 0 : i32
          %dma_wait3A_302 = tpu.memref_slice %run_scoped3A_8[%rem3A_287, %dma_wait3A_300, %dma_wait3A_301] : memref<2x128x128xf32, #tpu.memory_space<vmem>> -> memref<1x128x128xf32, #tpu.memory_space<vmem>>
          %dma_wait3A_303 = tpu.memref_squeeze %dma_wait3A_302 : memref<1x128x128xf32, #tpu.memory_space<vmem>> -> memref<128x128xf32, #tpu.memory_space<vmem>>
          tpu.wait_dma2 semaphore(%dma_wait3A_297 : memref<!tpu.dma_semaphore, #tpu.memory_space<semaphore_mem>>) src(%dma_wait3A_303 : memref<128x128xf32, #tpu.memory_space<vmem>>) dst(%dma_wait3A_299 : memref<128x128xf32, #tpu.memory_space<hbm>>)
          "tpu.trace_stop"() : () -> ()
        } else {
        }
        %and3A_262 = arith.constant true
        %and3A_263 = arith.andi %and3A_258, %and3A_262 : i1
        %add3A_264 = arith.constant 1 : i32
        %add3A_265 = arith.addi %scan3A_127, %add3A_264 : i32
        %select_n3A_266 = arith.select %and3A_263, %add3A_265, %scan3A_127 : i32
        %add3A_267 = arith.constant 0 : i32
        %add3A_268 = arith.addi %add3A_133, %add3A_267 : i32
        %add3A_269 = arith.constant 0 : i32
        %add3A_270 = arith.addi %add3A_151, %add3A_269 : i32
        %ne3A_271 = arith.cmpi ne, %add3A_268, %add3A_270 : i32
        %or3A_272 = arith.constant false
        %or3A_273 = arith.ori %or3A_272, %ne3A_271 : i1
        %or3A_274 = arith.ori %or3A_273, %eq3A_132 : i1
        %add3A_275 = arith.constant 1 : i32
        %add3A_276 = arith.addi %scan3A_125, %add3A_275 : i32
        %select_n3A_277 = arith.select %or3A_274, %add3A_276, %scan3A_125 : i32
        %add3A_278 = arith.constant 1 : i32
        %add3A_279 = arith.addi %scan3A_128, %add3A_278 : i32
        %select_n3A_280 = arith.constant true
        %select_n3A_281 = arith.select %select_n3A_280, %add3A_279, %scan3A_128 : i32
        %eq3A_282 = arith.constant 20 : i32
        %eq3A_283 = arith.cmpi eq, %select_n3A_281, %eq3A_282 : i32
        %select_n3A_284 = arith.constant 0 : i32
        %select_n3A_285 = arith.select %eq3A_283, %select_n3A_284, %select_n3A_281 : i32
        scf.yield %select_n3A_173, %select_n3A_277, %select_n3A_235, %select_n3A_266, %select_n3A_285 : i32, i32, i32, i32, i32
      }
      %scan3A_70 = arith.constant 20 : i32
      %sub3A = arith.constant 1 : i32
      %sub3A_71 = arith.subi %scan3A_69#4, %sub3A : i32
      %select_n3A_72 = arith.constant true
      %select_n3A_73 = arith.select %select_n3A_72, %sub3A_71, %scan3A_69#4 : i32
      %eq3A_74 = arith.constant -1 : i32
      %eq3A_75 = arith.cmpi eq, %select_n3A_73, %eq3A_74 : i32
      %select_n3A_76 = arith.constant 19 : i32
      %select_n3A_77 = arith.select %eq3A_75, %select_n3A_76, %select_n3A_73 : i32
      %add3A_78 = arith.addi %select_n3A_77, %mul3A_6 : i32
      %sub3A_79 = arith.constant 1 : i32
      %sub3A_80 = arith.subi %select_n3A_77, %sub3A_79 : i32
      %select_n3A_81 = arith.constant true
      %select_n3A_82 = arith.select %select_n3A_81, %sub3A_80, %select_n3A_77 : i32
      %eq3A_83 = arith.constant -1 : i32
      %eq3A_84 = arith.cmpi eq, %select_n3A_82, %eq3A_83 : i32
      %select_n3A_85 = arith.constant 19 : i32
      %select_n3A_86 = arith.select %eq3A_84, %select_n3A_85, %select_n3A_82 : i32
      %add3A_87 = arith.addi %select_n3A_86, %mul3A_6 : i32
      %add3A_88 = arith.constant 1 : i32
      %add3A_89 = arith.addi %select_n3A_77, %add3A_88 : i32
      %select_n3A_90 = arith.constant true
      %select_n3A_91 = arith.select %select_n3A_90, %add3A_89, %select_n3A_77 : i32
      %eq3A_92 = arith.constant 20 : i32
      %eq3A_93 = arith.cmpi eq, %select_n3A_91, %eq3A_92 : i32
      %select_n3A_94 = arith.constant 0 : i32
      %select_n3A_95 = arith.select %eq3A_93, %select_n3A_94, %select_n3A_91 : i32
      %add3A_96 = arith.addi %select_n3A_95, %mul3A_6 : i32
      %add3A_97 = arith.constant 1 : i32
      %add3A_98 = arith.addi %select_n3A_95, %add3A_97 : i32
      %select_n3A_99 = arith.constant true
      %select_n3A_100 = arith.select %select_n3A_99, %add3A_98, %select_n3A_95 : i32
      %eq3A_101 = arith.constant 20 : i32
      %eq3A_102 = arith.cmpi eq, %select_n3A_100, %eq3A_101 : i32
      %select_n3A_103 = arith.constant 0 : i32
      %select_n3A_104 = arith.select %eq3A_102, %select_n3A_103, %select_n3A_100 : i32
      %add3A_105 = arith.addi %select_n3A_104, %mul3A_6 : i32
      "tpu.trace_start"() <{level = 10 : i32, message = "ep_finalize"}> : () -> ()
      %rem3A_106 = arith.constant 2 : i32
      %rem3A_107 = arith.remui %scan3A_69#3, %rem3A_106 : i32
      %mul3A_108 = arith.constant 128 : i32
      %mul3A_109 = arith.muli %mul3A_108, %add3A_78 : i32
      %dma_wait3A = arith.constant 0 : i32
      %dma_wait3A_110 = arith.constant 0 : i32
      %dma_wait3A_111 = tpu.memref_slice %run_scoped3A_8[%rem3A_107, %dma_wait3A, %dma_wait3A_110] : memref<2x128x128xf32, #tpu.memory_space<vmem>> -> memref<1x128x128xf32, #tpu.memory_space<vmem>>
      %dma_wait3A_112 = tpu.memref_squeeze %dma_wait3A_111 : memref<1x128x128xf32, #tpu.memory_space<vmem>> -> memref<128x128xf32, #tpu.memory_space<vmem>>
      %dma_wait3A_113 = arith.constant 0 : i32
      %dma_wait3A_114 = tpu.memref_slice %arg4[%mul3A_109, %dma_wait3A_113] : memref<81920x128xf32, #tpu.memory_space<hbm>> -> memref<128x128xf32, #tpu.memory_space<hbm>>
      %dma_wait3A_115 = tpu.memref_slice %run_scoped3A_9[%rem3A_107] : memref<2x!tpu.dma_semaphore, #tpu.memory_space<semaphore_mem>> -> memref<1x!tpu.dma_semaphore, #tpu.memory_space<semaphore_mem>>
      %dma_wait3A_116 = tpu.memref_squeeze %dma_wait3A_115 : memref<1x!tpu.dma_semaphore, #tpu.memory_space<semaphore_mem>> -> memref<!tpu.dma_semaphore, #tpu.memory_space<semaphore_mem>>
      %dma_wait3A_117 = arith.constant 0 : i32
      %dma_wait3A_118 = tpu.memref_slice %arg4[%mul3A_109, %dma_wait3A_117] : memref<81920x128xf32, #tpu.memory_space<hbm>> -> memref<128x128xf32, #tpu.memory_space<hbm>>
      %dma_wait3A_119 = arith.constant 0 : i32
      %dma_wait3A_120 = arith.constant 0 : i32
      %dma_wait3A_121 = tpu.memref_slice %run_scoped3A_8[%rem3A_107, %dma_wait3A_119, %dma_wait3A_120] : memref<2x128x128xf32, #tpu.memory_space<vmem>> -> memref<1x128x128xf32, #tpu.memory_space<vmem>>
      %dma_wait3A_122 = tpu.memref_squeeze %dma_wait3A_121 : memref<1x128x128xf32, #tpu.memory_space<vmem>> -> memref<128x128xf32, #tpu.memory_space<vmem>>
      tpu.wait_dma2 semaphore(%dma_wait3A_116 : memref<!tpu.dma_semaphore, #tpu.memory_space<semaphore_mem>>) src(%dma_wait3A_122 : memref<128x128xf32, #tpu.memory_space<vmem>>) dst(%dma_wait3A_118 : memref<128x128xf32, #tpu.memory_space<hbm>>)
      "tpu.trace_stop"() : () -> ()
      tpu.yield
    }) : () -> ()
    return
  }
}

#map = affine_map<(d0, d1) -> (0, 0)>
#map1 = affine_map<(d0, d1) -> (0)>
#map2 = affine_map<(d0, d1) -> (0, 0, 0)>
module attributes {stable_mosaic.version = 14 : i64} {
  func.func @k(%arg0: i32, %arg1: i32, %arg2: memref<78080x128xf32, #tpu.memory_space<hbm>>, %arg3: memref<160000xi32, #tpu.memory_space<hbm>>, %arg4: memref<2x10112x128xf32, #tpu.memory_space<hbm>>, %arg5: memref<128xi32, #tpu.memory_space<vmem>>, %arg6: memref<128x16xf32, #tpu.memory_space<vmem>>, %arg7: memref<632x16xf32, #tpu.memory_space<vmem>>, %arg8: memref<10112x16xf32, #tpu.memory_space<vmem_shared>>, %arg9: memref<8xi32, #tpu.memory_space<vmem>>, %arg10: memref<8x16xf32, #tpu.memory_space<vmem>>) attributes {dimension_semantics = [#tpu.dimension_semantics<core_parallel>, #tpu.dimension_semantics<subcore_parallel>], iteration_bounds = array<i64: 2, 16>, scalar_prefetch = 0 : i64, scratch_operands = 6 : i64, tpu.core_type = #tpu.core_type<sc_vector_subcore>, window_params = [{transform_indices = #map}, {transform_indices = #map1}, {transform_indices = #map2}]} {
    %mul3A = arith.constant 39040 : i32
    %mul3A_0 = arith.muli %arg0, %mul3A : i32
    %mul3A_1 = arith.constant 2440 : i32
    %mul3A_2 = arith.muli %arg1, %mul3A_1 : i32
    %add3A = arith.addi %mul3A_0, %mul3A_2 : i32
    %add3A_3 = arith.constant 81920 : i32
    %add3A_4 = arith.addi %add3A_3, %add3A : i32
    %scan3A = arith.constant 0 : i32
    %scan3A_5 = arith.constant 632 : i32
    %scan3A_6 = arith.addi %scan3A, %scan3A_5 : i32
    %scan3A_7 = arith.constant 1 : i32
    scf.for %scan3A_25 = %scan3A to %scan3A_6 step %scan3A_7  : i32 {
      %mul3A_26 = arith.constant 1 : i32
      %mul3A_27 = arith.muli %scan3A_25, %mul3A_26 : i32
      %add3A_28 = arith.constant 0 : i32
      %add3A_29 = arith.addi %add3A_28, %mul3A_27 : i32
      %broadcast_in_dim3A = arith.constant 0.000000e+00 : f32
      %broadcast_in_dim3A_30 = vector.broadcast %broadcast_in_dim3A : f32 to vector<16xf32>
      %swap3A = arith.index_cast %add3A_29 : i32 to index
      %swap3A_31 = arith.constant 0 : index
      %swap3A_32 = tpu.vector_load %arg7[%swap3A, %swap3A_31] {strides = array<i32>} : memref<632x16xf32, #tpu.memory_space<vmem>>, vector<1x16xf32>,
      %swap3A_33 = vector.shape_cast %swap3A_32 : vector<1x16xf32> to vector<16xf32>
      %swap3A_34 = vector.shape_cast %broadcast_in_dim3A_30 : vector<16xf32> to vector<1x16xf32>
      tpu.vector_store %arg7[%swap3A, %swap3A_31], %swap3A_34 {strides = array<i32>} : memref<632x16xf32, #tpu.memory_space<vmem>>, vector<1x16xf32>,
    }
    %scan3A_8 = arith.constant 632 : i32
    %mul3A_9 = arith.constant 632 : i32
    %mul3A_10 = arith.muli %arg1, %mul3A_9 : i32
    "tpu.region"() ({
      %run_scoped3A = tpu.sem_alloc : memref<!tpu.dma_semaphore, #tpu.memory_space<semaphore_mem>>
      %dma_start3A = arith.constant 0 : i32
      %dma_start3A_25 = tpu.memref_slice %arg8[%mul3A_10, %dma_start3A] : memref<10112x16xf32, #tpu.memory_space<vmem_shared>> -> memref<632x16xf32, #tpu.memory_space<vmem_shared>>
      %dma_start3A_26 = arith.constant 0 : i32
      %dma_start3A_27 = tpu.memref_slice %arg8[%mul3A_10, %dma_start3A_26] : memref<10112x16xf32, #tpu.memory_space<vmem_shared>> -> memref<632x16xf32, #tpu.memory_space<vmem_shared>>
      tpu.enqueue_dma source(%arg7 : memref<632x16xf32, #tpu.memory_space<vmem>>) target(%dma_start3A_27 : memref<632x16xf32, #tpu.memory_space<vmem_shared>>) target_semaphore(%run_scoped3A : memref<!tpu.dma_semaphore, #tpu.memory_space<semaphore_mem>>)
      %dma_wait3A = arith.constant 0 : i32
      %dma_wait3A_28 = tpu.memref_slice %arg8[%mul3A_10, %dma_wait3A] : memref<10112x16xf32, #tpu.memory_space<vmem_shared>> -> memref<632x16xf32, #tpu.memory_space<vmem_shared>>
      %dma_wait3A_29 = arith.constant 0 : i32
      %dma_wait3A_30 = tpu.memref_slice %arg8[%mul3A_10, %dma_wait3A_29] : memref<10112x16xf32, #tpu.memory_space<vmem_shared>> -> memref<632x16xf32, #tpu.memory_space<vmem_shared>>
      tpu.wait_dma2 semaphore(%run_scoped3A : memref<!tpu.dma_semaphore, #tpu.memory_space<semaphore_mem>>) src(%arg7 : memref<632x16xf32, #tpu.memory_space<vmem>>) dst(%dma_wait3A_30 : memref<632x16xf32, #tpu.memory_space<vmem_shared>>)
      tpu.yield
    }) : () -> ()
    %barrier3A = arith.constant 0 : index
    tpu.barrier barrier_id(%barrier3A)
    %scan3A_11 = arith.constant 0 : i32
    %scan3A_12 = arith.constant 19 : i32
    %scan3A_13 = arith.addi %scan3A_11, %scan3A_12 : i32
    %scan3A_14 = arith.constant 1 : i32
    scf.for %scan3A_25 = %scan3A_11 to %scan3A_13 step %scan3A_14  : i32 {
      %mul3A_26 = arith.constant 1 : i32
      %mul3A_27 = arith.muli %scan3A_25, %mul3A_26 : i32
      %add3A_28 = arith.constant 0 : i32
      %add3A_29 = arith.addi %add3A_28, %mul3A_27 : i32
      %mul3A_30 = arith.constant 128 : i32
      %mul3A_31 = arith.muli %add3A_29, %mul3A_30 : i32
      %add3A_32 = arith.addi %add3A_4, %mul3A_31 : i32
      "tpu.region"() ({
        %run_scoped3A = tpu.sem_alloc : memref<!tpu.dma_semaphore, #tpu.memory_space<semaphore_mem>>
        %dma_start3A = tpu.memref_slice %arg3[%add3A_32] : memref<160000xi32, #tpu.memory_space<hbm>> -> memref<128xi32, #tpu.memory_space<hbm>>
        %dma_start3A_36 = tpu.memref_slice %arg3[%add3A_32] : memref<160000xi32, #tpu.memory_space<hbm>> -> memref<128xi32, #tpu.memory_space<hbm>>
        tpu.enqueue_dma source(%dma_start3A_36 : memref<128xi32, #tpu.memory_space<hbm>>) target(%arg5 : memref<128xi32, #tpu.memory_space<vmem>>) target_semaphore(%run_scoped3A : memref<!tpu.dma_semaphore, #tpu.memory_space<semaphore_mem>>)
        %dma_wait3A = tpu.memref_slice %arg3[%add3A_32] : memref<160000xi32, #tpu.memory_space<hbm>> -> memref<128xi32, #tpu.memory_space<hbm>>
        %dma_wait3A_37 = tpu.memref_slice %arg3[%add3A_32] : memref<160000xi32, #tpu.memory_space<hbm>> -> memref<128xi32, #tpu.memory_space<hbm>>
        tpu.wait_dma2 semaphore(%run_scoped3A : memref<!tpu.dma_semaphore, #tpu.memory_space<semaphore_mem>>) src(%dma_wait3A_37 : memref<128xi32, #tpu.memory_space<hbm>>) dst(%arg5 : memref<128xi32, #tpu.memory_space<vmem>>)
        tpu.yield
      }) : () -> ()
      %mul3A_33 = arith.constant 128 : i32
      %mul3A_34 = arith.muli %add3A_29, %mul3A_33 : i32
      %add3A_35 = arith.addi %add3A, %mul3A_34 : i32
      "tpu.region"() ({
        %run_scoped3A = tpu.sem_alloc : memref<!tpu.dma_semaphore, #tpu.memory_space<semaphore_mem>>
        %dma_start3A = arith.constant 0 : i32
        %dma_start3A_36 = tpu.memref_slice %arg2[%add3A_35, %dma_start3A] : memref<78080x128xf32, #tpu.memory_space<hbm>> -> memref<128x16xf32, #tpu.memory_space<hbm>>
        %dma_start3A_37 = arith.constant 0 : i32
        %dma_start3A_38 = tpu.memref_slice %arg2[%add3A_35, %dma_start3A_37] : memref<78080x128xf32, #tpu.memory_space<hbm>> -> memref<128x16xf32, #tpu.memory_space<hbm>>
        tpu.enqueue_dma source(%dma_start3A_38 : memref<128x16xf32, #tpu.memory_space<hbm>>) target(%arg6 : memref<128x16xf32, #tpu.memory_space<vmem>>) target_semaphore(%run_scoped3A : memref<!tpu.dma_semaphore, #tpu.memory_space<semaphore_mem>>)
        %dma_wait3A = arith.constant 0 : i32
        %dma_wait3A_39 = tpu.memref_slice %arg2[%add3A_35, %dma_wait3A] : memref<78080x128xf32, #tpu.memory_space<hbm>> -> memref<128x16xf32, #tpu.memory_space<hbm>>
        %dma_wait3A_40 = arith.constant 0 : i32
        %dma_wait3A_41 = tpu.memref_slice %arg2[%add3A_35, %dma_wait3A_40] : memref<78080x128xf32, #tpu.memory_space<hbm>> -> memref<128x16xf32, #tpu.memory_space<hbm>>
        tpu.wait_dma2 semaphore(%run_scoped3A : memref<!tpu.dma_semaphore, #tpu.memory_space<semaphore_mem>>) src(%dma_wait3A_41 : memref<128x16xf32, #tpu.memory_space<hbm>>) dst(%arg6 : memref<128x16xf32, #tpu.memory_space<vmem>>)
        tpu.yield
      }) : () -> ()
      "tpu.region"() ({
        %run_scoped3A = tpu.sem_alloc : memref<!tpu.dma_semaphore, #tpu.memory_space<semaphore_mem>>
        %dma_start3A = arith.constant 0 : i32
        %dma_start3A_36 = arith.constant 0 : i32
        %dma_start3A_37 = tpu.memref_slice %arg8[%dma_start3A, %dma_start3A_36] : memref<10112x16xf32, #tpu.memory_space<vmem_shared>> -> memref<10112x16xf32, #tpu.memory_space<vmem_shared>>
        tpu.enqueue_indirect_dma source(%arg6 : memref<128x16xf32, #tpu.memory_space<vmem>>) target(%dma_start3A_37 : memref<10112x16xf32, #tpu.memory_space<vmem_shared>>) offsets(%arg5 : memref<128xi32, #tpu.memory_space<vmem>>) semaphore(%run_scoped3A : memref<!tpu.dma_semaphore, #tpu.memory_space<semaphore_mem>>) {add = true}
        %dma_wait3A = arith.constant 0 : i32
        %dma_wait3A_38 = arith.constant 0 : i32
        %dma_wait3A_39 = tpu.memref_slice %arg8[%dma_wait3A, %dma_wait3A_38] : memref<10112x16xf32, #tpu.memory_space<vmem_shared>> -> memref<10112x16xf32, #tpu.memory_space<vmem_shared>>
        tpu.wait_indirect_dma semaphore(%run_scoped3A : memref<!tpu.dma_semaphore, #tpu.memory_space<semaphore_mem>>) src(%arg6 : memref<128x16xf32, #tpu.memory_space<vmem>>) dst(%dma_wait3A_39 : memref<10112x16xf32, #tpu.memory_space<vmem_shared>>)
        tpu.yield
      }) : () -> ()
    }
    %scan3A_15 = arith.constant 19 : i32
    %add3A_16 = arith.constant 2432 : i32
    %add3A_17 = arith.addi %add3A_4, %add3A_16 : i32
    "tpu.region"() ({
      %run_scoped3A = tpu.sem_alloc : memref<!tpu.dma_semaphore, #tpu.memory_space<semaphore_mem>>
      %dma_start3A = tpu.memref_slice %arg3[%add3A_17] : memref<160000xi32, #tpu.memory_space<hbm>> -> memref<8xi32, #tpu.memory_space<hbm>>
      %dma_start3A_25 = tpu.memref_slice %arg3[%add3A_17] : memref<160000xi32, #tpu.memory_space<hbm>> -> memref<8xi32, #tpu.memory_space<hbm>>
      tpu.enqueue_dma source(%dma_start3A_25 : memref<8xi32, #tpu.memory_space<hbm>>) target(%arg9 : memref<8xi32, #tpu.memory_space<vmem>>) target_semaphore(%run_scoped3A : memref<!tpu.dma_semaphore, #tpu.memory_space<semaphore_mem>>)
      %dma_wait3A = tpu.memref_slice %arg3[%add3A_17] : memref<160000xi32, #tpu.memory_space<hbm>> -> memref<8xi32, #tpu.memory_space<hbm>>
      %dma_wait3A_26 = tpu.memref_slice %arg3[%add3A_17] : memref<160000xi32, #tpu.memory_space<hbm>> -> memref<8xi32, #tpu.memory_space<hbm>>
      tpu.wait_dma2 semaphore(%run_scoped3A : memref<!tpu.dma_semaphore, #tpu.memory_space<semaphore_mem>>) src(%dma_wait3A_26 : memref<8xi32, #tpu.memory_space<hbm>>) dst(%arg9 : memref<8xi32, #tpu.memory_space<vmem>>)
      tpu.yield
    }) : () -> ()
    %add3A_18 = arith.constant 2432 : i32
    %add3A_19 = arith.addi %add3A, %add3A_18 : i32
    "tpu.region"() ({
      %run_scoped3A = tpu.sem_alloc : memref<!tpu.dma_semaphore, #tpu.memory_space<semaphore_mem>>
      %dma_start3A = arith.constant 0 : i32
      %dma_start3A_25 = tpu.memref_slice %arg2[%add3A_19, %dma_start3A] : memref<78080x128xf32, #tpu.memory_space<hbm>> -> memref<8x16xf32, #tpu.memory_space<hbm>>
      %dma_start3A_26 = arith.constant 0 : i32
      %dma_start3A_27 = tpu.memref_slice %arg2[%add3A_19, %dma_start3A_26] : memref<78080x128xf32, #tpu.memory_space<hbm>> -> memref<8x16xf32, #tpu.memory_space<hbm>>
      tpu.enqueue_dma source(%dma_start3A_27 : memref<8x16xf32, #tpu.memory_space<hbm>>) target(%arg10 : memref<8x16xf32, #tpu.memory_space<vmem>>) target_semaphore(%run_scoped3A : memref<!tpu.dma_semaphore, #tpu.memory_space<semaphore_mem>>)
      %dma_wait3A = arith.constant 0 : i32
      %dma_wait3A_28 = tpu.memref_slice %arg2[%add3A_19, %dma_wait3A] : memref<78080x128xf32, #tpu.memory_space<hbm>> -> memref<8x16xf32, #tpu.memory_space<hbm>>
      %dma_wait3A_29 = arith.constant 0 : i32
      %dma_wait3A_30 = tpu.memref_slice %arg2[%add3A_19, %dma_wait3A_29] : memref<78080x128xf32, #tpu.memory_space<hbm>> -> memref<8x16xf32, #tpu.memory_space<hbm>>
      tpu.wait_dma2 semaphore(%run_scoped3A : memref<!tpu.dma_semaphore, #tpu.memory_space<semaphore_mem>>) src(%dma_wait3A_30 : memref<8x16xf32, #tpu.memory_space<hbm>>) dst(%arg10 : memref<8x16xf32, #tpu.memory_space<vmem>>)
      tpu.yield
    }) : () -> ()
    "tpu.region"() ({
      %run_scoped3A = tpu.sem_alloc : memref<!tpu.dma_semaphore, #tpu.memory_space<semaphore_mem>>
      %dma_start3A = arith.constant 0 : i32
      %dma_start3A_25 = arith.constant 0 : i32
      %dma_start3A_26 = tpu.memref_slice %arg8[%dma_start3A, %dma_start3A_25] : memref<10112x16xf32, #tpu.memory_space<vmem_shared>> -> memref<10112x16xf32, #tpu.memory_space<vmem_shared>>
      tpu.enqueue_indirect_dma source(%arg10 : memref<8x16xf32, #tpu.memory_space<vmem>>) target(%dma_start3A_26 : memref<10112x16xf32, #tpu.memory_space<vmem_shared>>) offsets(%arg9 : memref<8xi32, #tpu.memory_space<vmem>>) semaphore(%run_scoped3A : memref<!tpu.dma_semaphore, #tpu.memory_space<semaphore_mem>>) {add = true}
      %dma_wait3A = arith.constant 0 : i32
      %dma_wait3A_27 = arith.constant 0 : i32
      %dma_wait3A_28 = tpu.memref_slice %arg8[%dma_wait3A, %dma_wait3A_27] : memref<10112x16xf32, #tpu.memory_space<vmem_shared>> -> memref<10112x16xf32, #tpu.memory_space<vmem_shared>>
      tpu.wait_indirect_dma semaphore(%run_scoped3A : memref<!tpu.dma_semaphore, #tpu.memory_space<semaphore_mem>>) src(%arg10 : memref<8x16xf32, #tpu.memory_space<vmem>>) dst(%dma_wait3A_28 : memref<10112x16xf32, #tpu.memory_space<vmem_shared>>)
      tpu.yield
    }) : () -> ()
    %barrier3A_20 = arith.constant 0 : index
    tpu.barrier barrier_id(%barrier3A_20)
    %mul3A_21 = arith.constant 632 : i32
    %mul3A_22 = arith.muli %arg1, %mul3A_21 : i32
    %mul3A_23 = arith.constant 632 : i32
    %mul3A_24 = arith.muli %arg1, %mul3A_23 : i32
    "tpu.region"() ({
      %run_scoped3A = tpu.sem_alloc : memref<!tpu.dma_semaphore, #tpu.memory_space<semaphore_mem>>
      %dma_start3A = arith.constant 0 : i32
      %dma_start3A_25 = tpu.memref_slice %arg4[%arg0, %mul3A_24, %dma_start3A] : memref<2x10112x128xf32, #tpu.memory_space<hbm>> -> memref<1x632x16xf32, #tpu.memory_space<hbm>>
      %dma_start3A_26 = tpu.memref_squeeze %dma_start3A_25 : memref<1x632x16xf32, #tpu.memory_space<hbm>> -> memref<632x16xf32, #tpu.memory_space<hbm>>
      %dma_start3A_27 = arith.constant 0 : i32
      %dma_start3A_28 = tpu.memref_slice %arg8[%mul3A_22, %dma_start3A_27] : memref<10112x16xf32, #tpu.memory_space<vmem_shared>> -> memref<632x16xf32, #tpu.memory_space<vmem_shared>>
      tpu.enqueue_dma source(%dma_start3A_28 : memref<632x16xf32, #tpu.memory_space<vmem_shared>>) target(%dma_start3A_26 : memref<632x16xf32, #tpu.memory_space<hbm>>) target_semaphore(%run_scoped3A : memref<!tpu.dma_semaphore, #tpu.memory_space<semaphore_mem>>)
      %dma_wait3A = arith.constant 0 : i32
      %dma_wait3A_29 = tpu.memref_slice %arg4[%arg0, %mul3A_24, %dma_wait3A] : memref<2x10112x128xf32, #tpu.memory_space<hbm>> -> memref<1x632x16xf32, #tpu.memory_space<hbm>>
      %dma_wait3A_30 = tpu.memref_squeeze %dma_wait3A_29 : memref<1x632x16xf32, #tpu.memory_space<hbm>> -> memref<632x16xf32, #tpu.memory_space<hbm>>
      %dma_wait3A_31 = arith.constant 0 : i32
      %dma_wait3A_32 = tpu.memref_slice %arg8[%mul3A_22, %dma_wait3A_31] : memref<10112x16xf32, #tpu.memory_space<vmem_shared>> -> memref<632x16xf32, #tpu.memory_space<vmem_shared>>
      tpu.wait_dma2 semaphore(%run_scoped3A : memref<!tpu.dma_semaphore, #tpu.memory_space<semaphore_mem>>) src(%dma_wait3A_32 : memref<632x16xf32, #tpu.memory_space<vmem_shared>>) dst(%dma_wait3A_30 : memref<632x16xf32, #tpu.memory_space<hbm>>)
      tpu.yield
    }) : () -> ()
    return
  }
}

#map = affine_map<(d0, d1) -> (0, 0)>
#map1 = affine_map<(d0, d1) -> (0)>
#map2 = affine_map<(d0, d1) -> (0, 0, 0)>
module attributes {stable_mosaic.version = 14 : i64} {
  func.func @k(%arg0: i32, %arg1: i32, %arg2: memref<81920x128xf32, #tpu.memory_space<hbm>>, %arg3: memref<160000xi32, #tpu.memory_space<hbm>>, %arg4: memref<2x10112x128xf32, #tpu.memory_space<hbm>>, %arg5: memref<128xi32, #tpu.memory_space<vmem>>, %arg6: memref<128x16xf32, #tpu.memory_space<vmem>>, %arg7: memref<632x16xf32, #tpu.memory_space<vmem>>, %arg8: memref<10112x16xf32, #tpu.memory_space<vmem_shared>>) attributes {dimension_semantics = [#tpu.dimension_semantics<core_parallel>, #tpu.dimension_semantics<subcore_parallel>], iteration_bounds = array<i64: 2, 16>, scalar_prefetch = 0 : i64, scratch_operands = 4 : i64, tpu.core_type = #tpu.core_type<sc_vector_subcore>, window_params = [{transform_indices = #map}, {transform_indices = #map1}, {transform_indices = #map2}]} {
    %mul3A = arith.constant 40960 : i32
    %mul3A_0 = arith.muli %arg0, %mul3A : i32
    %mul3A_1 = arith.constant 2560 : i32
    %mul3A_2 = arith.muli %arg1, %mul3A_1 : i32
    %add3A = arith.addi %mul3A_0, %mul3A_2 : i32
    %add3A_3 = arith.constant 0 : i32
    %add3A_4 = arith.addi %add3A_3, %add3A : i32
    %scan3A = arith.constant 0 : i32
    %scan3A_5 = arith.constant 632 : i32
    %scan3A_6 = arith.addi %scan3A, %scan3A_5 : i32
    %scan3A_7 = arith.constant 1 : i32
    scf.for %scan3A_21 = %scan3A to %scan3A_6 step %scan3A_7  : i32 {
      %mul3A_22 = arith.constant 1 : i32
      %mul3A_23 = arith.muli %scan3A_21, %mul3A_22 : i32
      %add3A_24 = arith.constant 0 : i32
      %add3A_25 = arith.addi %add3A_24, %mul3A_23 : i32
      %broadcast_in_dim3A = arith.constant 0.000000e+00 : f32
      %broadcast_in_dim3A_26 = vector.broadcast %broadcast_in_dim3A : f32 to vector<16xf32>
      %swap3A = arith.index_cast %add3A_25 : i32 to index
      %swap3A_27 = arith.constant 0 : index
      %swap3A_28 = tpu.vector_load %arg7[%swap3A, %swap3A_27] {strides = array<i32>} : memref<632x16xf32, #tpu.memory_space<vmem>>, vector<1x16xf32>,
      %swap3A_29 = vector.shape_cast %swap3A_28 : vector<1x16xf32> to vector<16xf32>
      %swap3A_30 = vector.shape_cast %broadcast_in_dim3A_26 : vector<16xf32> to vector<1x16xf32>
      tpu.vector_store %arg7[%swap3A, %swap3A_27], %swap3A_30 {strides = array<i32>} : memref<632x16xf32, #tpu.memory_space<vmem>>, vector<1x16xf32>,
    }
    %scan3A_8 = arith.constant 632 : i32
    %mul3A_9 = arith.constant 632 : i32
    %mul3A_10 = arith.muli %arg1, %mul3A_9 : i32
    "tpu.region"() ({
      %run_scoped3A = tpu.sem_alloc : memref<!tpu.dma_semaphore, #tpu.memory_space<semaphore_mem>>
      %dma_start3A = arith.constant 0 : i32
      %dma_start3A_21 = tpu.memref_slice %arg8[%mul3A_10, %dma_start3A] : memref<10112x16xf32, #tpu.memory_space<vmem_shared>> -> memref<632x16xf32, #tpu.memory_space<vmem_shared>>
      %dma_start3A_22 = arith.constant 0 : i32
      %dma_start3A_23 = tpu.memref_slice %arg8[%mul3A_10, %dma_start3A_22] : memref<10112x16xf32, #tpu.memory_space<vmem_shared>> -> memref<632x16xf32, #tpu.memory_space<vmem_shared>>
      tpu.enqueue_dma source(%arg7 : memref<632x16xf32, #tpu.memory_space<vmem>>) target(%dma_start3A_23 : memref<632x16xf32, #tpu.memory_space<vmem_shared>>) target_semaphore(%run_scoped3A : memref<!tpu.dma_semaphore, #tpu.memory_space<semaphore_mem>>)
      %dma_wait3A = arith.constant 0 : i32
      %dma_wait3A_24 = tpu.memref_slice %arg8[%mul3A_10, %dma_wait3A] : memref<10112x16xf32, #tpu.memory_space<vmem_shared>> -> memref<632x16xf32, #tpu.memory_space<vmem_shared>>
      %dma_wait3A_25 = arith.constant 0 : i32
      %dma_wait3A_26 = tpu.memref_slice %arg8[%mul3A_10, %dma_wait3A_25] : memref<10112x16xf32, #tpu.memory_space<vmem_shared>> -> memref<632x16xf32, #tpu.memory_space<vmem_shared>>
      tpu.wait_dma2 semaphore(%run_scoped3A : memref<!tpu.dma_semaphore, #tpu.memory_space<semaphore_mem>>) src(%arg7 : memref<632x16xf32, #tpu.memory_space<vmem>>) dst(%dma_wait3A_26 : memref<632x16xf32, #tpu.memory_space<vmem_shared>>)
      tpu.yield
    }) : () -> ()
    %barrier3A = arith.constant 0 : index
    tpu.barrier barrier_id(%barrier3A)
    %scan3A_11 = arith.constant 0 : i32
    %scan3A_12 = arith.constant 20 : i32
    %scan3A_13 = arith.addi %scan3A_11, %scan3A_12 : i32
    %scan3A_14 = arith.constant 1 : i32
    scf.for %scan3A_21 = %scan3A_11 to %scan3A_13 step %scan3A_14  : i32 {
      %mul3A_22 = arith.constant 1 : i32
      %mul3A_23 = arith.muli %scan3A_21, %mul3A_22 : i32
      %add3A_24 = arith.constant 0 : i32
      %add3A_25 = arith.addi %add3A_24, %mul3A_23 : i32
      %mul3A_26 = arith.constant 128 : i32
      %mul3A_27 = arith.muli %add3A_25, %mul3A_26 : i32
      %add3A_28 = arith.addi %add3A_4, %mul3A_27 : i32
      "tpu.region"() ({
        %run_scoped3A = tpu.sem_alloc : memref<!tpu.dma_semaphore, #tpu.memory_space<semaphore_mem>>
        %dma_start3A = tpu.memref_slice %arg3[%add3A_28] : memref<160000xi32, #tpu.memory_space<hbm>> -> memref<128xi32, #tpu.memory_space<hbm>>
        %dma_start3A_32 = tpu.memref_slice %arg3[%add3A_28] : memref<160000xi32, #tpu.memory_space<hbm>> -> memref<128xi32, #tpu.memory_space<hbm>>
        tpu.enqueue_dma source(%dma_start3A_32 : memref<128xi32, #tpu.memory_space<hbm>>) target(%arg5 : memref<128xi32, #tpu.memory_space<vmem>>) target_semaphore(%run_scoped3A : memref<!tpu.dma_semaphore, #tpu.memory_space<semaphore_mem>>)
        %dma_wait3A = tpu.memref_slice %arg3[%add3A_28] : memref<160000xi32, #tpu.memory_space<hbm>> -> memref<128xi32, #tpu.memory_space<hbm>>
        %dma_wait3A_33 = tpu.memref_slice %arg3[%add3A_28] : memref<160000xi32, #tpu.memory_space<hbm>> -> memref<128xi32, #tpu.memory_space<hbm>>
        tpu.wait_dma2 semaphore(%run_scoped3A : memref<!tpu.dma_semaphore, #tpu.memory_space<semaphore_mem>>) src(%dma_wait3A_33 : memref<128xi32, #tpu.memory_space<hbm>>) dst(%arg5 : memref<128xi32, #tpu.memory_space<vmem>>)
        tpu.yield
      }) : () -> ()
      %mul3A_29 = arith.constant 128 : i32
      %mul3A_30 = arith.muli %add3A_25, %mul3A_29 : i32
      %add3A_31 = arith.addi %add3A, %mul3A_30 : i32
      "tpu.region"() ({
        %run_scoped3A = tpu.sem_alloc : memref<!tpu.dma_semaphore, #tpu.memory_space<semaphore_mem>>
        %dma_start3A = arith.constant 0 : i32
        %dma_start3A_32 = tpu.memref_slice %arg2[%add3A_31, %dma_start3A] : memref<81920x128xf32, #tpu.memory_space<hbm>> -> memref<128x16xf32, #tpu.memory_space<hbm>>
        %dma_start3A_33 = arith.constant 0 : i32
        %dma_start3A_34 = tpu.memref_slice %arg2[%add3A_31, %dma_start3A_33] : memref<81920x128xf32, #tpu.memory_space<hbm>> -> memref<128x16xf32, #tpu.memory_space<hbm>>
        tpu.enqueue_dma source(%dma_start3A_34 : memref<128x16xf32, #tpu.memory_space<hbm>>) target(%arg6 : memref<128x16xf32, #tpu.memory_space<vmem>>) target_semaphore(%run_scoped3A : memref<!tpu.dma_semaphore, #tpu.memory_space<semaphore_mem>>)
        %dma_wait3A = arith.constant 0 : i32
        %dma_wait3A_35 = tpu.memref_slice %arg2[%add3A_31, %dma_wait3A] : memref<81920x128xf32, #tpu.memory_space<hbm>> -> memref<128x16xf32, #tpu.memory_space<hbm>>
        %dma_wait3A_36 = arith.constant 0 : i32
        %dma_wait3A_37 = tpu.memref_slice %arg2[%add3A_31, %dma_wait3A_36] : memref<81920x128xf32, #tpu.memory_space<hbm>> -> memref<128x16xf32, #tpu.memory_space<hbm>>
        tpu.wait_dma2 semaphore(%run_scoped3A : memref<!tpu.dma_semaphore, #tpu.memory_space<semaphore_mem>>) src(%dma_wait3A_37 : memref<128x16xf32, #tpu.memory_space<hbm>>) dst(%arg6 : memref<128x16xf32, #tpu.memory_space<vmem>>)
        tpu.yield
      }) : () -> ()
      "tpu.region"() ({
        %run_scoped3A = tpu.sem_alloc : memref<!tpu.dma_semaphore, #tpu.memory_space<semaphore_mem>>
        %dma_start3A = arith.constant 0 : i32
        %dma_start3A_32 = arith.constant 0 : i32
        %dma_start3A_33 = tpu.memref_slice %arg8[%dma_start3A, %dma_start3A_32] : memref<10112x16xf32, #tpu.memory_space<vmem_shared>> -> memref<10112x16xf32, #tpu.memory_space<vmem_shared>>
        tpu.enqueue_indirect_dma source(%arg6 : memref<128x16xf32, #tpu.memory_space<vmem>>) target(%dma_start3A_33 : memref<10112x16xf32, #tpu.memory_space<vmem_shared>>) offsets(%arg5 : memref<128xi32, #tpu.memory_space<vmem>>) semaphore(%run_scoped3A : memref<!tpu.dma_semaphore, #tpu.memory_space<semaphore_mem>>) {add = true}
        %dma_wait3A = arith.constant 0 : i32
        %dma_wait3A_34 = arith.constant 0 : i32
        %dma_wait3A_35 = tpu.memref_slice %arg8[%dma_wait3A, %dma_wait3A_34] : memref<10112x16xf32, #tpu.memory_space<vmem_shared>> -> memref<10112x16xf32, #tpu.memory_space<vmem_shared>>
        tpu.wait_indirect_dma semaphore(%run_scoped3A : memref<!tpu.dma_semaphore, #tpu.memory_space<semaphore_mem>>) src(%arg6 : memref<128x16xf32, #tpu.memory_space<vmem>>) dst(%dma_wait3A_35 : memref<10112x16xf32, #tpu.memory_space<vmem_shared>>)
        tpu.yield
      }) : () -> ()
    }
    %scan3A_15 = arith.constant 20 : i32
    %barrier3A_16 = arith.constant 0 : index
    tpu.barrier barrier_id(%barrier3A_16)
    %mul3A_17 = arith.constant 632 : i32
    %mul3A_18 = arith.muli %arg1, %mul3A_17 : i32
    %mul3A_19 = arith.constant 632 : i32
    %mul3A_20 = arith.muli %arg1, %mul3A_19 : i32
    "tpu.region"() ({
      %run_scoped3A = tpu.sem_alloc : memref<!tpu.dma_semaphore, #tpu.memory_space<semaphore_mem>>
      %dma_start3A = arith.constant 0 : i32
      %dma_start3A_21 = tpu.memref_slice %arg4[%arg0, %mul3A_20, %dma_start3A] : memref<2x10112x128xf32, #tpu.memory_space<hbm>> -> memref<1x632x16xf32, #tpu.memory_space<hbm>>
      %dma_start3A_22 = tpu.memref_squeeze %dma_start3A_21 : memref<1x632x16xf32, #tpu.memory_space<hbm>> -> memref<632x16xf32, #tpu.memory_space<hbm>>
      %dma_start3A_23 = arith.constant 0 : i32
      %dma_start3A_24 = tpu.memref_slice %arg8[%mul3A_18, %dma_start3A_23] : memref<10112x16xf32, #tpu.memory_space<vmem_shared>> -> memref<632x16xf32, #tpu.memory_space<vmem_shared>>
      tpu.enqueue_dma source(%dma_start3A_24 : memref<632x16xf32, #tpu.memory_space<vmem_shared>>) target(%dma_start3A_22 : memref<632x16xf32, #tpu.memory_space<hbm>>) target_semaphore(%run_scoped3A : memref<!tpu.dma_semaphore, #tpu.memory_space<semaphore_mem>>)
      %dma_wait3A = arith.constant 0 : i32
      %dma_wait3A_25 = tpu.memref_slice %arg4[%arg0, %mul3A_20, %dma_wait3A] : memref<2x10112x128xf32, #tpu.memory_space<hbm>> -> memref<1x632x16xf32, #tpu.memory_space<hbm>>
      %dma_wait3A_26 = tpu.memref_squeeze %dma_wait3A_25 : memref<1x632x16xf32, #tpu.memory_space<hbm>> -> memref<632x16xf32, #tpu.memory_space<hbm>>
      %dma_wait3A_27 = arith.constant 0 : i32
      %dma_wait3A_28 = tpu.memref_slice %arg8[%mul3A_18, %dma_wait3A_27] : memref<10112x16xf32, #tpu.memory_space<vmem_shared>> -> memref<632x16xf32, #tpu.memory_space<vmem_shared>>
      tpu.wait_dma2 semaphore(%run_scoped3A : memref<!tpu.dma_semaphore, #tpu.memory_space<semaphore_mem>>) src(%dma_wait3A_28 : memref<632x16xf32, #tpu.memory_space<vmem_shared>>) dst(%dma_wait3A_26 : memref<632x16xf32, #tpu.memory_space<hbm>>)
      tpu.yield
    }) : () -> ()
    return
  }
}

#map = affine_map<(d0, d1) -> (0, 0)>
module attributes {stable_mosaic.version = 14 : i64} {
  func.func @k(%arg0: i32, %arg1: i32, %arg2: memref<10000x128xf32, #tpu.memory_space<hbm>>, %arg3: memref<1x160000xi32, #tpu.memory_space<hbm>>, %arg4: memref<78080x128xf32, #tpu.memory_space<hbm>>) attributes {dimension_semantics = [#tpu.dimension_semantics<core_parallel>, #tpu.dimension_semantics<subcore_parallel>], iteration_bounds = array<i64: 2, 16>, scalar_prefetch = 0 : i64, scratch_operands = 0 : i64, tpu.core_type = #tpu.core_type<sc_vector_subcore>, window_params = [{transform_indices = #map}, {transform_indices = #map}, {transform_indices = #map}]} {
    %mul3A = arith.constant 1 : i32
    %mul3A_0 = arith.muli %arg1, %mul3A : i32
    %add3A = arith.constant 0 : i32
    %add3A_1 = arith.addi %add3A, %mul3A_0 : i32
    %mul3A_2 = arith.constant 16 : i32
    %mul3A_3 = arith.muli %arg0, %mul3A_2 : i32
    %add3A_4 = arith.addi %add3A_1, %mul3A_3 : i32
    %lt3A = arith.constant 2 : i32
    %lt3A_5 = arith.cmpi slt, %add3A_4, %lt3A : i32
    %jit3A = arith.constant 20 : i32
    %jit3A_6 = arith.constant 19 : i32
    %select_n3A = arith.select %lt3A_5, %jit3A, %jit3A_6 : i32
    %lt3A_7 = arith.constant 2 : i32
    %lt3A_8 = arith.cmpi slt, %add3A_4, %lt3A_7 : i32
    %mul3A_9 = arith.muli %add3A_4, %select_n3A : i32
    %mul3A_10 = arith.constant 19 : i32
    %mul3A_11 = arith.muli %add3A_4, %mul3A_10 : i32
    %add3A_12 = arith.constant 2 : i32
    %add3A_13 = arith.addi %mul3A_11, %add3A_12 : i32
    %select_n3A_14 = arith.select %lt3A_8, %mul3A_9, %add3A_13 : i32
    %mul3A_15 = arith.constant 1 : i32
    %mul3A_16 = arith.muli %mul3A_15, %select_n3A : i32
    "tpu.region"() ({
      %run_scoped3A = memref.alloca() : memref<2x1x128xi32, #tpu.memory_space<vmem>>
      %run_scoped3A_17 = tpu.sem_alloc : memref<2x!tpu.dma_semaphore, #tpu.memory_space<semaphore_mem>>
      %run_scoped3A_18 = memref.alloca() : memref<2x128x128xf32, #tpu.memory_space<vmem>>
      %run_scoped3A_19 = tpu.sem_alloc : memref<2x!tpu.dma_semaphore, #tpu.memory_space<semaphore_mem>>
      %gt3A = arith.constant 0 : i32
      %gt3A_20 = arith.cmpi sgt, %mul3A_16, %gt3A : i32
      %convert_element_type3A = arith.extui %gt3A_20 : i1 to i32
      %cond3A = arith.constant 0 : i32
      %cond3A_21 = arith.cmpi ne, %convert_element_type3A, %cond3A : i32
      scf.if %cond3A_21 {
        %mul3A_22 = arith.constant 1 : i32
        %mul3A_23 = arith.muli %mul3A_22, %select_n3A : i32
        %sub3A = arith.constant 1 : i32
        %sub3A_24 = arith.subi %mul3A_23, %sub3A : i32
        %eq3A = arith.constant 0 : i32
        %eq3A_25 = arith.cmpi eq, %sub3A_24, %eq3A : i32
        %add3A_26 = arith.constant 0 : i32
        %add3A_27 = arith.addi %add3A_26, %select_n3A_14 : i32
        %select_n3A_28 = arith.constant true
        %select_n3A_29 = arith.constant 0 : i32
        %select_n3A_30 = arith.constant -1 : i32
        %select_n3A_31 = arith.select %select_n3A_28, %select_n3A_30, %select_n3A_29 : i32
        %eq3A_32 = arith.constant -1 : i32
        %eq3A_33 = arith.cmpi eq, %select_n3A_31, %eq3A_32 : i32
        %sub3A_34 = arith.constant 1 : i32
        %sub3A_35 = arith.subi %select_n3A, %sub3A_34 : i32
        %select_n3A_36 = arith.select %eq3A_33, %sub3A_35, %select_n3A_31 : i32
        %add3A_37 = arith.addi %select_n3A_36, %select_n3A_14 : i32
        %select_n3A_38 = arith.constant true
        %select_n3A_39 = arith.constant 0 : i32
        %select_n3A_40 = arith.constant 1 : i32
        %select_n3A_41 = arith.select %select_n3A_38, %select_n3A_40, %select_n3A_39 : i32
        %eq3A_42 = arith.cmpi eq, %select_n3A_41, %select_n3A : i32
        %select_n3A_43 = arith.constant 0 : i32
        %select_n3A_44 = arith.select %eq3A_42, %select_n3A_43, %select_n3A_41 : i32
        %add3A_45 = arith.addi %select_n3A_44, %select_n3A_14 : i32
        %add3A_46 = arith.constant 1 : i32
        %add3A_47 = arith.addi %select_n3A_44, %add3A_46 : i32
        %select_n3A_48 = arith.constant true
        %select_n3A_49 = arith.select %select_n3A_48, %add3A_47, %select_n3A_44 : i32
        %eq3A_50 = arith.cmpi eq, %select_n3A_49, %select_n3A : i32
        %select_n3A_51 = arith.constant 0 : i32
        %select_n3A_52 = arith.select %eq3A_50, %select_n3A_51, %select_n3A_49 : i32
        %add3A_53 = arith.addi %select_n3A_52, %select_n3A_14 : i32
        "tpu.trace_start"() <{level = 10 : i32, message = "ep_initialize_0"}> : () -> ()
        %rem3A = arith.constant 0 : i32
        %rem3A_54 = arith.constant 2 : i32
        %rem3A_55 = arith.remui %rem3A, %rem3A_54 : i32
        %add3A_56 = arith.constant 640 : i32
        %add3A_57 = arith.addi %add3A_27, %add3A_56 : i32
        %mul3A_58 = arith.constant 128 : i32
        %mul3A_59 = arith.muli %mul3A_58, %add3A_57 : i32
        %dma_start3A = arith.constant 0 : i32
        %dma_start3A_60 = arith.constant 0 : i32
        %dma_start3A_61 = tpu.memref_slice %run_scoped3A[%rem3A_55, %dma_start3A, %dma_start3A_60] : memref<2x1x128xi32, #tpu.memory_space<vmem>> -> memref<1x1x128xi32, #tpu.memory_space<vmem>>
        %dma_start3A_62 = tpu.memref_squeeze %dma_start3A_61 : memref<1x1x128xi32, #tpu.memory_space<vmem>> -> memref<1x128xi32, #tpu.memory_space<vmem>>
        %dma_start3A_63 = arith.constant 0 : i32
        %dma_start3A_64 = tpu.memref_slice %arg3[%dma_start3A_63, %mul3A_59] : memref<1x160000xi32, #tpu.memory_space<hbm>> -> memref<1x128xi32, #tpu.memory_space<hbm>>
        %dma_start3A_65 = tpu.memref_slice %run_scoped3A_17[%rem3A_55] : memref<2x!tpu.dma_semaphore, #tpu.memory_space<semaphore_mem>> -> memref<1x!tpu.dma_semaphore, #tpu.memory_space<semaphore_mem>>
        %dma_start3A_66 = tpu.memref_squeeze %dma_start3A_65 : memref<1x!tpu.dma_semaphore, #tpu.memory_space<semaphore_mem>> -> memref<!tpu.dma_semaphore, #tpu.memory_space<semaphore_mem>>
        %dma_start3A_67 = arith.constant 0 : i32
        %dma_start3A_68 = arith.constant 0 : i32
        %dma_start3A_69 = tpu.memref_slice %run_scoped3A[%rem3A_55, %dma_start3A_67, %dma_start3A_68] : memref<2x1x128xi32, #tpu.memory_space<vmem>> -> memref<1x1x128xi32, #tpu.memory_space<vmem>>
        %dma_start3A_70 = tpu.memref_squeeze %dma_start3A_69 : memref<1x1x128xi32, #tpu.memory_space<vmem>> -> memref<1x128xi32, #tpu.memory_space<vmem>>
        %dma_start3A_71 = arith.constant 0 : i32
        %dma_start3A_72 = tpu.memref_slice %arg3[%dma_start3A_71, %mul3A_59] : memref<1x160000xi32, #tpu.memory_space<hbm>> -> memref<1x128xi32, #tpu.memory_space<hbm>>
        tpu.enqueue_dma source(%dma_start3A_72 : memref<1x128xi32, #tpu.memory_space<hbm>>) target(%dma_start3A_70 : memref<1x128xi32, #tpu.memory_space<vmem>>) target_semaphore(%dma_start3A_66 : memref<!tpu.dma_semaphore, #tpu.memory_space<semaphore_mem>>)
        %add3A_73 = arith.constant 0 : i32
        %add3A_74 = arith.constant 1 : i32
        %add3A_75 = arith.addi %add3A_73, %add3A_74 : i32
        %select_n3A_76 = arith.constant true
        %select_n3A_77 = arith.constant 0 : i32
        %select_n3A_78 = arith.select %select_n3A_76, %add3A_75, %select_n3A_77 : i32
        %while3A = arith.constant 0 : i32
        %while3A_79 = arith.constant 0 : i32
        %while3A_80 = arith.constant 0 : i32
        %while3A_81 = arith.constant 0 : i32
        %while3A_82 = arith.constant 0 : i32
        "tpu.trace_stop"() : () -> ()
        %while3A_83 = arith.subi %mul3A_16, %while3A : i32
        %while3A_84 = arith.addi %while3A, %while3A_83 : i32
        %while3A_85 = arith.constant 1 : i32
        %while3A_86 = arith.divsi %while3A_83, %while3A_85 : i32
        %while3A_87 = arith.muli %while3A_86, %while3A_85 : i32
        %while3A_88 = arith.addi %while3A, %while3A_87 : i32
        %while3A_89 = arith.constant 1 : i32
        %while3A_90:5 = scf.for %while3A_144 = %while3A to %while3A_88 step %while3A_89 iter_args(%while3A_145 = %select_n3A_78, %while3A_146 = %while3A_79, %while3A_147 = %while3A_80, %while3A_148 = %while3A_81, %while3A_149 = %while3A_82) -> (i32, i32, i32, i32, i32)  : i32 {
          %mul3A_150 = arith.constant 1 : i32
          %mul3A_151 = arith.muli %mul3A_150, %select_n3A : i32
          %eq3A_152 = arith.constant 0 : i32
          %eq3A_153 = arith.cmpi eq, %while3A_144, %eq3A_152 : i32
          %sub3A_154 = arith.constant 1 : i32
          %sub3A_155 = arith.subi %mul3A_151, %sub3A_154 : i32
          %eq3A_156 = arith.cmpi eq, %while3A_144, %sub3A_155 : i32
          %add3A_157 = arith.addi %while3A_149, %select_n3A_14 : i32
          %sub3A_158 = arith.constant 1 : i32
          %sub3A_159 = arith.subi %while3A_149, %sub3A_158 : i32
          %select_n3A_160 = arith.constant true
          %select_n3A_161 = arith.select %select_n3A_160, %sub3A_159, %while3A_149 : i32
          %eq3A_162 = arith.constant -1 : i32
          %eq3A_163 = arith.cmpi eq, %select_n3A_161, %eq3A_162 : i32
          %sub3A_164 = arith.constant 1 : i32
          %sub3A_165 = arith.subi %select_n3A, %sub3A_164 : i32
          %select_n3A_166 = arith.select %eq3A_163, %sub3A_165, %select_n3A_161 : i32
          %add3A_167 = arith.addi %select_n3A_166, %select_n3A_14 : i32
          %add3A_168 = arith.constant 1 : i32
          %add3A_169 = arith.addi %while3A_149, %add3A_168 : i32
          %select_n3A_170 = arith.constant true
          %select_n3A_171 = arith.select %select_n3A_170, %add3A_169, %while3A_149 : i32
          %eq3A_172 = arith.cmpi eq, %select_n3A_171, %select_n3A : i32
          %select_n3A_173 = arith.constant 0 : i32
          %select_n3A_174 = arith.select %eq3A_172, %select_n3A_173, %select_n3A_171 : i32
          %add3A_175 = arith.addi %select_n3A_174, %select_n3A_14 : i32
          %add3A_176 = arith.constant 1 : i32
          %add3A_177 = arith.addi %select_n3A_174, %add3A_176 : i32
          %select_n3A_178 = arith.constant true
          %select_n3A_179 = arith.select %select_n3A_178, %add3A_177, %select_n3A_174 : i32
          %eq3A_180 = arith.cmpi eq, %select_n3A_179, %select_n3A : i32
          %select_n3A_181 = arith.constant 0 : i32
          %select_n3A_182 = arith.select %eq3A_180, %select_n3A_181, %select_n3A_179 : i32
          %add3A_183 = arith.addi %select_n3A_182, %select_n3A_14 : i32
          %add3A_184 = arith.constant 640 : i32
          %add3A_185 = arith.addi %add3A_157, %add3A_184 : i32
          %add3A_186 = arith.constant 640 : i32
          %add3A_187 = arith.addi %add3A_175, %add3A_186 : i32
          %ne3A = arith.cmpi ne, %add3A_185, %add3A_187 : i32
          %or3A = arith.constant false
          %or3A_188 = arith.ori %or3A, %ne3A : i1
          %sub3A_189 = arith.constant 2 : i32
          %sub3A_190 = arith.subi %mul3A_151, %sub3A_189 : i32
          %add3A_191 = arith.constant 1 : i32
          %add3A_192 = arith.addi %sub3A_190, %add3A_191 : i32
          %ge3A = arith.cmpi sge, %while3A_144, %add3A_192 : i32
          %not3A = arith.constant true
          %not3A_193 = arith.xori %ge3A, %not3A : i1
          %and3A = arith.andi %or3A_188, %not3A_193 : i1
          %convert_element_type3A_194 = arith.extui %and3A : i1 to i32
          %cond3A_195 = arith.constant 0 : i32
          %cond3A_196 = arith.cmpi ne, %convert_element_type3A_194, %cond3A_195 : i32
          scf.if %cond3A_196 {
            "tpu.trace_start"() <{level = 10 : i32, message = "ep_copy_in"}> : () -> ()
            %rem3A_316 = arith.constant 2 : i32
            %rem3A_317 = arith.remui %while3A_145, %rem3A_316 : i32
            %add3A_318 = arith.constant 640 : i32
            %add3A_319 = arith.addi %add3A_175, %add3A_318 : i32
            %mul3A_320 = arith.constant 128 : i32
            %mul3A_321 = arith.muli %mul3A_320, %add3A_319 : i32
            %dma_start3A_322 = arith.constant 0 : i32
            %dma_start3A_323 = arith.constant 0 : i32
            %dma_start3A_324 = tpu.memref_slice %run_scoped3A[%rem3A_317, %dma_start3A_322, %dma_start3A_323] : memref<2x1x128xi32, #tpu.memory_space<vmem>> -> memref<1x1x128xi32, #tpu.memory_space<vmem>>
            %dma_start3A_325 = tpu.memref_squeeze %dma_start3A_324 : memref<1x1x128xi32, #tpu.memory_space<vmem>> -> memref<1x128xi32, #tpu.memory_space<vmem>>
            %dma_start3A_326 = arith.constant 0 : i32
            %dma_start3A_327 = tpu.memref_slice %arg3[%dma_start3A_326, %mul3A_321] : memref<1x160000xi32, #tpu.memory_space<hbm>> -> memref<1x128xi32, #tpu.memory_space<hbm>>
            %dma_start3A_328 = tpu.memref_slice %run_scoped3A_17[%rem3A_317] : memref<2x!tpu.dma_semaphore, #tpu.memory_space<semaphore_mem>> -> memref<1x!tpu.dma_semaphore, #tpu.memory_space<semaphore_mem>>
            %dma_start3A_329 = tpu.memref_squeeze %dma_start3A_328 : memref<1x!tpu.dma_semaphore, #tpu.memory_space<semaphore_mem>> -> memref<!tpu.dma_semaphore, #tpu.memory_space<semaphore_mem>>
            %dma_start3A_330 = arith.constant 0 : i32
            %dma_start3A_331 = arith.constant 0 : i32
            %dma_start3A_332 = tpu.memref_slice %run_scoped3A[%rem3A_317, %dma_start3A_330, %dma_start3A_331] : memref<2x1x128xi32, #tpu.memory_space<vmem>> -> memref<1x1x128xi32, #tpu.memory_space<vmem>>
            %dma_start3A_333 = tpu.memref_squeeze %dma_start3A_332 : memref<1x1x128xi32, #tpu.memory_space<vmem>> -> memref<1x128xi32, #tpu.memory_space<vmem>>
            %dma_start3A_334 = arith.constant 0 : i32
            %dma_start3A_335 = tpu.memref_slice %arg3[%dma_start3A_334, %mul3A_321] : memref<1x160000xi32, #tpu.memory_space<hbm>> -> memref<1x128xi32, #tpu.memory_space<hbm>>
            tpu.enqueue_dma source(%dma_start3A_335 : memref<1x128xi32, #tpu.memory_space<hbm>>) target(%dma_start3A_333 : memref<1x128xi32, #tpu.memory_space<vmem>>) target_semaphore(%dma_start3A_329 : memref<!tpu.dma_semaphore, #tpu.memory_space<semaphore_mem>>)
            "tpu.trace_stop"() : () -> ()
          } else {
          }
          %and3A_197 = arith.constant true
          %and3A_198 = arith.andi %and3A, %and3A_197 : i1
          %add3A_199 = arith.constant 1 : i32
          %add3A_200 = arith.addi %while3A_145, %add3A_199 : i32
          %select_n3A_201 = arith.select %and3A_198, %add3A_200, %while3A_145 : i32
          %ne3A_202 = arith.cmpi ne, %add3A_157, %add3A_175 : i32
          %or3A_203 = arith.constant false
          %or3A_204 = arith.ori %or3A_203, %ne3A_202 : i1
          %or3A_205 = arith.constant false
          %or3A_206 = arith.ori %or3A_204, %or3A_205 : i1
          %sub3A_207 = arith.constant 2 : i32
          %sub3A_208 = arith.subi %mul3A_151, %sub3A_207 : i32
          %add3A_209 = arith.constant 1 : i32
          %add3A_210 = arith.addi %sub3A_208, %add3A_209 : i32
          %ge3A_211 = arith.cmpi sge, %while3A_144, %add3A_210 : i32
          %not3A_212 = arith.constant true
          %not3A_213 = arith.xori %ge3A_211, %not3A_212 : i1
          %and3A_214 = arith.andi %or3A_206, %not3A_213 : i1
          %add3A_215 = arith.constant 640 : i32
          %add3A_216 = arith.addi %add3A_157, %add3A_215 : i32
          %add3A_217 = arith.constant 640 : i32
          %add3A_218 = arith.addi %add3A_167, %add3A_217 : i32
          %ne3A_219 = arith.cmpi ne, %add3A_216, %add3A_218 : i32
          %or3A_220 = arith.constant false
          %or3A_221 = arith.ori %or3A_220, %ne3A_219 : i1
          %or3A_222 = arith.ori %or3A_221, %eq3A_153 : i1
          %convert_element_type3A_223 = arith.extui %or3A_222 : i1 to i32
          %cond3A_224 = arith.constant 0 : i32
          %cond3A_225 = arith.cmpi ne, %convert_element_type3A_223, %cond3A_224 : i32
          scf.if %cond3A_225 {
            "tpu.trace_start"() <{level = 10 : i32, message = "ep_wait_in"}> : () -> ()
            %add3A_316 = arith.constant 640 : i32
            %add3A_317 = arith.addi %add3A_157, %add3A_316 : i32
            %mul3A_318 = arith.constant 128 : i32
            %mul3A_319 = arith.muli %mul3A_318, %add3A_317 : i32
            %rem3A_320 = arith.constant 2 : i32
            %rem3A_321 = arith.remui %while3A_146, %rem3A_320 : i32
            %dma_wait3A = arith.constant 0 : i32
            %dma_wait3A_322 = arith.constant 0 : i32
            %dma_wait3A_323 = tpu.memref_slice %run_scoped3A[%rem3A_321, %dma_wait3A, %dma_wait3A_322] : memref<2x1x128xi32, #tpu.memory_space<vmem>> -> memref<1x1x128xi32, #tpu.memory_space<vmem>>
            %dma_wait3A_324 = tpu.memref_squeeze %dma_wait3A_323 : memref<1x1x128xi32, #tpu.memory_space<vmem>> -> memref<1x128xi32, #tpu.memory_space<vmem>>
            %dma_wait3A_325 = arith.constant 0 : i32
            %dma_wait3A_326 = tpu.memref_slice %arg3[%dma_wait3A_325, %mul3A_319] : memref<1x160000xi32, #tpu.memory_space<hbm>> -> memref<1x128xi32, #tpu.memory_space<hbm>>
            %dma_wait3A_327 = tpu.memref_slice %run_scoped3A_17[%rem3A_321] : memref<2x!tpu.dma_semaphore, #tpu.memory_space<semaphore_mem>> -> memref<1x!tpu.dma_semaphore, #tpu.memory_space<semaphore_mem>>
            %dma_wait3A_328 = tpu.memref_squeeze %dma_wait3A_327 : memref<1x!tpu.dma_semaphore, #tpu.memory_space<semaphore_mem>> -> memref<!tpu.dma_semaphore, #tpu.memory_space<semaphore_mem>>
            %dma_wait3A_329 = arith.constant 0 : i32
            %dma_wait3A_330 = arith.constant 0 : i32
            %dma_wait3A_331 = tpu.memref_slice %run_scoped3A[%rem3A_321, %dma_wait3A_329, %dma_wait3A_330] : memref<2x1x128xi32, #tpu.memory_space<vmem>> -> memref<1x1x128xi32, #tpu.memory_space<vmem>>
            %dma_wait3A_332 = tpu.memref_squeeze %dma_wait3A_331 : memref<1x1x128xi32, #tpu.memory_space<vmem>> -> memref<1x128xi32, #tpu.memory_space<vmem>>
            %dma_wait3A_333 = arith.constant 0 : i32
            %dma_wait3A_334 = tpu.memref_slice %arg3[%dma_wait3A_333, %mul3A_319] : memref<1x160000xi32, #tpu.memory_space<hbm>> -> memref<1x128xi32, #tpu.memory_space<hbm>>
            tpu.wait_dma2 semaphore(%dma_wait3A_328 : memref<!tpu.dma_semaphore, #tpu.memory_space<semaphore_mem>>) src(%dma_wait3A_334 : memref<1x128xi32, #tpu.memory_space<hbm>>) dst(%dma_wait3A_332 : memref<1x128xi32, #tpu.memory_space<vmem>>)
            "tpu.trace_stop"() : () -> ()
          } else {
          }
          %ne3A_226 = arith.cmpi ne, %add3A_157, %add3A_167 : i32
          %or3A_227 = arith.constant false
          %or3A_228 = arith.ori %or3A_227, %ne3A_226 : i1
          %or3A_229 = arith.constant false
          %or3A_230 = arith.ori %or3A_228, %or3A_229 : i1
          %or3A_231 = arith.ori %or3A_230, %eq3A_153 : i1
          %convert_element_type3A_232 = arith.extui %or3A_231 : i1 to i32
          %cond3A_233 = arith.constant 0 : i32
          %cond3A_234 = arith.cmpi ne, %convert_element_type3A_232, %cond3A_233 : i32
          scf.if %cond3A_234 {
          } else {
          }
          %rem3A_235 = arith.constant 2 : i32
          %rem3A_236 = arith.remui %while3A_146, %rem3A_235 : i32
          %rem3A_237 = arith.constant 2 : i32
          %rem3A_238 = arith.remui %while3A_147, %rem3A_237 : i32
          %run_scoped3A_239 = arith.constant 0 : i32
          "tpu.trace_start"() <{level = 10 : i32, message = "ep_run_kernel"}> : () -> ()
          "tpu.region"() ({
            %run_scoped3A_316 = tpu.sem_alloc : memref<!tpu.dma_semaphore, #tpu.memory_space<semaphore_mem>>
            %dma_start3A_317 = arith.constant 0 : i32
            %dma_start3A_318 = arith.constant 0 : i32
            %dma_start3A_319 = tpu.memref_slice %run_scoped3A_18[%rem3A_238, %dma_start3A_317, %dma_start3A_318] : memref<2x128x128xf32, #tpu.memory_space<vmem>> -> memref<1x128x128xf32, #tpu.memory_space<vmem>>
            %dma_start3A_320 = tpu.memref_squeeze %dma_start3A_319 : memref<1x128x128xf32, #tpu.memory_space<vmem>> -> memref<128x128xf32, #tpu.memory_space<vmem>>
            %dma_start3A_321 = arith.constant 0 : i32
            %dma_start3A_322 = arith.constant 0 : i32
            %dma_start3A_323 = tpu.memref_slice %run_scoped3A[%rem3A_236, %dma_start3A_321, %dma_start3A_322] : memref<2x1x128xi32, #tpu.memory_space<vmem>> -> memref<1x1x128xi32, #tpu.memory_space<vmem>>
            %dma_start3A_324 = tpu.memref_squeeze %dma_start3A_323 : memref<1x1x128xi32, #tpu.memory_space<vmem>> -> memref<1x128xi32, #tpu.memory_space<vmem>>
            %dma_start3A_325 = arith.constant 0 : i32
            %dma_start3A_326 = tpu.memref_slice %dma_start3A_324[%run_scoped3A_239, %dma_start3A_325] : memref<1x128xi32, #tpu.memory_space<vmem>> -> memref<1x128xi32, #tpu.memory_space<vmem>>
            %dma_start3A_327 = tpu.memref_squeeze %dma_start3A_326 : memref<1x128xi32, #tpu.memory_space<vmem>> -> memref<128xi32, #tpu.memory_space<vmem>>
            %dma_start3A_328 = arith.constant 0 : i32
            %dma_start3A_329 = arith.constant 0 : i32
            %dma_start3A_330 = tpu.memref_slice %arg2[%dma_start3A_328, %dma_start3A_329] : memref<10000x128xf32, #tpu.memory_space<hbm>> -> memref<10000x128xf32, #tpu.memory_space<hbm>>
            tpu.enqueue_indirect_dma source(%dma_start3A_330 : memref<10000x128xf32, #tpu.memory_space<hbm>>) target(%dma_start3A_320 : memref<128x128xf32, #tpu.memory_space<vmem>>) offsets(%dma_start3A_327 : memref<128xi32, #tpu.memory_space<vmem>>) semaphore(%run_scoped3A_316 : memref<!tpu.dma_semaphore, #tpu.memory_space<semaphore_mem>>)
            %dma_wait3A = arith.constant 0 : i32
            %dma_wait3A_331 = arith.constant 0 : i32
            %dma_wait3A_332 = tpu.memref_slice %run_scoped3A_18[%rem3A_238, %dma_wait3A, %dma_wait3A_331] : memref<2x128x128xf32, #tpu.memory_space<vmem>> -> memref<1x128x128xf32, #tpu.memory_space<vmem>>
            %dma_wait3A_333 = tpu.memref_squeeze %dma_wait3A_332 : memref<1x128x128xf32, #tpu.memory_space<vmem>> -> memref<128x128xf32, #tpu.memory_space<vmem>>
            %dma_wait3A_334 = arith.constant 0 : i32
            %dma_wait3A_335 = arith.constant 0 : i32
            %dma_wait3A_336 = tpu.memref_slice %run_scoped3A[%rem3A_236, %dma_wait3A_334, %dma_wait3A_335] : memref<2x1x128xi32, #tpu.memory_space<vmem>> -> memref<1x1x128xi32, #tpu.memory_space<vmem>>
            %dma_wait3A_337 = tpu.memref_squeeze %dma_wait3A_336 : memref<1x1x128xi32, #tpu.memory_space<vmem>> -> memref<1x128xi32, #tpu.memory_space<vmem>>
            %dma_wait3A_338 = arith.constant 0 : i32
            %dma_wait3A_339 = tpu.memref_slice %dma_wait3A_337[%run_scoped3A_239, %dma_wait3A_338] : memref<1x128xi32, #tpu.memory_space<vmem>> -> memref<1x128xi32, #tpu.memory_space<vmem>>
            %dma_wait3A_340 = tpu.memref_squeeze %dma_wait3A_339 : memref<1x128xi32, #tpu.memory_space<vmem>> -> memref<128xi32, #tpu.memory_space<vmem>>
            %dma_wait3A_341 = arith.constant 0 : i32
            %dma_wait3A_342 = arith.constant 0 : i32
            %dma_wait3A_343 = tpu.memref_slice %arg2[%dma_wait3A_341, %dma_wait3A_342] : memref<10000x128xf32, #tpu.memory_space<hbm>> -> memref<10000x128xf32, #tpu.memory_space<hbm>>
            tpu.wait_indirect_dma semaphore(%run_scoped3A_316 : memref<!tpu.dma_semaphore, #tpu.memory_space<semaphore_mem>>) src(%dma_wait3A_343 : memref<10000x128xf32, #tpu.memory_space<hbm>>) dst(%dma_wait3A_333 : memref<128x128xf32, #tpu.memory_space<vmem>>)
            tpu.yield
          }) : () -> ()
          "tpu.trace_stop"() : () -> ()
          %add3A_240 = arith.constant 640 : i32
          %add3A_241 = arith.addi %add3A_157, %add3A_240 : i32
          %add3A_242 = arith.constant 640 : i32
          %add3A_243 = arith.addi %add3A_175, %add3A_242 : i32
          %ne3A_244 = arith.cmpi ne, %add3A_241, %add3A_243 : i32
          %or3A_245 = arith.constant false
          %or3A_246 = arith.ori %or3A_245, %ne3A_244 : i1
          %or3A_247 = arith.ori %or3A_246, %eq3A_156 : i1
          %convert_element_type3A_248 = arith.extui %or3A_247 : i1 to i32
          %cond3A_249 = arith.constant 0 : i32
          %cond3A_250 = arith.cmpi ne, %convert_element_type3A_248, %cond3A_249 : i32
          scf.if %cond3A_250 {
          } else {
          }
          %and3A_251 = arith.constant false
          %and3A_252 = arith.andi %or3A_247, %and3A_251 : i1
          %ne3A_253 = arith.cmpi ne, %add3A_157, %add3A_175 : i32
          %or3A_254 = arith.constant false
          %or3A_255 = arith.ori %or3A_254, %ne3A_253 : i1
          %or3A_256 = arith.constant false
          %or3A_257 = arith.ori %or3A_255, %or3A_256 : i1
          %or3A_258 = arith.ori %or3A_257, %eq3A_156 : i1
          %convert_element_type3A_259 = arith.extui %or3A_258 : i1 to i32
          %cond3A_260 = arith.constant 0 : i32
          %cond3A_261 = arith.cmpi ne, %convert_element_type3A_259, %cond3A_260 : i32
          scf.if %cond3A_261 {
            "tpu.trace_start"() <{level = 10 : i32, message = "ep_copy_out"}> : () -> ()
            %rem3A_316 = arith.constant 2 : i32
            %rem3A_317 = arith.remui %while3A_147, %rem3A_316 : i32
            %mul3A_318 = arith.constant 128 : i32
            %mul3A_319 = arith.muli %mul3A_318, %add3A_157 : i32
            %dma_start3A_320 = arith.constant 0 : i32
            %dma_start3A_321 = arith.constant 0 : i32
            %dma_start3A_322 = tpu.memref_slice %run_scoped3A_18[%rem3A_317, %dma_start3A_320, %dma_start3A_321] : memref<2x128x128xf32, #tpu.memory_space<vmem>> -> memref<1x128x128xf32, #tpu.memory_space<vmem>>
            %dma_start3A_323 = tpu.memref_squeeze %dma_start3A_322 : memref<1x128x128xf32, #tpu.memory_space<vmem>> -> memref<128x128xf32, #tpu.memory_space<vmem>>
            %dma_start3A_324 = arith.constant 0 : i32
            %dma_start3A_325 = tpu.memref_slice %arg4[%mul3A_319, %dma_start3A_324] : memref<78080x128xf32, #tpu.memory_space<hbm>> -> memref<128x128xf32, #tpu.memory_space<hbm>>
            %dma_start3A_326 = tpu.memref_slice %run_scoped3A_19[%rem3A_317] : memref<2x!tpu.dma_semaphore, #tpu.memory_space<semaphore_mem>> -> memref<1x!tpu.dma_semaphore, #tpu.memory_space<semaphore_mem>>
            %dma_start3A_327 = tpu.memref_squeeze %dma_start3A_326 : memref<1x!tpu.dma_semaphore, #tpu.memory_space<semaphore_mem>> -> memref<!tpu.dma_semaphore, #tpu.memory_space<semaphore_mem>>
            %dma_start3A_328 = arith.constant 0 : i32
            %dma_start3A_329 = tpu.memref_slice %arg4[%mul3A_319, %dma_start3A_328] : memref<78080x128xf32, #tpu.memory_space<hbm>> -> memref<128x128xf32, #tpu.memory_space<hbm>>
            %dma_start3A_330 = arith.constant 0 : i32
            %dma_start3A_331 = arith.constant 0 : i32
            %dma_start3A_332 = tpu.memref_slice %run_scoped3A_18[%rem3A_317, %dma_start3A_330, %dma_start3A_331] : memref<2x128x128xf32, #tpu.memory_space<vmem>> -> memref<1x128x128xf32, #tpu.memory_space<vmem>>
            %dma_start3A_333 = tpu.memref_squeeze %dma_start3A_332 : memref<1x128x128xf32, #tpu.memory_space<vmem>> -> memref<128x128xf32, #tpu.memory_space<vmem>>
            tpu.enqueue_dma source(%dma_start3A_333 : memref<128x128xf32, #tpu.memory_space<vmem>>) target(%dma_start3A_329 : memref<128x128xf32, #tpu.memory_space<hbm>>) target_semaphore(%dma_start3A_327 : memref<!tpu.dma_semaphore, #tpu.memory_space<semaphore_mem>>)
            "tpu.trace_stop"() : () -> ()
          } else {
          }
          %and3A_262 = arith.constant true
          %and3A_263 = arith.andi %or3A_258, %and3A_262 : i1
          %add3A_264 = arith.constant 1 : i32
          %add3A_265 = arith.addi %while3A_147, %add3A_264 : i32
          %select_n3A_266 = arith.select %and3A_263, %add3A_265, %while3A_147 : i32
          %add3A_267 = arith.constant 640 : i32
          %add3A_268 = arith.addi %add3A_157, %add3A_267 : i32
          %add3A_269 = arith.constant 640 : i32
          %add3A_270 = arith.addi %add3A_167, %add3A_269 : i32
          %ne3A_271 = arith.cmpi ne, %add3A_268, %add3A_270 : i32
          %or3A_272 = arith.constant false
          %or3A_273 = arith.ori %or3A_272, %ne3A_271 : i1
          %not3A_274 = arith.constant true
          %not3A_275 = arith.xori %eq3A_153, %not3A_274 : i1
          %and3A_276 = arith.andi %or3A_273, %not3A_275 : i1
          %convert_element_type3A_277 = arith.extui %and3A_276 : i1 to i32
          %cond3A_278 = arith.constant 0 : i32
          %cond3A_279 = arith.cmpi ne, %convert_element_type3A_277, %cond3A_278 : i32
          scf.if %cond3A_279 {
          } else {
          }
          %and3A_280 = arith.constant false
          %and3A_281 = arith.andi %and3A_276, %and3A_280 : i1
          %ne3A_282 = arith.cmpi ne, %add3A_157, %add3A_167 : i32
          %or3A_283 = arith.constant false
          %or3A_284 = arith.ori %or3A_283, %ne3A_282 : i1
          %or3A_285 = arith.constant false
          %or3A_286 = arith.ori %or3A_284, %or3A_285 : i1
          %not3A_287 = arith.constant true
          %not3A_288 = arith.xori %eq3A_153, %not3A_287 : i1
          %and3A_289 = arith.andi %or3A_286, %not3A_288 : i1
          %convert_element_type3A_290 = arith.extui %and3A_289 : i1 to i32
          %cond3A_291 = arith.constant 0 : i32
          %cond3A_292 = arith.cmpi ne, %convert_element_type3A_290, %cond3A_291 : i32
          scf.if %cond3A_292 {
            "tpu.trace_start"() <{level = 10 : i32, message = "ep_wait_out"}> : () -> ()
            %rem3A_316 = arith.constant 2 : i32
            %rem3A_317 = arith.remui %while3A_148, %rem3A_316 : i32
            %mul3A_318 = arith.constant 128 : i32
            %mul3A_319 = arith.muli %mul3A_318, %add3A_167 : i32
            %dma_wait3A = arith.constant 0 : i32
            %dma_wait3A_320 = arith.constant 0 : i32
            %dma_wait3A_321 = tpu.memref_slice %run_scoped3A_18[%rem3A_317, %dma_wait3A, %dma_wait3A_320] : memref<2x128x128xf32, #tpu.memory_space<vmem>> -> memref<1x128x128xf32, #tpu.memory_space<vmem>>
            %dma_wait3A_322 = tpu.memref_squeeze %dma_wait3A_321 : memref<1x128x128xf32, #tpu.memory_space<vmem>> -> memref<128x128xf32, #tpu.memory_space<vmem>>
            %dma_wait3A_323 = arith.constant 0 : i32
            %dma_wait3A_324 = tpu.memref_slice %arg4[%mul3A_319, %dma_wait3A_323] : memref<78080x128xf32, #tpu.memory_space<hbm>> -> memref<128x128xf32, #tpu.memory_space<hbm>>
            %dma_wait3A_325 = tpu.memref_slice %run_scoped3A_19[%rem3A_317] : memref<2x!tpu.dma_semaphore, #tpu.memory_space<semaphore_mem>> -> memref<1x!tpu.dma_semaphore, #tpu.memory_space<semaphore_mem>>
            %dma_wait3A_326 = tpu.memref_squeeze %dma_wait3A_325 : memref<1x!tpu.dma_semaphore, #tpu.memory_space<semaphore_mem>> -> memref<!tpu.dma_semaphore, #tpu.memory_space<semaphore_mem>>
            %dma_wait3A_327 = arith.constant 0 : i32
            %dma_wait3A_328 = tpu.memref_slice %arg4[%mul3A_319, %dma_wait3A_327] : memref<78080x128xf32, #tpu.memory_space<hbm>> -> memref<128x128xf32, #tpu.memory_space<hbm>>
            %dma_wait3A_329 = arith.constant 0 : i32
            %dma_wait3A_330 = arith.constant 0 : i32
            %dma_wait3A_331 = tpu.memref_slice %run_scoped3A_18[%rem3A_317, %dma_wait3A_329, %dma_wait3A_330] : memref<2x128x128xf32, #tpu.memory_space<vmem>> -> memref<1x128x128xf32, #tpu.memory_space<vmem>>
            %dma_wait3A_332 = tpu.memref_squeeze %dma_wait3A_331 : memref<1x128x128xf32, #tpu.memory_space<vmem>> -> memref<128x128xf32, #tpu.memory_space<vmem>>
            tpu.wait_dma2 semaphore(%dma_wait3A_326 : memref<!tpu.dma_semaphore, #tpu.memory_space<semaphore_mem>>) src(%dma_wait3A_332 : memref<128x128xf32, #tpu.memory_space<vmem>>) dst(%dma_wait3A_328 : memref<128x128xf32, #tpu.memory_space<hbm>>)
            "tpu.trace_stop"() : () -> ()
          } else {
          }
          %and3A_293 = arith.constant true
          %and3A_294 = arith.andi %and3A_289, %and3A_293 : i1
          %add3A_295 = arith.constant 1 : i32
          %add3A_296 = arith.addi %while3A_148, %add3A_295 : i32
          %select_n3A_297 = arith.select %and3A_294, %add3A_296, %while3A_148 : i32
          %add3A_298 = arith.constant 640 : i32
          %add3A_299 = arith.addi %add3A_157, %add3A_298 : i32
          %add3A_300 = arith.constant 640 : i32
          %add3A_301 = arith.addi %add3A_175, %add3A_300 : i32
          %ne3A_302 = arith.cmpi ne, %add3A_299, %add3A_301 : i32
          %or3A_303 = arith.constant false
          %or3A_304 = arith.ori %or3A_303, %ne3A_302 : i1
          %or3A_305 = arith.ori %or3A_304, %eq3A_156 : i1
          %add3A_306 = arith.constant 1 : i32
          %add3A_307 = arith.addi %while3A_146, %add3A_306 : i32
          %select_n3A_308 = arith.select %or3A_305, %add3A_307, %while3A_146 : i32
          %add3A_309 = arith.constant 1 : i32
          %add3A_310 = arith.addi %while3A_149, %add3A_309 : i32
          %select_n3A_311 = arith.constant true
          %select_n3A_312 = arith.select %select_n3A_311, %add3A_310, %while3A_149 : i32
          %eq3A_313 = arith.cmpi eq, %select_n3A_312, %select_n3A : i32
          %select_n3A_314 = arith.constant 0 : i32
          %select_n3A_315 = arith.select %eq3A_313, %select_n3A_314, %select_n3A_312 : i32
          scf.yield %select_n3A_201, %select_n3A_308, %select_n3A_266, %select_n3A_297, %select_n3A_315 : i32, i32, i32, i32, i32
        }
        %while3A_91 = arith.constant 1 : i32
        %while3A_92:5 = scf.for %while3A_144 = %while3A_88 to %while3A_84 step %while3A_91 iter_args(%while3A_145 = %while3A_90#0, %while3A_146 = %while3A_90#1, %while3A_147 = %while3A_90#2, %while3A_148 = %while3A_90#3, %while3A_149 = %while3A_90#4) -> (i32, i32, i32, i32, i32)  : i32 {
          %mul3A_150 = arith.constant 1 : i32
          %mul3A_151 = arith.muli %mul3A_150, %select_n3A : i32
          %eq3A_152 = arith.constant 0 : i32
          %eq3A_153 = arith.cmpi eq, %while3A_144, %eq3A_152 : i32
          %sub3A_154 = arith.constant 1 : i32
          %sub3A_155 = arith.subi %mul3A_151, %sub3A_154 : i32
          %eq3A_156 = arith.cmpi eq, %while3A_144, %sub3A_155 : i32
          %add3A_157 = arith.addi %while3A_149, %select_n3A_14 : i32
          %sub3A_158 = arith.constant 1 : i32
          %sub3A_159 = arith.subi %while3A_149, %sub3A_158 : i32
          %select_n3A_160 = arith.constant true
          %select_n3A_161 = arith.select %select_n3A_160, %sub3A_159, %while3A_149 : i32
          %eq3A_162 = arith.constant -1 : i32
          %eq3A_163 = arith.cmpi eq, %select_n3A_161, %eq3A_162 : i32
          %sub3A_164 = arith.constant 1 : i32
          %sub3A_165 = arith.subi %select_n3A, %sub3A_164 : i32
          %select_n3A_166 = arith.select %eq3A_163, %sub3A_165, %select_n3A_161 : i32
          %add3A_167 = arith.addi %select_n3A_166, %select_n3A_14 : i32
          %add3A_168 = arith.constant 1 : i32
          %add3A_169 = arith.addi %while3A_149, %add3A_168 : i32
          %select_n3A_170 = arith.constant true
          %select_n3A_171 = arith.select %select_n3A_170, %add3A_169, %while3A_149 : i32
          %eq3A_172 = arith.cmpi eq, %select_n3A_171, %select_n3A : i32
          %select_n3A_173 = arith.constant 0 : i32
          %select_n3A_174 = arith.select %eq3A_172, %select_n3A_173, %select_n3A_171 : i32
          %add3A_175 = arith.addi %select_n3A_174, %select_n3A_14 : i32
          %add3A_176 = arith.constant 1 : i32
          %add3A_177 = arith.addi %select_n3A_174, %add3A_176 : i32
          %select_n3A_178 = arith.constant true
          %select_n3A_179 = arith.select %select_n3A_178, %add3A_177, %select_n3A_174 : i32
          %eq3A_180 = arith.cmpi eq, %select_n3A_179, %select_n3A : i32
          %select_n3A_181 = arith.constant 0 : i32
          %select_n3A_182 = arith.select %eq3A_180, %select_n3A_181, %select_n3A_179 : i32
          %add3A_183 = arith.addi %select_n3A_182, %select_n3A_14 : i32
          %add3A_184 = arith.constant 640 : i32
          %add3A_185 = arith.addi %add3A_157, %add3A_184 : i32
          %add3A_186 = arith.constant 640 : i32
          %add3A_187 = arith.addi %add3A_175, %add3A_186 : i32
          %ne3A = arith.cmpi ne, %add3A_185, %add3A_187 : i32
          %or3A = arith.constant false
          %or3A_188 = arith.ori %or3A, %ne3A : i1
          %sub3A_189 = arith.constant 2 : i32
          %sub3A_190 = arith.subi %mul3A_151, %sub3A_189 : i32
          %add3A_191 = arith.constant 1 : i32
          %add3A_192 = arith.addi %sub3A_190, %add3A_191 : i32
          %ge3A = arith.cmpi sge, %while3A_144, %add3A_192 : i32
          %not3A = arith.constant true
          %not3A_193 = arith.xori %ge3A, %not3A : i1
          %and3A = arith.andi %or3A_188, %not3A_193 : i1
          %convert_element_type3A_194 = arith.extui %and3A : i1 to i32
          %cond3A_195 = arith.constant 0 : i32
          %cond3A_196 = arith.cmpi ne, %convert_element_type3A_194, %cond3A_195 : i32
          scf.if %cond3A_196 {
            "tpu.trace_start"() <{level = 10 : i32, message = "ep_copy_in"}> : () -> ()
            %rem3A_316 = arith.constant 2 : i32
            %rem3A_317 = arith.remui %while3A_145, %rem3A_316 : i32
            %add3A_318 = arith.constant 640 : i32
            %add3A_319 = arith.addi %add3A_175, %add3A_318 : i32
            %mul3A_320 = arith.constant 128 : i32
            %mul3A_321 = arith.muli %mul3A_320, %add3A_319 : i32
            %dma_start3A_322 = arith.constant 0 : i32
            %dma_start3A_323 = arith.constant 0 : i32
            %dma_start3A_324 = tpu.memref_slice %run_scoped3A[%rem3A_317, %dma_start3A_322, %dma_start3A_323] : memref<2x1x128xi32, #tpu.memory_space<vmem>> -> memref<1x1x128xi32, #tpu.memory_space<vmem>>
            %dma_start3A_325 = tpu.memref_squeeze %dma_start3A_324 : memref<1x1x128xi32, #tpu.memory_space<vmem>> -> memref<1x128xi32, #tpu.memory_space<vmem>>
            %dma_start3A_326 = arith.constant 0 : i32
            %dma_start3A_327 = tpu.memref_slice %arg3[%dma_start3A_326, %mul3A_321] : memref<1x160000xi32, #tpu.memory_space<hbm>> -> memref<1x128xi32, #tpu.memory_space<hbm>>
            %dma_start3A_328 = tpu.memref_slice %run_scoped3A_17[%rem3A_317] : memref<2x!tpu.dma_semaphore, #tpu.memory_space<semaphore_mem>> -> memref<1x!tpu.dma_semaphore, #tpu.memory_space<semaphore_mem>>
            %dma_start3A_329 = tpu.memref_squeeze %dma_start3A_328 : memref<1x!tpu.dma_semaphore, #tpu.memory_space<semaphore_mem>> -> memref<!tpu.dma_semaphore, #tpu.memory_space<semaphore_mem>>
            %dma_start3A_330 = arith.constant 0 : i32
            %dma_start3A_331 = arith.constant 0 : i32
            %dma_start3A_332 = tpu.memref_slice %run_scoped3A[%rem3A_317, %dma_start3A_330, %dma_start3A_331] : memref<2x1x128xi32, #tpu.memory_space<vmem>> -> memref<1x1x128xi32, #tpu.memory_space<vmem>>
            %dma_start3A_333 = tpu.memref_squeeze %dma_start3A_332 : memref<1x1x128xi32, #tpu.memory_space<vmem>> -> memref<1x128xi32, #tpu.memory_space<vmem>>
            %dma_start3A_334 = arith.constant 0 : i32
            %dma_start3A_335 = tpu.memref_slice %arg3[%dma_start3A_334, %mul3A_321] : memref<1x160000xi32, #tpu.memory_space<hbm>> -> memref<1x128xi32, #tpu.memory_space<hbm>>
            tpu.enqueue_dma source(%dma_start3A_335 : memref<1x128xi32, #tpu.memory_space<hbm>>) target(%dma_start3A_333 : memref<1x128xi32, #tpu.memory_space<vmem>>) target_semaphore(%dma_start3A_329 : memref<!tpu.dma_semaphore, #tpu.memory_space<semaphore_mem>>)
            "tpu.trace_stop"() : () -> ()
          } else {
          }
          %and3A_197 = arith.constant true
          %and3A_198 = arith.andi %and3A, %and3A_197 : i1
          %add3A_199 = arith.constant 1 : i32
          %add3A_200 = arith.addi %while3A_145, %add3A_199 : i32
          %select_n3A_201 = arith.select %and3A_198, %add3A_200, %while3A_145 : i32
          %ne3A_202 = arith.cmpi ne, %add3A_157, %add3A_175 : i32
          %or3A_203 = arith.constant false
          %or3A_204 = arith.ori %or3A_203, %ne3A_202 : i1
          %or3A_205 = arith.constant false
          %or3A_206 = arith.ori %or3A_204, %or3A_205 : i1
          %sub3A_207 = arith.constant 2 : i32
          %sub3A_208 = arith.subi %mul3A_151, %sub3A_207 : i32
          %add3A_209 = arith.constant 1 : i32
          %add3A_210 = arith.addi %sub3A_208, %add3A_209 : i32
          %ge3A_211 = arith.cmpi sge, %while3A_144, %add3A_210 : i32
          %not3A_212 = arith.constant true
          %not3A_213 = arith.xori %ge3A_211, %not3A_212 : i1
          %and3A_214 = arith.andi %or3A_206, %not3A_213 : i1
          %add3A_215 = arith.constant 640 : i32
          %add3A_216 = arith.addi %add3A_157, %add3A_215 : i32
          %add3A_217 = arith.constant 640 : i32
          %add3A_218 = arith.addi %add3A_167, %add3A_217 : i32
          %ne3A_219 = arith.cmpi ne, %add3A_216, %add3A_218 : i32
          %or3A_220 = arith.constant false
          %or3A_221 = arith.ori %or3A_220, %ne3A_219 : i1
          %or3A_222 = arith.ori %or3A_221, %eq3A_153 : i1
          %convert_element_type3A_223 = arith.extui %or3A_222 : i1 to i32
          %cond3A_224 = arith.constant 0 : i32
          %cond3A_225 = arith.cmpi ne, %convert_element_type3A_223, %cond3A_224 : i32
          scf.if %cond3A_225 {
            "tpu.trace_start"() <{level = 10 : i32, message = "ep_wait_in"}> : () -> ()
            %add3A_316 = arith.constant 640 : i32
            %add3A_317 = arith.addi %add3A_157, %add3A_316 : i32
            %mul3A_318 = arith.constant 128 : i32
            %mul3A_319 = arith.muli %mul3A_318, %add3A_317 : i32
            %rem3A_320 = arith.constant 2 : i32
            %rem3A_321 = arith.remui %while3A_146, %rem3A_320 : i32
            %dma_wait3A = arith.constant 0 : i32
            %dma_wait3A_322 = arith.constant 0 : i32
            %dma_wait3A_323 = tpu.memref_slice %run_scoped3A[%rem3A_321, %dma_wait3A, %dma_wait3A_322] : memref<2x1x128xi32, #tpu.memory_space<vmem>> -> memref<1x1x128xi32, #tpu.memory_space<vmem>>
            %dma_wait3A_324 = tpu.memref_squeeze %dma_wait3A_323 : memref<1x1x128xi32, #tpu.memory_space<vmem>> -> memref<1x128xi32, #tpu.memory_space<vmem>>
            %dma_wait3A_325 = arith.constant 0 : i32
            %dma_wait3A_326 = tpu.memref_slice %arg3[%dma_wait3A_325, %mul3A_319] : memref<1x160000xi32, #tpu.memory_space<hbm>> -> memref<1x128xi32, #tpu.memory_space<hbm>>
            %dma_wait3A_327 = tpu.memref_slice %run_scoped3A_17[%rem3A_321] : memref<2x!tpu.dma_semaphore, #tpu.memory_space<semaphore_mem>> -> memref<1x!tpu.dma_semaphore, #tpu.memory_space<semaphore_mem>>
            %dma_wait3A_328 = tpu.memref_squeeze %dma_wait3A_327 : memref<1x!tpu.dma_semaphore, #tpu.memory_space<semaphore_mem>> -> memref<!tpu.dma_semaphore, #tpu.memory_space<semaphore_mem>>
            %dma_wait3A_329 = arith.constant 0 : i32
            %dma_wait3A_330 = arith.constant 0 : i32
            %dma_wait3A_331 = tpu.memref_slice %run_scoped3A[%rem3A_321, %dma_wait3A_329, %dma_wait3A_330] : memref<2x1x128xi32, #tpu.memory_space<vmem>> -> memref<1x1x128xi32, #tpu.memory_space<vmem>>
            %dma_wait3A_332 = tpu.memref_squeeze %dma_wait3A_331 : memref<1x1x128xi32, #tpu.memory_space<vmem>> -> memref<1x128xi32, #tpu.memory_space<vmem>>
            %dma_wait3A_333 = arith.constant 0 : i32
            %dma_wait3A_334 = tpu.memref_slice %arg3[%dma_wait3A_333, %mul3A_319] : memref<1x160000xi32, #tpu.memory_space<hbm>> -> memref<1x128xi32, #tpu.memory_space<hbm>>
            tpu.wait_dma2 semaphore(%dma_wait3A_328 : memref<!tpu.dma_semaphore, #tpu.memory_space<semaphore_mem>>) src(%dma_wait3A_334 : memref<1x128xi32, #tpu.memory_space<hbm>>) dst(%dma_wait3A_332 : memref<1x128xi32, #tpu.memory_space<vmem>>)
            "tpu.trace_stop"() : () -> ()
          } else {
          }
          %ne3A_226 = arith.cmpi ne, %add3A_157, %add3A_167 : i32
          %or3A_227 = arith.constant false
          %or3A_228 = arith.ori %or3A_227, %ne3A_226 : i1
          %or3A_229 = arith.constant false
          %or3A_230 = arith.ori %or3A_228, %or3A_229 : i1
          %or3A_231 = arith.ori %or3A_230, %eq3A_153 : i1
          %convert_element_type3A_232 = arith.extui %or3A_231 : i1 to i32
          %cond3A_233 = arith.constant 0 : i32
          %cond3A_234 = arith.cmpi ne, %convert_element_type3A_232, %cond3A_233 : i32
          scf.if %cond3A_234 {
          } else {
          }
          %rem3A_235 = arith.constant 2 : i32
          %rem3A_236 = arith.remui %while3A_146, %rem3A_235 : i32
          %rem3A_237 = arith.constant 2 : i32
          %rem3A_238 = arith.remui %while3A_147, %rem3A_237 : i32
          %run_scoped3A_239 = arith.constant 0 : i32
          "tpu.trace_start"() <{level = 10 : i32, message = "ep_run_kernel"}> : () -> ()
          "tpu.region"() ({
            %run_scoped3A_316 = tpu.sem_alloc : memref<!tpu.dma_semaphore, #tpu.memory_space<semaphore_mem>>
            %dma_start3A_317 = arith.constant 0 : i32
            %dma_start3A_318 = arith.constant 0 : i32
            %dma_start3A_319 = tpu.memref_slice %run_scoped3A_18[%rem3A_238, %dma_start3A_317, %dma_start3A_318] : memref<2x128x128xf32, #tpu.memory_space<vmem>> -> memref<1x128x128xf32, #tpu.memory_space<vmem>>
            %dma_start3A_320 = tpu.memref_squeeze %dma_start3A_319 : memref<1x128x128xf32, #tpu.memory_space<vmem>> -> memref<128x128xf32, #tpu.memory_space<vmem>>
            %dma_start3A_321 = arith.constant 0 : i32
            %dma_start3A_322 = arith.constant 0 : i32
            %dma_start3A_323 = tpu.memref_slice %run_scoped3A[%rem3A_236, %dma_start3A_321, %dma_start3A_322] : memref<2x1x128xi32, #tpu.memory_space<vmem>> -> memref<1x1x128xi32, #tpu.memory_space<vmem>>
            %dma_start3A_324 = tpu.memref_squeeze %dma_start3A_323 : memref<1x1x128xi32, #tpu.memory_space<vmem>> -> memref<1x128xi32, #tpu.memory_space<vmem>>
            %dma_start3A_325 = arith.constant 0 : i32
            %dma_start3A_326 = tpu.memref_slice %dma_start3A_324[%run_scoped3A_239, %dma_start3A_325] : memref<1x128xi32, #tpu.memory_space<vmem>> -> memref<1x128xi32, #tpu.memory_space<vmem>>
            %dma_start3A_327 = tpu.memref_squeeze %dma_start3A_326 : memref<1x128xi32, #tpu.memory_space<vmem>> -> memref<128xi32, #tpu.memory_space<vmem>>
            %dma_start3A_328 = arith.constant 0 : i32
            %dma_start3A_329 = arith.constant 0 : i32
            %dma_start3A_330 = tpu.memref_slice %arg2[%dma_start3A_328, %dma_start3A_329] : memref<10000x128xf32, #tpu.memory_space<hbm>> -> memref<10000x128xf32, #tpu.memory_space<hbm>>
            tpu.enqueue_indirect_dma source(%dma_start3A_330 : memref<10000x128xf32, #tpu.memory_space<hbm>>) target(%dma_start3A_320 : memref<128x128xf32, #tpu.memory_space<vmem>>) offsets(%dma_start3A_327 : memref<128xi32, #tpu.memory_space<vmem>>) semaphore(%run_scoped3A_316 : memref<!tpu.dma_semaphore, #tpu.memory_space<semaphore_mem>>)
            %dma_wait3A = arith.constant 0 : i32
            %dma_wait3A_331 = arith.constant 0 : i32
            %dma_wait3A_332 = tpu.memref_slice %run_scoped3A_18[%rem3A_238, %dma_wait3A, %dma_wait3A_331] : memref<2x128x128xf32, #tpu.memory_space<vmem>> -> memref<1x128x128xf32, #tpu.memory_space<vmem>>
            %dma_wait3A_333 = tpu.memref_squeeze %dma_wait3A_332 : memref<1x128x128xf32, #tpu.memory_space<vmem>> -> memref<128x128xf32, #tpu.memory_space<vmem>>
            %dma_wait3A_334 = arith.constant 0 : i32
            %dma_wait3A_335 = arith.constant 0 : i32
            %dma_wait3A_336 = tpu.memref_slice %run_scoped3A[%rem3A_236, %dma_wait3A_334, %dma_wait3A_335] : memref<2x1x128xi32, #tpu.memory_space<vmem>> -> memref<1x1x128xi32, #tpu.memory_space<vmem>>
            %dma_wait3A_337 = tpu.memref_squeeze %dma_wait3A_336 : memref<1x1x128xi32, #tpu.memory_space<vmem>> -> memref<1x128xi32, #tpu.memory_space<vmem>>
            %dma_wait3A_338 = arith.constant 0 : i32
            %dma_wait3A_339 = tpu.memref_slice %dma_wait3A_337[%run_scoped3A_239, %dma_wait3A_338] : memref<1x128xi32, #tpu.memory_space<vmem>> -> memref<1x128xi32, #tpu.memory_space<vmem>>
            %dma_wait3A_340 = tpu.memref_squeeze %dma_wait3A_339 : memref<1x128xi32, #tpu.memory_space<vmem>> -> memref<128xi32, #tpu.memory_space<vmem>>
            %dma_wait3A_341 = arith.constant 0 : i32
            %dma_wait3A_342 = arith.constant 0 : i32
            %dma_wait3A_343 = tpu.memref_slice %arg2[%dma_wait3A_341, %dma_wait3A_342] : memref<10000x128xf32, #tpu.memory_space<hbm>> -> memref<10000x128xf32, #tpu.memory_space<hbm>>
            tpu.wait_indirect_dma semaphore(%run_scoped3A_316 : memref<!tpu.dma_semaphore, #tpu.memory_space<semaphore_mem>>) src(%dma_wait3A_343 : memref<10000x128xf32, #tpu.memory_space<hbm>>) dst(%dma_wait3A_333 : memref<128x128xf32, #tpu.memory_space<vmem>>)
            tpu.yield
          }) : () -> ()
          "tpu.trace_stop"() : () -> ()
          %add3A_240 = arith.constant 640 : i32
          %add3A_241 = arith.addi %add3A_157, %add3A_240 : i32
          %add3A_242 = arith.constant 640 : i32
          %add3A_243 = arith.addi %add3A_175, %add3A_242 : i32
          %ne3A_244 = arith.cmpi ne, %add3A_241, %add3A_243 : i32
          %or3A_245 = arith.constant false
          %or3A_246 = arith.ori %or3A_245, %ne3A_244 : i1
          %or3A_247 = arith.ori %or3A_246, %eq3A_156 : i1
          %convert_element_type3A_248 = arith.extui %or3A_247 : i1 to i32
          %cond3A_249 = arith.constant 0 : i32
          %cond3A_250 = arith.cmpi ne, %convert_element_type3A_248, %cond3A_249 : i32
          scf.if %cond3A_250 {
          } else {
          }
          %and3A_251 = arith.constant false
          %and3A_252 = arith.andi %or3A_247, %and3A_251 : i1
          %ne3A_253 = arith.cmpi ne, %add3A_157, %add3A_175 : i32
          %or3A_254 = arith.constant false
          %or3A_255 = arith.ori %or3A_254, %ne3A_253 : i1
          %or3A_256 = arith.constant false
          %or3A_257 = arith.ori %or3A_255, %or3A_256 : i1
          %or3A_258 = arith.ori %or3A_257, %eq3A_156 : i1
          %convert_element_type3A_259 = arith.extui %or3A_258 : i1 to i32
          %cond3A_260 = arith.constant 0 : i32
          %cond3A_261 = arith.cmpi ne, %convert_element_type3A_259, %cond3A_260 : i32
          scf.if %cond3A_261 {
            "tpu.trace_start"() <{level = 10 : i32, message = "ep_copy_out"}> : () -> ()
            %rem3A_316 = arith.constant 2 : i32
            %rem3A_317 = arith.remui %while3A_147, %rem3A_316 : i32
            %mul3A_318 = arith.constant 128 : i32
            %mul3A_319 = arith.muli %mul3A_318, %add3A_157 : i32
            %dma_start3A_320 = arith.constant 0 : i32
            %dma_start3A_321 = arith.constant 0 : i32
            %dma_start3A_322 = tpu.memref_slice %run_scoped3A_18[%rem3A_317, %dma_start3A_320, %dma_start3A_321] : memref<2x128x128xf32, #tpu.memory_space<vmem>> -> memref<1x128x128xf32, #tpu.memory_space<vmem>>
            %dma_start3A_323 = tpu.memref_squeeze %dma_start3A_322 : memref<1x128x128xf32, #tpu.memory_space<vmem>> -> memref<128x128xf32, #tpu.memory_space<vmem>>
            %dma_start3A_324 = arith.constant 0 : i32
            %dma_start3A_325 = tpu.memref_slice %arg4[%mul3A_319, %dma_start3A_324] : memref<78080x128xf32, #tpu.memory_space<hbm>> -> memref<128x128xf32, #tpu.memory_space<hbm>>
            %dma_start3A_326 = tpu.memref_slice %run_scoped3A_19[%rem3A_317] : memref<2x!tpu.dma_semaphore, #tpu.memory_space<semaphore_mem>> -> memref<1x!tpu.dma_semaphore, #tpu.memory_space<semaphore_mem>>
            %dma_start3A_327 = tpu.memref_squeeze %dma_start3A_326 : memref<1x!tpu.dma_semaphore, #tpu.memory_space<semaphore_mem>> -> memref<!tpu.dma_semaphore, #tpu.memory_space<semaphore_mem>>
            %dma_start3A_328 = arith.constant 0 : i32
            %dma_start3A_329 = tpu.memref_slice %arg4[%mul3A_319, %dma_start3A_328] : memref<78080x128xf32, #tpu.memory_space<hbm>> -> memref<128x128xf32, #tpu.memory_space<hbm>>
            %dma_start3A_330 = arith.constant 0 : i32
            %dma_start3A_331 = arith.constant 0 : i32
            %dma_start3A_332 = tpu.memref_slice %run_scoped3A_18[%rem3A_317, %dma_start3A_330, %dma_start3A_331] : memref<2x128x128xf32, #tpu.memory_space<vmem>> -> memref<1x128x128xf32, #tpu.memory_space<vmem>>
            %dma_start3A_333 = tpu.memref_squeeze %dma_start3A_332 : memref<1x128x128xf32, #tpu.memory_space<vmem>> -> memref<128x128xf32, #tpu.memory_space<vmem>>
            tpu.enqueue_dma source(%dma_start3A_333 : memref<128x128xf32, #tpu.memory_space<vmem>>) target(%dma_start3A_329 : memref<128x128xf32, #tpu.memory_space<hbm>>) target_semaphore(%dma_start3A_327 : memref<!tpu.dma_semaphore, #tpu.memory_space<semaphore_mem>>)
            "tpu.trace_stop"() : () -> ()
          } else {
          }
          %and3A_262 = arith.constant true
          %and3A_263 = arith.andi %or3A_258, %and3A_262 : i1
          %add3A_264 = arith.constant 1 : i32
          %add3A_265 = arith.addi %while3A_147, %add3A_264 : i32
          %select_n3A_266 = arith.select %and3A_263, %add3A_265, %while3A_147 : i32
          %add3A_267 = arith.constant 640 : i32
          %add3A_268 = arith.addi %add3A_157, %add3A_267 : i32
          %add3A_269 = arith.constant 640 : i32
          %add3A_270 = arith.addi %add3A_167, %add3A_269 : i32
          %ne3A_271 = arith.cmpi ne, %add3A_268, %add3A_270 : i32
          %or3A_272 = arith.constant false
          %or3A_273 = arith.ori %or3A_272, %ne3A_271 : i1
          %not3A_274 = arith.constant true
          %not3A_275 = arith.xori %eq3A_153, %not3A_274 : i1
          %and3A_276 = arith.andi %or3A_273, %not3A_275 : i1
          %convert_element_type3A_277 = arith.extui %and3A_276 : i1 to i32
          %cond3A_278 = arith.constant 0 : i32
          %cond3A_279 = arith.cmpi ne, %convert_element_type3A_277, %cond3A_278 : i32
          scf.if %cond3A_279 {
          } else {
          }
          %and3A_280 = arith.constant false
          %and3A_281 = arith.andi %and3A_276, %and3A_280 : i1
          %ne3A_282 = arith.cmpi ne, %add3A_157, %add3A_167 : i32
          %or3A_283 = arith.constant false
          %or3A_284 = arith.ori %or3A_283, %ne3A_282 : i1
          %or3A_285 = arith.constant false
          %or3A_286 = arith.ori %or3A_284, %or3A_285 : i1
          %not3A_287 = arith.constant true
          %not3A_288 = arith.xori %eq3A_153, %not3A_287 : i1
          %and3A_289 = arith.andi %or3A_286, %not3A_288 : i1
          %convert_element_type3A_290 = arith.extui %and3A_289 : i1 to i32
          %cond3A_291 = arith.constant 0 : i32
          %cond3A_292 = arith.cmpi ne, %convert_element_type3A_290, %cond3A_291 : i32
          scf.if %cond3A_292 {
            "tpu.trace_start"() <{level = 10 : i32, message = "ep_wait_out"}> : () -> ()
            %rem3A_316 = arith.constant 2 : i32
            %rem3A_317 = arith.remui %while3A_148, %rem3A_316 : i32
            %mul3A_318 = arith.constant 128 : i32
            %mul3A_319 = arith.muli %mul3A_318, %add3A_167 : i32
            %dma_wait3A = arith.constant 0 : i32
            %dma_wait3A_320 = arith.constant 0 : i32
            %dma_wait3A_321 = tpu.memref_slice %run_scoped3A_18[%rem3A_317, %dma_wait3A, %dma_wait3A_320] : memref<2x128x128xf32, #tpu.memory_space<vmem>> -> memref<1x128x128xf32, #tpu.memory_space<vmem>>
            %dma_wait3A_322 = tpu.memref_squeeze %dma_wait3A_321 : memref<1x128x128xf32, #tpu.memory_space<vmem>> -> memref<128x128xf32, #tpu.memory_space<vmem>>
            %dma_wait3A_323 = arith.constant 0 : i32
            %dma_wait3A_324 = tpu.memref_slice %arg4[%mul3A_319, %dma_wait3A_323] : memref<78080x128xf32, #tpu.memory_space<hbm>> -> memref<128x128xf32, #tpu.memory_space<hbm>>
            %dma_wait3A_325 = tpu.memref_slice %run_scoped3A_19[%rem3A_317] : memref<2x!tpu.dma_semaphore, #tpu.memory_space<semaphore_mem>> -> memref<1x!tpu.dma_semaphore, #tpu.memory_space<semaphore_mem>>
            %dma_wait3A_326 = tpu.memref_squeeze %dma_wait3A_325 : memref<1x!tpu.dma_semaphore, #tpu.memory_space<semaphore_mem>> -> memref<!tpu.dma_semaphore, #tpu.memory_space<semaphore_mem>>
            %dma_wait3A_327 = arith.constant 0 : i32
            %dma_wait3A_328 = tpu.memref_slice %arg4[%mul3A_319, %dma_wait3A_327] : memref<78080x128xf32, #tpu.memory_space<hbm>> -> memref<128x128xf32, #tpu.memory_space<hbm>>
            %dma_wait3A_329 = arith.constant 0 : i32
            %dma_wait3A_330 = arith.constant 0 : i32
            %dma_wait3A_331 = tpu.memref_slice %run_scoped3A_18[%rem3A_317, %dma_wait3A_329, %dma_wait3A_330] : memref<2x128x128xf32, #tpu.memory_space<vmem>> -> memref<1x128x128xf32, #tpu.memory_space<vmem>>
            %dma_wait3A_332 = tpu.memref_squeeze %dma_wait3A_331 : memref<1x128x128xf32, #tpu.memory_space<vmem>> -> memref<128x128xf32, #tpu.memory_space<vmem>>
            tpu.wait_dma2 semaphore(%dma_wait3A_326 : memref<!tpu.dma_semaphore, #tpu.memory_space<semaphore_mem>>) src(%dma_wait3A_332 : memref<128x128xf32, #tpu.memory_space<vmem>>) dst(%dma_wait3A_328 : memref<128x128xf32, #tpu.memory_space<hbm>>)
            "tpu.trace_stop"() : () -> ()
          } else {
          }
          %and3A_293 = arith.constant true
          %and3A_294 = arith.andi %and3A_289, %and3A_293 : i1
          %add3A_295 = arith.constant 1 : i32
          %add3A_296 = arith.addi %while3A_148, %add3A_295 : i32
          %select_n3A_297 = arith.select %and3A_294, %add3A_296, %while3A_148 : i32
          %add3A_298 = arith.constant 640 : i32
          %add3A_299 = arith.addi %add3A_157, %add3A_298 : i32
          %add3A_300 = arith.constant 640 : i32
          %add3A_301 = arith.addi %add3A_175, %add3A_300 : i32
          %ne3A_302 = arith.cmpi ne, %add3A_299, %add3A_301 : i32
          %or3A_303 = arith.constant false
          %or3A_304 = arith.ori %or3A_303, %ne3A_302 : i1
          %or3A_305 = arith.ori %or3A_304, %eq3A_156 : i1
          %add3A_306 = arith.constant 1 : i32
          %add3A_307 = arith.addi %while3A_146, %add3A_306 : i32
          %select_n3A_308 = arith.select %or3A_305, %add3A_307, %while3A_146 : i32
          %add3A_309 = arith.constant 1 : i32
          %add3A_310 = arith.addi %while3A_149, %add3A_309 : i32
          %select_n3A_311 = arith.constant true
          %select_n3A_312 = arith.select %select_n3A_311, %add3A_310, %while3A_149 : i32
          %eq3A_313 = arith.cmpi eq, %select_n3A_312, %select_n3A : i32
          %select_n3A_314 = arith.constant 0 : i32
          %select_n3A_315 = arith.select %eq3A_313, %select_n3A_314, %select_n3A_312 : i32
          scf.yield %select_n3A_201, %select_n3A_308, %select_n3A_266, %select_n3A_297, %select_n3A_315 : i32, i32, i32, i32, i32
        }
        %sub3A_93 = arith.constant 1 : i32
        %sub3A_94 = arith.subi %while3A_92#4, %sub3A_93 : i32
        %select_n3A_95 = arith.constant true
        %select_n3A_96 = arith.select %select_n3A_95, %sub3A_94, %while3A_92#4 : i32
        %eq3A_97 = arith.constant -1 : i32
        %eq3A_98 = arith.cmpi eq, %select_n3A_96, %eq3A_97 : i32
        %sub3A_99 = arith.constant 1 : i32
        %sub3A_100 = arith.subi %select_n3A, %sub3A_99 : i32
        %select_n3A_101 = arith.select %eq3A_98, %sub3A_100, %select_n3A_96 : i32
        %sub3A_102 = arith.constant 1 : i32
        %sub3A_103 = arith.subi %mul3A_16, %sub3A_102 : i32
        %mul3A_104 = arith.constant 1 : i32
        %mul3A_105 = arith.muli %mul3A_104, %select_n3A : i32
        %eq3A_106 = arith.constant 0 : i32
        %eq3A_107 = arith.cmpi eq, %sub3A_103, %eq3A_106 : i32
        %sub3A_108 = arith.constant 1 : i32
        %sub3A_109 = arith.subi %mul3A_105, %sub3A_108 : i32
        %eq3A_110 = arith.cmpi eq, %sub3A_103, %sub3A_109 : i32
        %add3A_111 = arith.addi %select_n3A_101, %select_n3A_14 : i32
        %sub3A_112 = arith.constant 1 : i32
        %sub3A_113 = arith.subi %select_n3A_101, %sub3A_112 : i32
        %select_n3A_114 = arith.constant true
        %select_n3A_115 = arith.select %select_n3A_114, %sub3A_113, %select_n3A_101 : i32
        %eq3A_116 = arith.constant -1 : i32
        %eq3A_117 = arith.cmpi eq, %select_n3A_115, %eq3A_116 : i32
        %sub3A_118 = arith.constant 1 : i32
        %sub3A_119 = arith.subi %select_n3A, %sub3A_118 : i32
        %select_n3A_120 = arith.select %eq3A_117, %sub3A_119, %select_n3A_115 : i32
        %add3A_121 = arith.addi %select_n3A_120, %select_n3A_14 : i32
        %add3A_122 = arith.constant 1 : i32
        %add3A_123 = arith.addi %select_n3A_101, %add3A_122 : i32
        %select_n3A_124 = arith.constant true
        %select_n3A_125 = arith.select %select_n3A_124, %add3A_123, %select_n3A_101 : i32
        %eq3A_126 = arith.cmpi eq, %select_n3A_125, %select_n3A : i32
        %select_n3A_127 = arith.constant 0 : i32
        %select_n3A_128 = arith.select %eq3A_126, %select_n3A_127, %select_n3A_125 : i32
        %add3A_129 = arith.addi %select_n3A_128, %select_n3A_14 : i32
        %add3A_130 = arith.constant 1 : i32
        %add3A_131 = arith.addi %select_n3A_128, %add3A_130 : i32
        %select_n3A_132 = arith.constant true
        %select_n3A_133 = arith.select %select_n3A_132, %add3A_131, %select_n3A_128 : i32
        %eq3A_134 = arith.cmpi eq, %select_n3A_133, %select_n3A : i32
        %select_n3A_135 = arith.constant 0 : i32
        %select_n3A_136 = arith.select %eq3A_134, %select_n3A_135, %select_n3A_133 : i32
        %add3A_137 = arith.addi %select_n3A_136, %select_n3A_14 : i32
        %convert_element_type3A_138 = arith.extui %eq3A_110 : i1 to i32
        %cond3A_139 = arith.constant 0 : i32
        %cond3A_140 = arith.cmpi ne, %convert_element_type3A_138, %cond3A_139 : i32
        scf.if %cond3A_140 {
        } else {
        }
        %convert_element_type3A_141 = arith.extui %eq3A_110 : i1 to i32
        %cond3A_142 = arith.constant 0 : i32
        %cond3A_143 = arith.cmpi ne, %convert_element_type3A_141, %cond3A_142 : i32
        scf.if %cond3A_143 {
          "tpu.trace_start"() <{level = 10 : i32, message = "ep_finalize"}> : () -> ()
          %rem3A_144 = arith.constant 2 : i32
          %rem3A_145 = arith.remui %while3A_92#3, %rem3A_144 : i32
          %mul3A_146 = arith.constant 128 : i32
          %mul3A_147 = arith.muli %mul3A_146, %add3A_111 : i32
          %dma_wait3A = arith.constant 0 : i32
          %dma_wait3A_148 = arith.constant 0 : i32
          %dma_wait3A_149 = tpu.memref_slice %run_scoped3A_18[%rem3A_145, %dma_wait3A, %dma_wait3A_148] : memref<2x128x128xf32, #tpu.memory_space<vmem>> -> memref<1x128x128xf32, #tpu.memory_space<vmem>>
          %dma_wait3A_150 = tpu.memref_squeeze %dma_wait3A_149 : memref<1x128x128xf32, #tpu.memory_space<vmem>> -> memref<128x128xf32, #tpu.memory_space<vmem>>
          %dma_wait3A_151 = arith.constant 0 : i32
          %dma_wait3A_152 = tpu.memref_slice %arg4[%mul3A_147, %dma_wait3A_151] : memref<78080x128xf32, #tpu.memory_space<hbm>> -> memref<128x128xf32, #tpu.memory_space<hbm>>
          %dma_wait3A_153 = tpu.memref_slice %run_scoped3A_19[%rem3A_145] : memref<2x!tpu.dma_semaphore, #tpu.memory_space<semaphore_mem>> -> memref<1x!tpu.dma_semaphore, #tpu.memory_space<semaphore_mem>>
          %dma_wait3A_154 = tpu.memref_squeeze %dma_wait3A_153 : memref<1x!tpu.dma_semaphore, #tpu.memory_space<semaphore_mem>> -> memref<!tpu.dma_semaphore, #tpu.memory_space<semaphore_mem>>
          %dma_wait3A_155 = arith.constant 0 : i32
          %dma_wait3A_156 = tpu.memref_slice %arg4[%mul3A_147, %dma_wait3A_155] : memref<78080x128xf32, #tpu.memory_space<hbm>> -> memref<128x128xf32, #tpu.memory_space<hbm>>
          %dma_wait3A_157 = arith.constant 0 : i32
          %dma_wait3A_158 = arith.constant 0 : i32
          %dma_wait3A_159 = tpu.memref_slice %run_scoped3A_18[%rem3A_145, %dma_wait3A_157, %dma_wait3A_158] : memref<2x128x128xf32, #tpu.memory_space<vmem>> -> memref<1x128x128xf32, #tpu.memory_space<vmem>>
          %dma_wait3A_160 = tpu.memref_squeeze %dma_wait3A_159 : memref<1x128x128xf32, #tpu.memory_space<vmem>> -> memref<128x128xf32, #tpu.memory_space<vmem>>
          tpu.wait_dma2 semaphore(%dma_wait3A_154 : memref<!tpu.dma_semaphore, #tpu.memory_space<semaphore_mem>>) src(%dma_wait3A_160 : memref<128x128xf32, #tpu.memory_space<vmem>>) dst(%dma_wait3A_156 : memref<128x128xf32, #tpu.memory_space<hbm>>)
          "tpu.trace_stop"() : () -> ()
        } else {
        }
      } else {
      }
      tpu.yield
    }) : () -> ()
    return
  }
}

module attributes {stable_mosaic.version = 14 : i64} {
  func.func @_mlp_body(%arg0: i32, %arg1: memref<160x128xf32, #tpu.memory_space<vmem>>, %arg2: memref<1280x128xf32, #tpu.memory_space<vmem>>, %arg3: memref<128x1024xf32, #tpu.memory_space<vmem>>, %arg4: memref<1x128xf32, #tpu.memory_space<vmem>>, %arg5: memref<128x2048xbf16, #tpu.memory_space<vmem>>, %arg6: memref<1x2048xf32, #tpu.memory_space<vmem>>, %arg7: memref<1280x128xf32, #tpu.memory_space<vmem>>) attributes {dimension_semantics = [#tpu.dimension_semantics<arbitrary>], iteration_bounds = array<i64: 64>, scalar_prefetch = 0 : i64, scratch_operands = 0 : i64, tpu.core_type = #tpu.core_type<tc>, window_params = [{transform_indices = @transform_0, window_bounds = array<i64: 160, 128>}, {transform_indices = @transform_1, window_bounds = array<i64: 1280, 128>}, {pipeline_mode = #tpu.pipeline_mode<synchronous>, transform_indices = @transform_2, window_bounds = array<i64: 128, 1024>}, {pipeline_mode = #tpu.pipeline_mode<synchronous>, transform_indices = @transform_3, window_bounds = array<i64: 1, 128>}, {pipeline_mode = #tpu.pipeline_mode<synchronous>, transform_indices = @transform_4, window_bounds = array<i64: 128, 2048>}, {pipeline_mode = #tpu.pipeline_mode<synchronous>, transform_indices = @transform_5, window_bounds = array<i64: 1, 2048>}, {transform_indices = @transform_6, window_bounds = array<i64: 1280, 128>}]} {
    %get3A = arith.constant 0 : index
    %get3A_0 = arith.constant 0 : index
    %get3A_1 = vector.load %arg1[%get3A, %get3A_0] : memref<160x128xf32, #tpu.memory_space<vmem>>, vector<160x128xf32>
    %get3A_2 = arith.constant 0 : index
    %get3A_3 = arith.constant 0 : index
    %get3A_4 = vector.load %arg3[%get3A_2, %get3A_3] : memref<128x1024xf32, #tpu.memory_space<vmem>>, vector<128x1024xf32>
    %dot_general3A = arith.constant dense<0.000000e+00> : vector<160x1024xf32>
    %dot_general3A_5 = tpu.matmul %get3A_1, %get3A_4, %dot_general3A {dimension_numbers = #tpu.dot_dimension_numbers<[1], [0], [0], [1], [0, 0, 1, 1], [], []>, transpose_lhs_hint = false} : vector<160x128xf32>, vector<128x1024xf32>, vector<160x1024xf32> -> vector<160x1024xf32>
    %reshape3A = vector.shape_cast %dot_general3A_5 : vector<160x1024xf32> to vector<1280x128xf32>
    %get3A_6 = arith.constant 0 : index
    %get3A_7 = arith.constant 0 : index
    %get3A_8 = vector.load %arg4[%get3A_6, %get3A_7] : memref<1x128xf32, #tpu.memory_space<vmem>>, vector<1x128xf32>
    %add3A = vector.broadcast %get3A_8 : vector<1x128xf32> to vector<1280x128xf32>
    %add3A_9 = arith.addf %reshape3A, %add3A : vector<1280x128xf32>
    %ge3A = arith.constant 0.000000e+00 : f32
    %ge3A_10 = vector.broadcast %ge3A : f32 to vector<1280x128xf32>
    %ge3A_11 = arith.cmpf oge, %add3A_9, %ge3A_10 : vector<1280x128xf32>
    %mul3A = arith.constant 0.00999999977 : f32
    %mul3A_12 = vector.broadcast %mul3A : f32 to vector<1280x128xf32>
    %mul3A_13 = arith.mulf %mul3A_12, %add3A_9 : vector<1280x128xf32>
    %select_n3A = arith.select %ge3A_11, %add3A_9, %mul3A_13 : vector<1280x128xi1>, vector<1280x128xf32>
    %convert_element_type3A = arith.truncf %select_n3A : vector<1280x128xf32> to vector<1280x128xbf16>
    %get3A_14 = arith.constant 0 : index
    %get3A_15 = arith.constant 0 : index
    %get3A_16 = vector.load %arg5[%get3A_14, %get3A_15] : memref<128x2048xbf16, #tpu.memory_space<vmem>>, vector<128x2048xbf16>
    %dot_general3A_17 = arith.constant dense<0.000000e+00> : vector<1280x2048xf32>
    %dot_general3A_18 = tpu.matmul %convert_element_type3A, %get3A_16, %dot_general3A_17 {dimension_numbers = #tpu.dot_dimension_numbers<[1], [0], [0], [1], [0, 0, 1, 1], [], []>, transpose_lhs_hint = false} : vector<1280x128xbf16>, vector<128x2048xbf16>, vector<1280x2048xf32> -> vector<1280x2048xf32>
    %get3A_19 = arith.constant 0 : index
    %get3A_20 = arith.constant 0 : index
    %get3A_21 = vector.load %arg6[%get3A_19, %get3A_20] : memref<1x2048xf32, #tpu.memory_space<vmem>>, vector<1x2048xf32>
    %add3A_22 = vector.broadcast %get3A_21 : vector<1x2048xf32> to vector<1280x2048xf32>
    %add3A_23 = arith.addf %dot_general3A_18, %add3A_22 : vector<1280x2048xf32>
    %ge3A_24 = arith.constant 0.000000e+00 : f32
    %ge3A_25 = vector.broadcast %ge3A_24 : f32 to vector<1280x2048xf32>
    %ge3A_26 = arith.cmpf oge, %add3A_23, %ge3A_25 : vector<1280x2048xf32>
    %mul3A_27 = arith.constant 0.00999999977 : f32
    %mul3A_28 = vector.broadcast %mul3A_27 : f32 to vector<1280x2048xf32>
    %mul3A_29 = arith.mulf %mul3A_28, %add3A_23 : vector<1280x2048xf32>
    %select_n3A_30 = arith.select %ge3A_26, %add3A_23, %mul3A_29 : vector<1280x2048xi1>, vector<1280x2048xf32>
    %get3A_31 = arith.constant 0 : index
    %get3A_32 = arith.constant 0 : index
    %get3A_33 = vector.load %arg2[%get3A_31, %get3A_32] : memref<1280x128xf32, #tpu.memory_space<vmem>>, vector<1280x128xf32>
    %slice3A = vector.extract_strided_slice %select_n3A_30 {offsets = [0, 0], sizes = [1280, 128], strides = [1, 1]} : vector<1280x2048xf32> to vector<1280x128xf32>
    %mul3A_34 = arith.mulf %slice3A, %get3A_33 : vector<1280x128xf32>
    %reduce_sum3A = arith.constant dense<0.000000e+00> : vector<1280xf32>
    %reduce_sum3A_35 = vector.multi_reduction <add>, %mul3A_34, %reduce_sum3A [1] : vector<1280x128xf32> to vector<1280xf32>
    %broadcast_in_dim3A = vector.shape_cast %reduce_sum3A_35 : vector<1280xf32> to vector<1280x1xf32>
    %slice3A_36 = vector.extract_strided_slice %select_n3A_30 {offsets = [0, 128], sizes = [1280, 128], strides = [1, 1]} : vector<1280x2048xf32> to vector<1280x128xf32>
    %mul3A_37 = arith.mulf %slice3A_36, %get3A_33 : vector<1280x128xf32>
    %reduce_sum3A_38 = arith.constant dense<0.000000e+00> : vector<1280xf32>
    %reduce_sum3A_39 = vector.multi_reduction <add>, %mul3A_37, %reduce_sum3A_38 [1] : vector<1280x128xf32> to vector<1280xf32>
    %broadcast_in_dim3A_40 = vector.shape_cast %reduce_sum3A_39 : vector<1280xf32> to vector<1280x1xf32>
    %slice3A_41 = vector.extract_strided_slice %select_n3A_30 {offsets = [0, 256], sizes = [1280, 128], strides = [1, 1]} : vector<1280x2048xf32> to vector<1280x128xf32>
    %mul3A_42 = arith.mulf %slice3A_41, %get3A_33 : vector<1280x128xf32>
    %reduce_sum3A_43 = arith.constant dense<0.000000e+00> : vector<1280xf32>
    %reduce_sum3A_44 = vector.multi_reduction <add>, %mul3A_42, %reduce_sum3A_43 [1] : vector<1280x128xf32> to vector<1280xf32>
    %broadcast_in_dim3A_45 = vector.shape_cast %reduce_sum3A_44 : vector<1280xf32> to vector<1280x1xf32>
    %slice3A_46 = vector.extract_strided_slice %select_n3A_30 {offsets = [0, 384], sizes = [1280, 128], strides = [1, 1]} : vector<1280x2048xf32> to vector<1280x128xf32>
    %mul3A_47 = arith.mulf %slice3A_46, %get3A_33 : vector<1280x128xf32>
    %reduce_sum3A_48 = arith.constant dense<0.000000e+00> : vector<1280xf32>
    %reduce_sum3A_49 = vector.multi_reduction <add>, %mul3A_47, %reduce_sum3A_48 [1] : vector<1280x128xf32> to vector<1280xf32>
    %broadcast_in_dim3A_50 = vector.shape_cast %reduce_sum3A_49 : vector<1280xf32> to vector<1280x1xf32>
    %slice3A_51 = vector.extract_strided_slice %select_n3A_30 {offsets = [0, 512], sizes = [1280, 128], strides = [1, 1]} : vector<1280x2048xf32> to vector<1280x128xf32>
    %mul3A_52 = arith.mulf %slice3A_51, %get3A_33 : vector<1280x128xf32>
    %reduce_sum3A_53 = arith.constant dense<0.000000e+00> : vector<1280xf32>
    %reduce_sum3A_54 = vector.multi_reduction <add>, %mul3A_52, %reduce_sum3A_53 [1] : vector<1280x128xf32> to vector<1280xf32>
    %broadcast_in_dim3A_55 = vector.shape_cast %reduce_sum3A_54 : vector<1280xf32> to vector<1280x1xf32>
    %slice3A_56 = vector.extract_strided_slice %select_n3A_30 {offsets = [0, 640], sizes = [1280, 128], strides = [1, 1]} : vector<1280x2048xf32> to vector<1280x128xf32>
    %mul3A_57 = arith.mulf %slice3A_56, %get3A_33 : vector<1280x128xf32>
    %reduce_sum3A_58 = arith.constant dense<0.000000e+00> : vector<1280xf32>
    %reduce_sum3A_59 = vector.multi_reduction <add>, %mul3A_57, %reduce_sum3A_58 [1] : vector<1280x128xf32> to vector<1280xf32>
    %broadcast_in_dim3A_60 = vector.shape_cast %reduce_sum3A_59 : vector<1280xf32> to vector<1280x1xf32>
    %slice3A_61 = vector.extract_strided_slice %select_n3A_30 {offsets = [0, 768], sizes = [1280, 128], strides = [1, 1]} : vector<1280x2048xf32> to vector<1280x128xf32>
    %mul3A_62 = arith.mulf %slice3A_61, %get3A_33 : vector<1280x128xf32>
    %reduce_sum3A_63 = arith.constant dense<0.000000e+00> : vector<1280xf32>
    %reduce_sum3A_64 = vector.multi_reduction <add>, %mul3A_62, %reduce_sum3A_63 [1] : vector<1280x128xf32> to vector<1280xf32>
    %broadcast_in_dim3A_65 = vector.shape_cast %reduce_sum3A_64 : vector<1280xf32> to vector<1280x1xf32>
    %slice3A_66 = vector.extract_strided_slice %select_n3A_30 {offsets = [0, 896], sizes = [1280, 128], strides = [1, 1]} : vector<1280x2048xf32> to vector<1280x128xf32>
    %mul3A_67 = arith.mulf %slice3A_66, %get3A_33 : vector<1280x128xf32>
    %reduce_sum3A_68 = arith.constant dense<0.000000e+00> : vector<1280xf32>
    %reduce_sum3A_69 = vector.multi_reduction <add>, %mul3A_67, %reduce_sum3A_68 [1] : vector<1280x128xf32> to vector<1280xf32>
    %broadcast_in_dim3A_70 = vector.shape_cast %reduce_sum3A_69 : vector<1280xf32> to vector<1280x1xf32>
    %slice3A_71 = vector.extract_strided_slice %select_n3A_30 {offsets = [0, 1024], sizes = [1280, 128], strides = [1, 1]} : vector<1280x2048xf32> to vector<1280x128xf32>
    %mul3A_72 = arith.mulf %slice3A_71, %get3A_33 : vector<1280x128xf32>
    %reduce_sum3A_73 = arith.constant dense<0.000000e+00> : vector<1280xf32>
    %reduce_sum3A_74 = vector.multi_reduction <add>, %mul3A_72, %reduce_sum3A_73 [1] : vector<1280x128xf32> to vector<1280xf32>
    %broadcast_in_dim3A_75 = vector.shape_cast %reduce_sum3A_74 : vector<1280xf32> to vector<1280x1xf32>
    %slice3A_76 = vector.extract_strided_slice %select_n3A_30 {offsets = [0, 1152], sizes = [1280, 128], strides = [1, 1]} : vector<1280x2048xf32> to vector<1280x128xf32>
    %mul3A_77 = arith.mulf %slice3A_76, %get3A_33 : vector<1280x128xf32>
    %reduce_sum3A_78 = arith.constant dense<0.000000e+00> : vector<1280xf32>
    %reduce_sum3A_79 = vector.multi_reduction <add>, %mul3A_77, %reduce_sum3A_78 [1] : vector<1280x128xf32> to vector<1280xf32>
    %broadcast_in_dim3A_80 = vector.shape_cast %reduce_sum3A_79 : vector<1280xf32> to vector<1280x1xf32>
    %slice3A_81 = vector.extract_strided_slice %select_n3A_30 {offsets = [0, 1280], sizes = [1280, 128], strides = [1, 1]} : vector<1280x2048xf32> to vector<1280x128xf32>
    %mul3A_82 = arith.mulf %slice3A_81, %get3A_33 : vector<1280x128xf32>
    %reduce_sum3A_83 = arith.constant dense<0.000000e+00> : vector<1280xf32>
    %reduce_sum3A_84 = vector.multi_reduction <add>, %mul3A_82, %reduce_sum3A_83 [1] : vector<1280x128xf32> to vector<1280xf32>
    %broadcast_in_dim3A_85 = vector.shape_cast %reduce_sum3A_84 : vector<1280xf32> to vector<1280x1xf32>
    %slice3A_86 = vector.extract_strided_slice %select_n3A_30 {offsets = [0, 1408], sizes = [1280, 128], strides = [1, 1]} : vector<1280x2048xf32> to vector<1280x128xf32>
    %mul3A_87 = arith.mulf %slice3A_86, %get3A_33 : vector<1280x128xf32>
    %reduce_sum3A_88 = arith.constant dense<0.000000e+00> : vector<1280xf32>
    %reduce_sum3A_89 = vector.multi_reduction <add>, %mul3A_87, %reduce_sum3A_88 [1] : vector<1280x128xf32> to vector<1280xf32>
    %broadcast_in_dim3A_90 = vector.shape_cast %reduce_sum3A_89 : vector<1280xf32> to vector<1280x1xf32>
    %slice3A_91 = vector.extract_strided_slice %select_n3A_30 {offsets = [0, 1536], sizes = [1280, 128], strides = [1, 1]} : vector<1280x2048xf32> to vector<1280x128xf32>
    %mul3A_92 = arith.mulf %slice3A_91, %get3A_33 : vector<1280x128xf32>
    %reduce_sum3A_93 = arith.constant dense<0.000000e+00> : vector<1280xf32>
    %reduce_sum3A_94 = vector.multi_reduction <add>, %mul3A_92, %reduce_sum3A_93 [1] : vector<1280x128xf32> to vector<1280xf32>
    %broadcast_in_dim3A_95 = vector.shape_cast %reduce_sum3A_94 : vector<1280xf32> to vector<1280x1xf32>
    %slice3A_96 = vector.extract_strided_slice %select_n3A_30 {offsets = [0, 1664], sizes = [1280, 128], strides = [1, 1]} : vector<1280x2048xf32> to vector<1280x128xf32>
    %mul3A_97 = arith.mulf %slice3A_96, %get3A_33 : vector<1280x128xf32>
    %reduce_sum3A_98 = arith.constant dense<0.000000e+00> : vector<1280xf32>
    %reduce_sum3A_99 = vector.multi_reduction <add>, %mul3A_97, %reduce_sum3A_98 [1] : vector<1280x128xf32> to vector<1280xf32>
    %broadcast_in_dim3A_100 = vector.shape_cast %reduce_sum3A_99 : vector<1280xf32> to vector<1280x1xf32>
    %slice3A_101 = vector.extract_strided_slice %select_n3A_30 {offsets = [0, 1792], sizes = [1280, 128], strides = [1, 1]} : vector<1280x2048xf32> to vector<1280x128xf32>
    %mul3A_102 = arith.mulf %slice3A_101, %get3A_33 : vector<1280x128xf32>
    %reduce_sum3A_103 = arith.constant dense<0.000000e+00> : vector<1280xf32>
    %reduce_sum3A_104 = vector.multi_reduction <add>, %mul3A_102, %reduce_sum3A_103 [1] : vector<1280x128xf32> to vector<1280xf32>
    %broadcast_in_dim3A_105 = vector.shape_cast %reduce_sum3A_104 : vector<1280xf32> to vector<1280x1xf32>
    %slice3A_106 = vector.extract_strided_slice %select_n3A_30 {offsets = [0, 1920], sizes = [1280, 128], strides = [1, 1]} : vector<1280x2048xf32> to vector<1280x128xf32>
    %mul3A_107 = arith.mulf %slice3A_106, %get3A_33 : vector<1280x128xf32>
    %reduce_sum3A_108 = arith.constant dense<0.000000e+00> : vector<1280xf32>
    %reduce_sum3A_109 = vector.multi_reduction <add>, %mul3A_107, %reduce_sum3A_108 [1] : vector<1280x128xf32> to vector<1280xf32>
    %broadcast_in_dim3A_110 = vector.shape_cast %reduce_sum3A_109 : vector<1280xf32> to vector<1280x1xf32>
    %broadcast_in_dim3A_111 = arith.constant 0.000000e+00 : f32
    %broadcast_in_dim3A_112 = vector.broadcast %broadcast_in_dim3A_111 : f32 to vector<1280x112xf32>
    %concatenate3A = tpu.concatenate %broadcast_in_dim3A, %broadcast_in_dim3A_40, %broadcast_in_dim3A_45, %broadcast_in_dim3A_50, %broadcast_in_dim3A_55, %broadcast_in_dim3A_60, %broadcast_in_dim3A_65, %broadcast_in_dim3A_70, %broadcast_in_dim3A_75, %broadcast_in_dim3A_80, %broadcast_in_dim3A_85, %broadcast_in_dim3A_90, %broadcast_in_dim3A_95, %broadcast_in_dim3A_100, %broadcast_in_dim3A_105, %broadcast_in_dim3A_110, %broadcast_in_dim3A_112 in 1 : vector<1280x1xf32>, vector<1280x1xf32>, vector<1280x1xf32>, vector<1280x1xf32>, vector<1280x1xf32>, vector<1280x1xf32>, vector<1280x1xf32>, vector<1280x1xf32>, vector<1280x1xf32>, vector<1280x1xf32>, vector<1280x1xf32>, vector<1280x1xf32>, vector<1280x1xf32>, vector<1280x1xf32>, vector<1280x1xf32>, vector<1280x1xf32>, vector<1280x112xf32> -> vector<1280x128xf32>
    %swap3A = arith.constant 0 : index
    %swap3A_113 = arith.constant 0 : index
    %swap3A_114 = vector.load %arg7[%swap3A, %swap3A_113] : memref<1280x128xf32, #tpu.memory_space<vmem>>, vector<1280x128xf32>
    tpu.vector_store %arg7[%swap3A, %swap3A_113], %concatenate3A {strides = array<i32>} : memref<1280x128xf32, #tpu.memory_space<vmem>>, vector<1280x128xf32>,
    return
  }
  func.func @transform_0(%arg0: i32) -> (i32, i32) {
    %add3A = arith.constant 0 : i32
    %add3A_0 = arith.addi %arg0, %add3A : i32
    %c0_i32 = arith.constant 0 : i32
    %c0_i32_1 = arith.constant 0 : i32
    return %add3A_0, %c0_i32 : i32, i32
  }
  func.func @transform_1(%arg0: i32) -> (i32, i32) {
    %c0_i32 = arith.constant 0 : i32
    %c0_i32_0 = arith.constant 0 : i32
    return %arg0, %c0_i32 : i32, i32
  }
  func.func @transform_2(%arg0: i32) -> (i32, i32) {
    %c0_i32 = arith.constant 0 : i32
    %c0_i32_0 = arith.constant 0 : i32
    %c0_i32_1 = arith.constant 0 : i32
    return %c0_i32, %c0_i32_0 : i32, i32
  }
  func.func @transform_3(%arg0: i32) -> (i32, i32) {
    %c0_i32 = arith.constant 0 : i32
    %c0_i32_0 = arith.constant 0 : i32
    %c0_i32_1 = arith.constant 0 : i32
    return %c0_i32, %c0_i32_0 : i32, i32
  }
  func.func @transform_4(%arg0: i32) -> (i32, i32) {
    %c0_i32 = arith.constant 0 : i32
    %c0_i32_0 = arith.constant 0 : i32
    %c0_i32_1 = arith.constant 0 : i32
    return %c0_i32, %c0_i32_0 : i32, i32
  }
  func.func @transform_5(%arg0: i32) -> (i32, i32) {
    %c0_i32 = arith.constant 0 : i32
    %c0_i32_0 = arith.constant 0 : i32
    %c0_i32_1 = arith.constant 0 : i32
    return %c0_i32, %c0_i32_0 : i32, i32
  }
  func.func @transform_6(%arg0: i32) -> (i32, i32) {
    %c0_i32 = arith.constant 0 : i32
    %c0_i32_0 = arith.constant 0 : i32
    return %arg0, %c0_i32 : i32, i32
  }
}

module attributes {stable_mosaic.version = 14 : i64} {
  func.func @_mlp_body(%arg0: i32, %arg1: memref<160x128xf32, #tpu.memory_space<vmem>>, %arg2: memref<1280x128xf32, #tpu.memory_space<vmem>>, %arg3: memref<128x1024xf32, #tpu.memory_space<vmem>>, %arg4: memref<1x128xf32, #tpu.memory_space<vmem>>, %arg5: memref<128x2048xbf16, #tpu.memory_space<vmem>>, %arg6: memref<1x2048xf32, #tpu.memory_space<vmem>>, %arg7: memref<1280x128xf32, #tpu.memory_space<vmem>>) attributes {dimension_semantics = [#tpu.dimension_semantics<arbitrary>], iteration_bounds = array<i64: 61>, scalar_prefetch = 0 : i64, scratch_operands = 0 : i64, tpu.core_type = #tpu.core_type<tc>, window_params = [{transform_indices = @transform_0, window_bounds = array<i64: 160, 128>}, {transform_indices = @transform_1, window_bounds = array<i64: 1280, 128>}, {pipeline_mode = #tpu.pipeline_mode<synchronous>, transform_indices = @transform_2, window_bounds = array<i64: 128, 1024>}, {pipeline_mode = #tpu.pipeline_mode<synchronous>, transform_indices = @transform_3, window_bounds = array<i64: 1, 128>}, {pipeline_mode = #tpu.pipeline_mode<synchronous>, transform_indices = @transform_4, window_bounds = array<i64: 128, 2048>}, {pipeline_mode = #tpu.pipeline_mode<synchronous>, transform_indices = @transform_5, window_bounds = array<i64: 1, 2048>}, {transform_indices = @transform_6, window_bounds = array<i64: 1280, 128>}]} {
    %get3A = arith.constant 0 : index
    %get3A_0 = arith.constant 0 : index
    %get3A_1 = vector.load %arg1[%get3A, %get3A_0] : memref<160x128xf32, #tpu.memory_space<vmem>>, vector<160x128xf32>
    %get3A_2 = arith.constant 0 : index
    %get3A_3 = arith.constant 0 : index
    %get3A_4 = vector.load %arg3[%get3A_2, %get3A_3] : memref<128x1024xf32, #tpu.memory_space<vmem>>, vector<128x1024xf32>
    %dot_general3A = arith.constant dense<0.000000e+00> : vector<160x1024xf32>
    %dot_general3A_5 = tpu.matmul %get3A_1, %get3A_4, %dot_general3A {dimension_numbers = #tpu.dot_dimension_numbers<[1], [0], [0], [1], [0, 0, 1, 1], [], []>, transpose_lhs_hint = false} : vector<160x128xf32>, vector<128x1024xf32>, vector<160x1024xf32> -> vector<160x1024xf32>
    %reshape3A = vector.shape_cast %dot_general3A_5 : vector<160x1024xf32> to vector<1280x128xf32>
    %get3A_6 = arith.constant 0 : index
    %get3A_7 = arith.constant 0 : index
    %get3A_8 = vector.load %arg4[%get3A_6, %get3A_7] : memref<1x128xf32, #tpu.memory_space<vmem>>, vector<1x128xf32>
    %add3A = vector.broadcast %get3A_8 : vector<1x128xf32> to vector<1280x128xf32>
    %add3A_9 = arith.addf %reshape3A, %add3A : vector<1280x128xf32>
    %ge3A = arith.constant 0.000000e+00 : f32
    %ge3A_10 = vector.broadcast %ge3A : f32 to vector<1280x128xf32>
    %ge3A_11 = arith.cmpf oge, %add3A_9, %ge3A_10 : vector<1280x128xf32>
    %mul3A = arith.constant 0.00999999977 : f32
    %mul3A_12 = vector.broadcast %mul3A : f32 to vector<1280x128xf32>
    %mul3A_13 = arith.mulf %mul3A_12, %add3A_9 : vector<1280x128xf32>
    %select_n3A = arith.select %ge3A_11, %add3A_9, %mul3A_13 : vector<1280x128xi1>, vector<1280x128xf32>
    %convert_element_type3A = arith.truncf %select_n3A : vector<1280x128xf32> to vector<1280x128xbf16>
    %get3A_14 = arith.constant 0 : index
    %get3A_15 = arith.constant 0 : index
    %get3A_16 = vector.load %arg5[%get3A_14, %get3A_15] : memref<128x2048xbf16, #tpu.memory_space<vmem>>, vector<128x2048xbf16>
    %dot_general3A_17 = arith.constant dense<0.000000e+00> : vector<1280x2048xf32>
    %dot_general3A_18 = tpu.matmul %convert_element_type3A, %get3A_16, %dot_general3A_17 {dimension_numbers = #tpu.dot_dimension_numbers<[1], [0], [0], [1], [0, 0, 1, 1], [], []>, transpose_lhs_hint = false} : vector<1280x128xbf16>, vector<128x2048xbf16>, vector<1280x2048xf32> -> vector<1280x2048xf32>
    %get3A_19 = arith.constant 0 : index
    %get3A_20 = arith.constant 0 : index
    %get3A_21 = vector.load %arg6[%get3A_19, %get3A_20] : memref<1x2048xf32, #tpu.memory_space<vmem>>, vector<1x2048xf32>
    %add3A_22 = vector.broadcast %get3A_21 : vector<1x2048xf32> to vector<1280x2048xf32>
    %add3A_23 = arith.addf %dot_general3A_18, %add3A_22 : vector<1280x2048xf32>
    %ge3A_24 = arith.constant 0.000000e+00 : f32
    %ge3A_25 = vector.broadcast %ge3A_24 : f32 to vector<1280x2048xf32>
    %ge3A_26 = arith.cmpf oge, %add3A_23, %ge3A_25 : vector<1280x2048xf32>
    %mul3A_27 = arith.constant 0.00999999977 : f32
    %mul3A_28 = vector.broadcast %mul3A_27 : f32 to vector<1280x2048xf32>
    %mul3A_29 = arith.mulf %mul3A_28, %add3A_23 : vector<1280x2048xf32>
    %select_n3A_30 = arith.select %ge3A_26, %add3A_23, %mul3A_29 : vector<1280x2048xi1>, vector<1280x2048xf32>
    %get3A_31 = arith.constant 0 : index
    %get3A_32 = arith.constant 0 : index
    %get3A_33 = vector.load %arg2[%get3A_31, %get3A_32] : memref<1280x128xf32, #tpu.memory_space<vmem>>, vector<1280x128xf32>
    %slice3A = vector.extract_strided_slice %select_n3A_30 {offsets = [0, 0], sizes = [1280, 128], strides = [1, 1]} : vector<1280x2048xf32> to vector<1280x128xf32>
    %mul3A_34 = arith.mulf %slice3A, %get3A_33 : vector<1280x128xf32>
    %reduce_sum3A = arith.constant dense<0.000000e+00> : vector<1280xf32>
    %reduce_sum3A_35 = vector.multi_reduction <add>, %mul3A_34, %reduce_sum3A [1] : vector<1280x128xf32> to vector<1280xf32>
    %broadcast_in_dim3A = vector.shape_cast %reduce_sum3A_35 : vector<1280xf32> to vector<1280x1xf32>
    %slice3A_36 = vector.extract_strided_slice %select_n3A_30 {offsets = [0, 128], sizes = [1280, 128], strides = [1, 1]} : vector<1280x2048xf32> to vector<1280x128xf32>
    %mul3A_37 = arith.mulf %slice3A_36, %get3A_33 : vector<1280x128xf32>
    %reduce_sum3A_38 = arith.constant dense<0.000000e+00> : vector<1280xf32>
    %reduce_sum3A_39 = vector.multi_reduction <add>, %mul3A_37, %reduce_sum3A_38 [1] : vector<1280x128xf32> to vector<1280xf32>
    %broadcast_in_dim3A_40 = vector.shape_cast %reduce_sum3A_39 : vector<1280xf32> to vector<1280x1xf32>
    %slice3A_41 = vector.extract_strided_slice %select_n3A_30 {offsets = [0, 256], sizes = [1280, 128], strides = [1, 1]} : vector<1280x2048xf32> to vector<1280x128xf32>
    %mul3A_42 = arith.mulf %slice3A_41, %get3A_33 : vector<1280x128xf32>
    %reduce_sum3A_43 = arith.constant dense<0.000000e+00> : vector<1280xf32>
    %reduce_sum3A_44 = vector.multi_reduction <add>, %mul3A_42, %reduce_sum3A_43 [1] : vector<1280x128xf32> to vector<1280xf32>
    %broadcast_in_dim3A_45 = vector.shape_cast %reduce_sum3A_44 : vector<1280xf32> to vector<1280x1xf32>
    %slice3A_46 = vector.extract_strided_slice %select_n3A_30 {offsets = [0, 384], sizes = [1280, 128], strides = [1, 1]} : vector<1280x2048xf32> to vector<1280x128xf32>
    %mul3A_47 = arith.mulf %slice3A_46, %get3A_33 : vector<1280x128xf32>
    %reduce_sum3A_48 = arith.constant dense<0.000000e+00> : vector<1280xf32>
    %reduce_sum3A_49 = vector.multi_reduction <add>, %mul3A_47, %reduce_sum3A_48 [1] : vector<1280x128xf32> to vector<1280xf32>
    %broadcast_in_dim3A_50 = vector.shape_cast %reduce_sum3A_49 : vector<1280xf32> to vector<1280x1xf32>
    %slice3A_51 = vector.extract_strided_slice %select_n3A_30 {offsets = [0, 512], sizes = [1280, 128], strides = [1, 1]} : vector<1280x2048xf32> to vector<1280x128xf32>
    %mul3A_52 = arith.mulf %slice3A_51, %get3A_33 : vector<1280x128xf32>
    %reduce_sum3A_53 = arith.constant dense<0.000000e+00> : vector<1280xf32>
    %reduce_sum3A_54 = vector.multi_reduction <add>, %mul3A_52, %reduce_sum3A_53 [1] : vector<1280x128xf32> to vector<1280xf32>
    %broadcast_in_dim3A_55 = vector.shape_cast %reduce_sum3A_54 : vector<1280xf32> to vector<1280x1xf32>
    %slice3A_56 = vector.extract_strided_slice %select_n3A_30 {offsets = [0, 640], sizes = [1280, 128], strides = [1, 1]} : vector<1280x2048xf32> to vector<1280x128xf32>
    %mul3A_57 = arith.mulf %slice3A_56, %get3A_33 : vector<1280x128xf32>
    %reduce_sum3A_58 = arith.constant dense<0.000000e+00> : vector<1280xf32>
    %reduce_sum3A_59 = vector.multi_reduction <add>, %mul3A_57, %reduce_sum3A_58 [1] : vector<1280x128xf32> to vector<1280xf32>
    %broadcast_in_dim3A_60 = vector.shape_cast %reduce_sum3A_59 : vector<1280xf32> to vector<1280x1xf32>
    %slice3A_61 = vector.extract_strided_slice %select_n3A_30 {offsets = [0, 768], sizes = [1280, 128], strides = [1, 1]} : vector<1280x2048xf32> to vector<1280x128xf32>
    %mul3A_62 = arith.mulf %slice3A_61, %get3A_33 : vector<1280x128xf32>
    %reduce_sum3A_63 = arith.constant dense<0.000000e+00> : vector<1280xf32>
    %reduce_sum3A_64 = vector.multi_reduction <add>, %mul3A_62, %reduce_sum3A_63 [1] : vector<1280x128xf32> to vector<1280xf32>
    %broadcast_in_dim3A_65 = vector.shape_cast %reduce_sum3A_64 : vector<1280xf32> to vector<1280x1xf32>
    %slice3A_66 = vector.extract_strided_slice %select_n3A_30 {offsets = [0, 896], sizes = [1280, 128], strides = [1, 1]} : vector<1280x2048xf32> to vector<1280x128xf32>
    %mul3A_67 = arith.mulf %slice3A_66, %get3A_33 : vector<1280x128xf32>
    %reduce_sum3A_68 = arith.constant dense<0.000000e+00> : vector<1280xf32>
    %reduce_sum3A_69 = vector.multi_reduction <add>, %mul3A_67, %reduce_sum3A_68 [1] : vector<1280x128xf32> to vector<1280xf32>
    %broadcast_in_dim3A_70 = vector.shape_cast %reduce_sum3A_69 : vector<1280xf32> to vector<1280x1xf32>
    %slice3A_71 = vector.extract_strided_slice %select_n3A_30 {offsets = [0, 1024], sizes = [1280, 128], strides = [1, 1]} : vector<1280x2048xf32> to vector<1280x128xf32>
    %mul3A_72 = arith.mulf %slice3A_71, %get3A_33 : vector<1280x128xf32>
    %reduce_sum3A_73 = arith.constant dense<0.000000e+00> : vector<1280xf32>
    %reduce_sum3A_74 = vector.multi_reduction <add>, %mul3A_72, %reduce_sum3A_73 [1] : vector<1280x128xf32> to vector<1280xf32>
    %broadcast_in_dim3A_75 = vector.shape_cast %reduce_sum3A_74 : vector<1280xf32> to vector<1280x1xf32>
    %slice3A_76 = vector.extract_strided_slice %select_n3A_30 {offsets = [0, 1152], sizes = [1280, 128], strides = [1, 1]} : vector<1280x2048xf32> to vector<1280x128xf32>
    %mul3A_77 = arith.mulf %slice3A_76, %get3A_33 : vector<1280x128xf32>
    %reduce_sum3A_78 = arith.constant dense<0.000000e+00> : vector<1280xf32>
    %reduce_sum3A_79 = vector.multi_reduction <add>, %mul3A_77, %reduce_sum3A_78 [1] : vector<1280x128xf32> to vector<1280xf32>
    %broadcast_in_dim3A_80 = vector.shape_cast %reduce_sum3A_79 : vector<1280xf32> to vector<1280x1xf32>
    %slice3A_81 = vector.extract_strided_slice %select_n3A_30 {offsets = [0, 1280], sizes = [1280, 128], strides = [1, 1]} : vector<1280x2048xf32> to vector<1280x128xf32>
    %mul3A_82 = arith.mulf %slice3A_81, %get3A_33 : vector<1280x128xf32>
    %reduce_sum3A_83 = arith.constant dense<0.000000e+00> : vector<1280xf32>
    %reduce_sum3A_84 = vector.multi_reduction <add>, %mul3A_82, %reduce_sum3A_83 [1] : vector<1280x128xf32> to vector<1280xf32>
    %broadcast_in_dim3A_85 = vector.shape_cast %reduce_sum3A_84 : vector<1280xf32> to vector<1280x1xf32>
    %slice3A_86 = vector.extract_strided_slice %select_n3A_30 {offsets = [0, 1408], sizes = [1280, 128], strides = [1, 1]} : vector<1280x2048xf32> to vector<1280x128xf32>
    %mul3A_87 = arith.mulf %slice3A_86, %get3A_33 : vector<1280x128xf32>
    %reduce_sum3A_88 = arith.constant dense<0.000000e+00> : vector<1280xf32>
    %reduce_sum3A_89 = vector.multi_reduction <add>, %mul3A_87, %reduce_sum3A_88 [1] : vector<1280x128xf32> to vector<1280xf32>
    %broadcast_in_dim3A_90 = vector.shape_cast %reduce_sum3A_89 : vector<1280xf32> to vector<1280x1xf32>
    %slice3A_91 = vector.extract_strided_slice %select_n3A_30 {offsets = [0, 1536], sizes = [1280, 128], strides = [1, 1]} : vector<1280x2048xf32> to vector<1280x128xf32>
    %mul3A_92 = arith.mulf %slice3A_91, %get3A_33 : vector<1280x128xf32>
    %reduce_sum3A_93 = arith.constant dense<0.000000e+00> : vector<1280xf32>
    %reduce_sum3A_94 = vector.multi_reduction <add>, %mul3A_92, %reduce_sum3A_93 [1] : vector<1280x128xf32> to vector<1280xf32>
    %broadcast_in_dim3A_95 = vector.shape_cast %reduce_sum3A_94 : vector<1280xf32> to vector<1280x1xf32>
    %slice3A_96 = vector.extract_strided_slice %select_n3A_30 {offsets = [0, 1664], sizes = [1280, 128], strides = [1, 1]} : vector<1280x2048xf32> to vector<1280x128xf32>
    %mul3A_97 = arith.mulf %slice3A_96, %get3A_33 : vector<1280x128xf32>
    %reduce_sum3A_98 = arith.constant dense<0.000000e+00> : vector<1280xf32>
    %reduce_sum3A_99 = vector.multi_reduction <add>, %mul3A_97, %reduce_sum3A_98 [1] : vector<1280x128xf32> to vector<1280xf32>
    %broadcast_in_dim3A_100 = vector.shape_cast %reduce_sum3A_99 : vector<1280xf32> to vector<1280x1xf32>
    %slice3A_101 = vector.extract_strided_slice %select_n3A_30 {offsets = [0, 1792], sizes = [1280, 128], strides = [1, 1]} : vector<1280x2048xf32> to vector<1280x128xf32>
    %mul3A_102 = arith.mulf %slice3A_101, %get3A_33 : vector<1280x128xf32>
    %reduce_sum3A_103 = arith.constant dense<0.000000e+00> : vector<1280xf32>
    %reduce_sum3A_104 = vector.multi_reduction <add>, %mul3A_102, %reduce_sum3A_103 [1] : vector<1280x128xf32> to vector<1280xf32>
    %broadcast_in_dim3A_105 = vector.shape_cast %reduce_sum3A_104 : vector<1280xf32> to vector<1280x1xf32>
    %slice3A_106 = vector.extract_strided_slice %select_n3A_30 {offsets = [0, 1920], sizes = [1280, 128], strides = [1, 1]} : vector<1280x2048xf32> to vector<1280x128xf32>
    %mul3A_107 = arith.mulf %slice3A_106, %get3A_33 : vector<1280x128xf32>
    %reduce_sum3A_108 = arith.constant dense<0.000000e+00> : vector<1280xf32>
    %reduce_sum3A_109 = vector.multi_reduction <add>, %mul3A_107, %reduce_sum3A_108 [1] : vector<1280x128xf32> to vector<1280xf32>
    %broadcast_in_dim3A_110 = vector.shape_cast %reduce_sum3A_109 : vector<1280xf32> to vector<1280x1xf32>
    %broadcast_in_dim3A_111 = arith.constant 0.000000e+00 : f32
    %broadcast_in_dim3A_112 = vector.broadcast %broadcast_in_dim3A_111 : f32 to vector<1280x112xf32>
    %concatenate3A = tpu.concatenate %broadcast_in_dim3A, %broadcast_in_dim3A_40, %broadcast_in_dim3A_45, %broadcast_in_dim3A_50, %broadcast_in_dim3A_55, %broadcast_in_dim3A_60, %broadcast_in_dim3A_65, %broadcast_in_dim3A_70, %broadcast_in_dim3A_75, %broadcast_in_dim3A_80, %broadcast_in_dim3A_85, %broadcast_in_dim3A_90, %broadcast_in_dim3A_95, %broadcast_in_dim3A_100, %broadcast_in_dim3A_105, %broadcast_in_dim3A_110, %broadcast_in_dim3A_112 in 1 : vector<1280x1xf32>, vector<1280x1xf32>, vector<1280x1xf32>, vector<1280x1xf32>, vector<1280x1xf32>, vector<1280x1xf32>, vector<1280x1xf32>, vector<1280x1xf32>, vector<1280x1xf32>, vector<1280x1xf32>, vector<1280x1xf32>, vector<1280x1xf32>, vector<1280x1xf32>, vector<1280x1xf32>, vector<1280x1xf32>, vector<1280x1xf32>, vector<1280x112xf32> -> vector<1280x128xf32>
    %swap3A = arith.constant 0 : index
    %swap3A_113 = arith.constant 0 : index
    %swap3A_114 = vector.load %arg7[%swap3A, %swap3A_113] : memref<1280x128xf32, #tpu.memory_space<vmem>>, vector<1280x128xf32>
    tpu.vector_store %arg7[%swap3A, %swap3A_113], %concatenate3A {strides = array<i32>} : memref<1280x128xf32, #tpu.memory_space<vmem>>, vector<1280x128xf32>,
    return
  }
  func.func @transform_0(%arg0: i32) -> (i32, i32) {
    %add3A = arith.constant 64 : i32
    %add3A_0 = arith.addi %arg0, %add3A : i32
    %c0_i32 = arith.constant 0 : i32
    %c0_i32_1 = arith.constant 0 : i32
    return %add3A_0, %c0_i32 : i32, i32
  }
  func.func @transform_1(%arg0: i32) -> (i32, i32) {
    %c0_i32 = arith.constant 0 : i32
    %c0_i32_0 = arith.constant 0 : i32
    return %arg0, %c0_i32 : i32, i32
  }
  func.func @transform_2(%arg0: i32) -> (i32, i32) {
    %c0_i32 = arith.constant 0 : i32
    %c0_i32_0 = arith.constant 0 : i32
    %c0_i32_1 = arith.constant 0 : i32
    return %c0_i32, %c0_i32_0 : i32, i32
  }
  func.func @transform_3(%arg0: i32) -> (i32, i32) {
    %c0_i32 = arith.constant 0 : i32
    %c0_i32_0 = arith.constant 0 : i32
    %c0_i32_1 = arith.constant 0 : i32
    return %c0_i32, %c0_i32_0 : i32, i32
  }
  func.func @transform_4(%arg0: i32) -> (i32, i32) {
    %c0_i32 = arith.constant 0 : i32
    %c0_i32_0 = arith.constant 0 : i32
    %c0_i32_1 = arith.constant 0 : i32
    return %c0_i32, %c0_i32_0 : i32, i32
  }
  func.func @transform_5(%arg0: i32) -> (i32, i32) {
    %c0_i32 = arith.constant 0 : i32
    %c0_i32_0 = arith.constant 0 : i32
    %c0_i32_1 = arith.constant 0 : i32
    return %c0_i32, %c0_i32_0 : i32, i32
  }
  func.func @transform_6(%arg0: i32) -> (i32, i32) {
    %c0_i32 = arith.constant 0 : i32
    %c0_i32_0 = arith.constant 0 : i32
    return %arg0, %c0_i32 : i32, i32
  }
}

module attributes {stable_mosaic.version = 14 : i64} {
  func.func @_finish_body(%arg0: memref<2x10112x128xf32, #tpu.memory_space<vmem>>, %arg1: memref<2x10112x128xf32, #tpu.memory_space<vmem>>, %arg2: memref<10000x128xf32, #tpu.memory_space<vmem>>, %arg3: memref<128x16xf32, #tpu.memory_space<vmem>>, %arg4: memref<1x16xf32, #tpu.memory_space<vmem>>, %arg5: memref<10000x16xf32, #tpu.memory_space<vmem>>) attributes {dimension_semantics = [], scalar_prefetch = 0 : i64, scratch_operands = 0 : i64, tpu.core_type = #tpu.core_type<tc>} {
    %get3A = arith.constant 0 : index
    %get3A_0 = arith.constant 0 : index
    %get3A_1 = vector.load %arg2[%get3A, %get3A_0] : memref<10000x128xf32, #tpu.memory_space<vmem>>, vector<10000x128xf32>
    %get3A_2 = arith.constant 0 : index
    %get3A_3 = arith.constant 0 : index
    %get3A_4 = vector.load %arg3[%get3A_2, %get3A_3] : memref<128x16xf32, #tpu.memory_space<vmem>>, vector<128x16xf32>
    %dot_general3A = arith.constant dense<0.000000e+00> : vector<10000x16xf32>
    %dot_general3A_5 = tpu.matmul %get3A_1, %get3A_4, %dot_general3A {dimension_numbers = #tpu.dot_dimension_numbers<[1], [0], [0], [1], [0, 0, 1, 1], [], []>, transpose_lhs_hint = false} : vector<10000x128xf32>, vector<128x16xf32>, vector<10000x16xf32> -> vector<10000x16xf32>
    %get3A_6 = arith.constant 0 : index
    %get3A_7 = arith.constant 0 : index
    %get3A_8 = arith.constant 0 : index
    %get3A_9 = vector.load %arg0[%get3A_6, %get3A_7, %get3A_8] : memref<2x10112x128xf32, #tpu.memory_space<vmem>>, vector<1x10000x16xf32>
    %get3A_10 = vector.shape_cast %get3A_9 : vector<1x10000x16xf32> to vector<10000x16xf32>
    %get3A_11 = arith.constant 1 : index
    %get3A_12 = arith.constant 0 : index
    %get3A_13 = arith.constant 0 : index
    %get3A_14 = vector.load %arg0[%get3A_11, %get3A_12, %get3A_13] : memref<2x10112x128xf32, #tpu.memory_space<vmem>>, vector<1x10000x16xf32>
    %get3A_15 = vector.shape_cast %get3A_14 : vector<1x10000x16xf32> to vector<10000x16xf32>
    %add3A = arith.addf %get3A_10, %get3A_15 : vector<10000x16xf32>
    %get3A_16 = arith.constant 0 : index
    %get3A_17 = arith.constant 0 : index
    %get3A_18 = arith.constant 0 : index
    %get3A_19 = vector.load %arg1[%get3A_16, %get3A_17, %get3A_18] : memref<2x10112x128xf32, #tpu.memory_space<vmem>>, vector<1x10000x16xf32>
    %get3A_20 = vector.shape_cast %get3A_19 : vector<1x10000x16xf32> to vector<10000x16xf32>
    %add3A_21 = arith.addf %add3A, %get3A_20 : vector<10000x16xf32>
    %get3A_22 = arith.constant 1 : index
    %get3A_23 = arith.constant 0 : index
    %get3A_24 = arith.constant 0 : index
    %get3A_25 = vector.load %arg1[%get3A_22, %get3A_23, %get3A_24] : memref<2x10112x128xf32, #tpu.memory_space<vmem>>, vector<1x10000x16xf32>
    %get3A_26 = vector.shape_cast %get3A_25 : vector<1x10000x16xf32> to vector<10000x16xf32>
    %add3A_27 = arith.addf %add3A_21, %get3A_26 : vector<10000x16xf32>
    %add3A_28 = arith.addf %add3A_27, %dot_general3A_5 : vector<10000x16xf32>
    %get3A_29 = arith.constant 0 : index
    %get3A_30 = arith.constant 0 : index
    %get3A_31 = vector.load %arg4[%get3A_29, %get3A_30] : memref<1x16xf32, #tpu.memory_space<vmem>>, vector<1x16xf32>
    %add3A_32 = vector.broadcast %get3A_31 : vector<1x16xf32> to vector<10000x16xf32>
    %add3A_33 = arith.addf %add3A_28, %add3A_32 : vector<10000x16xf32>
    %swap3A = arith.constant 0 : index
    %swap3A_34 = arith.constant 0 : index
    %swap3A_35 = vector.load %arg5[%swap3A, %swap3A_34] : memref<10000x16xf32, #tpu.memory_space<vmem>>, vector<10000x16xf32>
    tpu.vector_store %arg5[%swap3A, %swap3A_34], %add3A_33 {strides = array<i32>} : memref<10000x16xf32, #tpu.memory_space<vmem>>, vector<10000x16xf32>,
    return
  }
}

</mosaic_0001>

<sc_bundles>
// kernel: kernel.12.cloned.1.call-start
scs
__scs_entry_jumppad:
0x0: {  	(pc) =	sbr.rel $0x88, $3  }
0x1: {  	(tag) =	ssettag $0x0;
	lr =	simm.s32 $0x1  }
0x2: {  	[smem:$0x3F90] =	sst lr;
	_ =	strace $0xD0000000  }
0x3: {  	_ = 	snop  }
0x4: {  	_ = 	snop  }
0x5: {  	_ = 	snop  }
0x6: {  	_ = 	snop  }
0x7: {  	_ = 	snop  }
__scs_overlays_trampoline_lowered:
0x8: {  	[smem:$0x3F9F] =	sst s0  }
0x9: {  	[smem:$0x3FA0] =	sst s1  }
0xa: {  	[smem:$0x3FA1] =	sst s2  }
0xb: {  	[smem:$0x3FA2] =	sst s3  }
0xc: {  	[smem:$0x3FA3] =	sst s4  }
0xd: {  	[smem:$0x3FA4] =	sst s5  }
0xe: {  	[smem:$0x3FA5] =	sst s6  }
0xf: {  	[smem:$0x3FA6] =	sst s7  }
0x10: {  	[smem:$0x3FA7] =	sst s8  }
0x11: {  	[smem:$0x3FA8] =	sst s9;
	s0 =	simm.s32 @!p0 $0x0  }
0x12: {  	s1 =	sld [smem:$0x3F8E];
	s0 =	simm.s32 @p0 $0x1  }
0x13: {  	[smem:$0x3FA9] =	sst s0;
	s0 =	simm.s32 @!p1 $0x0  }
0x14: {  	s2 =	sld [smem:$0x3F8D];
	s0 =	simm.s32 @p1 $0x1  }
0x15: {  	[smem:$0x3FAA] =	sst s0;
	s0 =	simm.s32 @!p2 $0x0  }
0x16: {  	s3 =	sld [smem:$0x3FDB];
	s0 =	simm.s32 @p2 $0x1  }
0x17: {  	s4 =	simm.s32 $0x1BF5;
	[smem:$0x3FAC] =	sst s0  }
0x18: {  	s0 =	sld [smem:$0x3F8F];
	_ =	swait.ge [sflag:s4], $0x0  }
0x19: {  	s7 =	sld [smem:$0x3F90]  }
0x1a: {  	s8 =	sadd.s32 $0xFFFFE003, lr  }
0x1b: {  	s9 =	sadd.s32 $0xFFFFFEF7, lr;
	s5 =	simm.s32 $0xFFFFFFFF;
	p2 =	slt.u32 s8, $0xFFFFF086  }
0x1c: {  	p1 =	slt.u32 s9, $0xF7A;
	s5 =	simm.s32 @!p2 $0x0  }
0x1d: {  	s5 =	simm.s32 @p1 $0x1;
	p0 =	seq.s32 s7, s2  }
0x1e: {  	s7 =	smul.u32 @!p0 $0xF7A, s2;
	p2 =	seq.s32 @!p0 s5, $0x0  }
0x1f: {  	s9 =	smul.u32 $0xF7A, s1;
	s8 =	simm.s32 @!p0 $0x1BF5;
	p2 =	por !p2, p0  }
0x20: {  	[sflag:s8] =	ssyncset.s32 @!p0 $0xFFFFF086;
	s6 =	sadd.s32 @!p0 s3, s7;
	s7 =	simm.s32 @!p0 $0x108  }
0x21: {  	s3 =	sadd.s32 s3, s9;
	s6 =	sadd.s32 @!p0 $0x88, s6;
	s7 =	simm.s32 @p2 $0x1082  }
0x22: {  	[simem:s7], [sflag:s8] =	dma.local @!p0 [hbm:s6], $0xF7A  }
0x23: {  	s9 =	sor.u32 $0xD0000000, s2;
	s6 =	simm.s32 $0x108;
	_ =	swait.ge @!p0 [sflag:s8], $0x0  }
0x24: {  	s3 =	sadd.s32 $0x88, s3;
	s6 =	simm.s32 @!p1 $0x1082;
	[sflag:s4] =	ssyncset.s32 $0xFFFFF086  }
0x25: {  	[simem:s6], [sflag:s4] =	dma.local [hbm:s3], $0xF7A  }
0x26: {  	[smem:$0x3F90] =	sst s1;
	(tag) =	ssettag s2;
	_ =	strace s9  }
0x27: {  	s1 =	sld [smem:$0x3FA0]  }
0x28: {  	s2 =	sld [smem:$0x3FA1]  }
0x29: {  	s4 =	sld [smem:$0x3FA3]  }
0x2a: {  	p0 =	seq.s32 s5, $0x0;
	s5 =	sld [smem:$0x3FA4]  }
0x2b: {  	s6 =	sld [smem:$0x3FA5]  }
0x2c: {  	s7 =	sld [smem:$0x3FA6]  }
0x2d: {  	s3 =	simm.s32 $0x108;
	s8 =	sld [smem:$0x3FA7]  }
0x2e: {  	s3 =	simm.s32 @!p0 $0x1082;
	s9 =	sld [smem:$0x3FA8]  }
0x2f: {  	lr =	sadd.s32 s0, s3;
	s0 =	sld [smem:$0x3F9F]  }
0x30: {  	s3 =	sld [smem:$0x3FA2]  }
0x31: {  	[smem:$0x3FAB] =	sst s10  }
0x32: {  	s10 =	sld [smem:$0x3FA9];
	_ =	sdelay $0x3  }
0x33: {  	p0 =	seq.s32 s10, $0x1;
	s10 =	sld [smem:$0x3FAB];
	_ =	sdelay $0x3  }
0x34: {  	[smem:$0x3FAB] =	sst s10  }
0x35: {  	s10 =	sld [smem:$0x3FAA];
	_ =	sdelay $0x3  }
0x36: {  	p1 =	seq.s32 s10, $0x1;
	s10 =	sld [smem:$0x3FAB];
	_ =	sdelay $0x3  }
0x37: {  	[smem:$0x3FAB] =	sst s10  }
0x38: {  	s10 =	sld [smem:$0x3FAC]  }
0x39: {  	_ = 	snop;
	(pc) =	sbr.ind lr, $3  }
0x3a: {  	_ = 	snop  }
0x3b: {  	_ = 	snop  }
0x3c: {  	p2 =	seq.s32 s10, $0x1;
	s10 =	sld [smem:$0x3FAB]  }
0x3d: {  	_ =	shalt  }
0x3e: {  	_ =	shalt  }
0x3f: {  	_ =	shalt  }
0x40: {  	_ =	shalt  }
0x41: {  	_ =	shalt  }
0x42: {  	_ =	shalt  }
0x43: {  	_ =	shalt  }
0x44: {  	_ =	shalt  }
0x45: {  	_ =	shalt  }
0x46: {  	_ =	shalt  }
0x47: {  	_ =	shalt  }
0x48: {  	_ =	shalt  }
0x49: {  	_ =	shalt  }
0x4a: {  	_ =	shalt  }
0x4b: {  	_ =	shalt  }
0x4c: {  	_ =	shalt  }
0x4d: {  	_ =	shalt  }
0x4e: {  	_ =	shalt  }
0x4f: {  	_ =	shalt  }
0x50: {  	_ =	shalt  }
0x51: {  	_ =	shalt  }
0x52: {  	_ =	shalt  }
0x53: {  	_ =	shalt  }
0x54: {  	_ =	shalt  }
0x55: {  	_ =	shalt  }
0x56: {  	_ =	shalt  }
0x57: {  	_ =	shalt  }
0x58: {  	_ =	shalt  }
0x59: {  	_ =	shalt  }
0x5a: {  	_ =	shalt  }
0x5b: {  	_ =	shalt  }
0x5c: {  	_ =	shalt  }
0x5d: {  	_ =	shalt  }
0x5e: {  	_ =	shalt  }
0x5f: {  	_ =	shalt  }
0x60: {  	_ =	shalt  }
0x61: {  	_ =	shalt  }
0x62: {  	_ =	shalt  }
0x63: {  	_ =	shalt  }
0x64: {  	_ =	shalt  }
0x65: {  	_ =	shalt  }
0x66: {  	_ =	shalt  }
0x67: {  	_ =	shalt  }
0x68: {  	_ =	shalt  }
0x69: {  	_ =	shalt  }
0x6a: {  	_ =	shalt  }
0x6b: {  	_ =	shalt  }
0x6c: {  	_ =	shalt  }
0x6d: {  	_ =	shalt  }
0x6e: {  	_ =	shalt  }
0x6f: {  	_ =	shalt  }
0x70: {  	_ =	shalt  }
0x71: {  	_ =	shalt  }
0x72: {  	_ =	shalt  }
0x73: {  	_ =	shalt  }
0x74: {  	_ =	shalt  }
0x75: {  	_ =	shalt  }
0x76: {  	_ =	shalt  }
0x77: {  	_ =	shalt  }
0x78: {  	_ =	shalt  }
0x79: {  	_ =	shalt  }
0x7a: {  	_ =	shalt  }
0x7b: {  	_ =	shalt  }
0x7c: {  	_ =	shalt  }
0x7d: {  	_ =	shalt  }
0x7e: {  	_ =	shalt  }
0x7f: {  	_ =	shalt  }
0x80: {  	_ =	shalt  }
0x81: {  	_ =	shalt  }
0x82: {  	_ =	shalt  }
0x83: {  	_ =	shalt  }
0x84: {  	_ =	shalt  }
0x85: {  	_ =	shalt  }
0x86: {  	_ =	shalt  }
0x87: {  	_ =	shalt  }
.Lfunc_end0:
.L_simem_size_0:
called_computation.1_lowered:
.L_overlay_start_0:
0x88: {  	s2 =	sld [smem:$0x3FD9]  }
0x89: {  	s3 =	sld [smem:$0x3FFE];
	_ =	sdelay $0x1  }
0x8a: {  	s1 =	srdreg.scid  }
0x8b: {  	s0 =	sand.u32 $0x1, s1  }
0x8c: {  	s17 =	sshll.u32 s0, $0xA;
	s2 =	sadd.s32 s3, s2  }
0x8d: {  	s2 =	sadd.s32 s2, s17  }
0x8e: {  	[smem:$0x3FB7] =	sst s2  }
0x8f: {  	_ = 	snop  }
0x90: {  	s18 =	sld [smem:$0x3FC9];
	(tm) =	ssettm $0x1  }
0x91: {  	s19 =	sld [smem:$0x3FFB];
	_ =	sdelay $0x3  }
0x92: {  	_ =	strace s19  }
0x93: {  	s2 =	sld [smem:$0x3FFC];
	_ =	sdelay $0x3  }
0x94: {  	_ =	strace s2  }
0x95: {  	s2 =	sld [smem:$0x3FFD];
	_ =	sdelay $0x3  }
0x96: {  	_ =	strace s2  }
0x97: {  	_ =	strace $0x8FFFFFFF  }
0x98: {  	s20 =	sld [smem:$0x3FDB];
	_ =	sdelay $0x1  }
0x99: {  	s4 =	simm.s32 $_scs_section_size  }
0x9a: {  	s5 =	simm.s32 $_size__tile_overlayer_lowered;
	s6 =	simm.s32 $_tile_overlayer_lowered  }
0x9b: {  	s7 =	simm.s32 $0x1BFF;
	s21 =	sshll.u32 s6, $0x1;
	s4 =	sadd.s32 s4, s20  }
0x9c: {  	s22 =	simm.s32 $0x0;
	s5 =	sshll.u32 s5, $0x1;
	s6 =	sadd.s32 s21, s4  }
0x9d: {  	[timem:s22], [sflag:s7] =	dma.local [hbm:s6], s5  }
0x9e: {  	_ =	swait.ge [sflag:s7], s5  }
0x9f: {  	s5 =	ssub.s32 $0x0, s5;
	[sflag:s7] =	ssyncset.done $0x0  }
0xa0: {  	[sflag:s7] =	ssyncadd.s32 s5;
	_ =	sdelay $0x1  }
0xa1: {  	s23 =	simm.s32 $0x1B8B  }
0xa2: {  	_ =	swait.ge [sflag:s23], $0x1  }
0xa3: {  	[sflag:s23] =	ssyncset.done $0x0  }
0xa4: {  	[sflag:s23] =	ssyncadd.s32 $0xFFFFFFFF  }
0xa5: {  	s5 =	sld [smem:$0x0]  }
0xa6: {  	s6 =	sand.u32 $0xFFFFFFFE, s1  }
0xa7: {  	p0 =	sne.s32 s1, s6  }
0xa8: {  	s6 =	sshll.u32 @p0 s6, $0xE  }
0xa9: {  	s6 =	sadd.s32 @p0 $0x11B8D, s6;
	s7 =	sshll.u32 @p0 s5, $0x11  }
0xaa: {  	s6 =	sor.u32 @p0 s7, s6  }
0xab: {  	[sflag:s6] =	ssyncadd.remote.s32 @p0 $0x1;
	_ =	sdelay $0x1  }
0xac: {  	s6 =	simm.s32 @p0 $0x1B8D  }
0xad: {  	_ =	swait.eq @p0 [sflag:s6], $0x1  }
0xae: {  	[sflag:s6] =	ssyncadd.s32 @p0 $0xFFFFFFFF  }
0xaf: {  	s7 =	sshll.u32 @!p0 s1, $0xE  }
0xb0: {  	s7 =	sor.u32 @!p0 $0x4000, s7;
	s6 =	simm.s32 @!p0 $0x1B8D  }
0xb1: {  	s5 =	sshll.u32 @!p0 s5, $0x11;
	s7 =	sadd.s32 @!p0 $0x11B8D, s7;
	_ =	swait.eq @!p0 [sflag:s6], $0x1  }
0xb2: {  	s5 =	sor.u32 @!p0 s5, s7;
	[sflag:s6] =	ssyncadd.s32 @!p0 $0xFFFFFFFF  }
0xb3: {  	s25 =	simm.s32 $0x1B8E;
	s24 =	sld [smem:$0x3FFE];
	[sflag:s5] =	ssyncadd.remote.s32 @!p0 $0x1  }
0xb4: {  	s26 =	simm.s32 $execute0_lowered;
	[smem:$0x3FD2] =	sst s25  }
0xb5: {  	s6 =	sshll.u32 s26, $0x1;
	_ =	strace $0x80000050;
	[dreg:$0x1] =	wrdreg $0xFFFFFFFF  }
0xb6: {  	s28 =	simm.s32 $_size_execute0_lowered;
	s4 =	sadd.s32 s4, s6;
	[dreg:$0x0] =	wrdreg $0x0  }
0xb7: {  	s6 =	sshll.u32 s28, $0x1;
	[dreg:$0x2] =	wrdreg s4  }
0xb8: {  	[dreg:$0x3] =	wrdreg s6  }
0xb9: {  	[dreg:$0x4] =	wrdreg $0xC0  }
0xba: {  	_ =	task [dreg:s22], $0x5FFFF  }
0xbb: {  	[dreg:$0x1] =	wrdreg $0xFFFFFFFF  }
0xbc: {  	[dreg:$0x0] =	wrdreg $0x60  }
0xbd: {  	[dreg:$0x2] =	wrdreg s18  }
0xbe: {  	[dreg:$0x3] =	wrdreg s24  }
0xbf: {  	[dreg:$0x4] =	wrdreg $0x9  }
0xc0: {  	_ =	task.clear_ibuf [dreg:s22], $0x5FFFF;
	_ =	strace $0x90000050  }
0xc1: {  	s29 =	simm.s32 $0x9;
	_ =	strace $0x80000059  }
0xc2: {  	_ =	swait.ge [sflag:s29], $0x1  }
0xc3: {  	[sflag:s29] =	ssyncadd.s32 $0xFFFFFFFF  }
0xc4: {  	_ =	strace $0x90000059  }
0xc5: {  	_ =	sfence  }
0xc6: {  	s30 =	sld [smem:$0x0];
	_ =	sdelay $0x2  }
0xc7: {  	s31 =	sshll.u32 s1, $0xD;
	s1 =	sshrl.u32 s1, $0x2  }
0xc8: {  	s4 =	sand.u32 $0x4000, s31;
	s1 =	sadd.s32 s1, s30  }
0xc9: {  	s0 =	sor.u32 s4, s0;
	s1 =	sshll.u32 s1, $0x11  }
0xca: {  	s0 =	sor.u32 s1, s0  }
0xcb: {  	s0 =	sadd.s32 $0x8F2B, s0  }
0xcc: {  	[sflag:s0] =	ssyncadd.remote.s32 $0x1  }
0xcd: {  	_ =	sfence.sel $0xFFFF  }
0xce: {  	[dreg:$0x0] =	wrdreg $0xFFFFFFFF;
	(pc) =	sbr.abs _section_cstart, $3  }
0xcf: {  	[dreg:$0x1] =	wrdreg $0xFFFFFFFF  }
0xd0: {  	_ =	task.clear_ibuf [dreg:s22], $0x2FFFF;
	_ =	strace $0x9FFFFFFF  }
0xd1: {  	(tm) =	ssettm $0x7FFFFFFF  }
tec
execute0_lowered:
.L_overlay_start_1:
0x0: {  	(tag) =	ssettag $0x1  }
0x1: {  	s0 =	rddreg [dreg:$0x0]  }
0x2: {  	s1 =	srdreg.scid;
	s4 =	rddreg [dreg:$0x1];
	s2 =	simm.s32 $0x0  }
0x3: {  	s9 =	simm.s32 $0x1;
	s10 =	simm.s32 $0x80;
	s5 =	sand.u32 $0x1, s1  }
0x4: {  	[dreg:$0x3] =	wrdreg s0;
	s1 =	stileid.u32;
	s3 =	sshll.u32 s5, $0x4  }
0x5: {  	s11 =	simm.s32 $0x0;
	[smem:$0x7FF] =	sst s2;
	s3 =	sor.u32 s1, s3  }
0x6: {  	s8 =	sadd.s32 $0x149400, s4;
	s4 =	sadd.s32 $0x4400, s4;
	s6 =	smul.u32 $0x13, s3  }
0x7: {  	_ =	strace $0x80000051;
	[dreg:$0x5] =	wrdreg s8;
	s7 =	smul.u32 $0x14, s3  }
0x8: {  	s30 =	ssub.s32 $0x2, s5;
	p0 =	slt.u32 s3, $0x2;
	s3 =	sadd.s32 $0x2, s6  }
0x9: {  	s5 =	simm.s32 $0x14;
	[dreg:$0x4] =	wrdreg s10;
	s3 =	smov.u32 @p0 s7  }
0xa: {  	s10 =	simm.s32 $0x5;
	s31 =	sshrl.u32 s30, $0x1;
	s7 =	sshll.u32 s3, $0x4  }
0xb: {  	s8 =	ssub.s32 s30, s31;
	s5 =	simm.s32 @!p0 $0x13;
	s7 =	sadd.s32 s7, s4  }
0xc: {  	s8 =	smax.u32 s8, $0x1;
	s6 =	sadd.s32 $0x2800, s7;
	s7 =	sadd.s32 $0xFFFFFFFF, s5  }
.LBB2_1:
0xd: {  	_ =	strace $0x80000052;
	p0 =	seq.s32 s5, $0x1;
	s14 =	simm.s32 $0x1  }
0xe: {  	[tilespmem:s2], [sflag:$0x1] =	stream.linear.gather [hbm4b:s6+s2], $0x80, $0x200038;
	[tilespmem:$0x8100] =	vst v63  }
0xf: {  	p1 =	sne.s32 s5, $0x1;
	s14 =	simm.s32 @p0 $0x0  }
.Ltmp0:
0x10: {  	p6 =	sgt.u32 s7, $0x0;
	p3 =	sne.s32 s14, $0x0;
	(pc) =	sbr.rel @!p1 .LBB2_2-.Ltmp0, $4  }
0x11: {  	p0 =	por !p6, !p3  }
0x12: {  	s12 =	simm.s32 $0x1;
	s13 =	sadd.s32 $0x0, s3;
	p4 =	por !p0, !p0  }
0x13: {  	p5 =	por $0x1, $0x1;
	s15 =	sadd.s32 @p4 s3, s14;
	s26 =	sand.u32 @p4 $0x1, s9  }
0x14: {  	_ =	strace $0x90000052;
	s28 =	sshll.u32 @p4 s15, $0x7;
	s23 =	sshll.u32 @p4 s26, $0x7  }
0x15: {  	s15 =	sadd.s32 @p4 $0x14000, s28  }
0x16: {  	s16 =	sadd.s32 @p4 $0x1, s26;
	s15 =	sshrl.u32 @p4 s15, $0x3  }
0x17: {  	s17 =	simm.s32 @p4 $0x0;
	_ =	strace @p4 $0x80000053;
	s15 =	sadd.s32 @p4 s4, s15  }
0x18: {  	[tilespmem:s23], [sflag:s16] =	stream.linear.gather @p4 [hbm4b:s15+s17], $0x80, $0x200038;
	[tilespmem:$0x8100] =	vst v63  }
0x19: {  	s22 =	sand.u32 $0x1, s2;
	_ =	strace @p4 $0x90000053  }
0x1a: {  	p0 =	sne.s32 s5, $0x2;
	s26 =	sadd.s32 $0x1, s22;
	_ =	strace $0x80000054  }
0x1b: {  	s0 =	simm.s32 @!p0 $0x0;
	_ =	swait.ge [sflag:s26], $0x80  }
0x1c: {  	p2 =	por p5, p5;
	s0 =	simm.s32 @p0 $0x1;
	[sflag:s26] =	ssyncset.done $0x0  }
0x1d: {  	s29 =	simm.s32 $0x0;
	[smem:$0x7FC] =	sst s0;
	[sflag:s26] =	ssyncadd.s32 $0xFFFFFF80  }
0x1e: {  	s25 =	sshll.u32 s22, $0xE;
	s15 =	simm.s32 $0x1;
	_ =	strace $0x90000054  }
0x1f: {  	s25 =	sor.u32 $0x100, s25;
	s15 =	simm.s32 @!p4 $0x0;
	_ =	strace $0x80000055  }
0x20: {  	s16 =	sadd.s32 $0x1, s15;
	s15 =	sand.u32 @!p5 $0x1, s2;
	s20 =	rddreg [dreg:$0x3]  }
0x21: {  	s19 =	sadd.s32 @!p2 $0x3, s15;
	s15 =	sand.u32 $0x80, s29;
	s30 =	rddreg [dreg:$0x4]  }
0x22: {  	[tilespmem:s25], [sflag:$0x5] =	stream.indirect.gather [hbm4b:s20+s30], $0x80, s15, s30, $0x2000b8;
	[tilespmem:$0x8100] =	vst v63  }
0x23: {  	s21 =	sadd.s32 $0x1, s14;
	_ =	swait.ge [sflag:s10], $0x4000  }
0x24: {  	p6 =	seq.s32 s21, s5;
	[sflag:s10] =	ssyncset.done $0x0  }
0x25: {  	p0 =	seq.s32 s7, $0x0;
	p4 =	por p3, p3;
	[sflag:s10] =	ssyncadd.s32 $0xFFFFC000  }
0x26: {  	s21 =	simm.s32 @p6 $0x0;
	p6 =	por p0, p4;
	_ =	strace $0x90000055  }
0x27: {  	_ =	strace @p6 $0x80000056  }
0x28: {  	s18 =	simm.s32 $0x2;
	s31 =	sld [smem:$0x7FC]  }
0x29: {  	s24 =	simm.s32 $0x1;
	p3 =	por $0x0, $0x0;
	p0 =	por $0x1, $0x1  }
0x2a: {  	p1 =	sgt.u32 s7, $0x1;
	s24 =	simm.s32 @!p3 $0x0;
	s0 =	simm.s32 @!p0 $0x0  }
0x2b: {  	p3 =	sne.s32 s14, s21;
	s0 =	simm.s32 @p0 $0x1;
	p0 =	seq.s32 s31, $0x1  }
.Ltmp1:
0x2c: {  	s17 =	sadd.s32 s3, s14;
	p1 =	por !p1, !p3;
	(pc) =	sbr.rel @!p0 .LBB2_4-.Ltmp1, $4  }
0x2d: {  	s14 =	sadd.s32 $0x0, s24;
	s24 =	simm.s32 $0x1;
	p4 =	por !p1, !p1  }
0x2e: {  	p5 =	por $0x0, $0x0;
	s24 =	simm.s32 @!p6 $0x0;
	s26 =	sand.u32 @p4 $0x1, s16  }
0x2f: {  	s23 =	sshll.u32 @p4 s26, $0x7;
	s15 =	sadd.s32 @p4 s3, s21;
	s20 =	simm.s32 $0x0  }
0x30: {  	s28 =	sshll.u32 @p4 s15, $0x7;
	s15 =	simm.s32 $0x0;
	[smem:$0x7FD] =	sst s0  }
.LBB2_5:
0x31: {  	s0 =	rddreg [dreg:$0x5];
	p0 =	por p3, p3  }
0x32: {  	[smem:$0x7FA] =	sst s1;
	s1 =	simm.s32 @!p0 $0x0  }
0x33: {  	s13 =	sshll.u32 @p6 s13, $0xB;
	s1 =	simm.s32 @p0 $0x1  }
0x34: {  	s22 =	sadd.s32 @p6 $0x3, s22;
	s13 =	sand.u32 @p6 $0x1FFFF800, s13;
	[smem:$0x7FB] =	sst s1  }
0x35: {  	s0 =	sadd.s32 @p6 s0, s13;
	s13 =	simm.s32 @p6 $0x0;
	s1 =	sld [smem:$0x7FA]  }
0x36: {  	[hbm4b:s0+s13] =	stream.linear.scatter @p6 [tilespmem:s25], [sflag:s22], $0x4000, $0x200038;
	[tilespmem:$0x8100] =	vst v63  }
0x37: {  	s30 =	sadd.s32 @p4 $0x14000, s28;
	s31 =	simm.s32 $0x1;
	_ =	strace @p6 $0x90000056  }
0x38: {  	s29 =	smov.u32 s12;
	s12 =	smov.u32 s18;
	_ =	strace @!p2 $0x80000057  }
0x39: {  	s28 =	smov.u32 s21;
	s15 =	sadd.s32 s24, s15;
	_ =	swait.ge @!p2 [sflag:s19], $0x4000  }
0x3a: {  	s26 =	sadd.s32 @p4 $0x1, s26;
	s20 =	sadd.s32 s24, s20;
	[sflag:s19] =	ssyncset.done @!p2 $0x0  }
0x3b: {  	s24 =	simm.s32 @p4 $0x0;
	s31 =	simm.s32 @!p4 $0x0;
	[sflag:s19] =	ssyncadd.s32 @!p2 $0xFFFFC000  }
0x3c: {  	s30 =	sshrl.u32 @p4 s30, $0x3;
	p3 =	sne.s32 s29, $0x0;
	_ =	strace @!p2 $0x90000057  }
0x3d: {  	s30 =	sadd.s32 @p4 s4, s30;
	s16 =	sadd.s32 s31, s16;
	_ =	strace @p4 $0x80000053  }
0x3e: {  	[tilespmem:s23], [sflag:s26] =	stream.linear.gather @p4 [hbm4b:s30+s24], $0x80, $0x200038;
	[tilespmem:$0x8100] =	vst v63  }
0x3f: {  	s31 =	sand.u32 $0x1, s20;
	s22 =	sand.u32 @!p5 $0x1, s14;
	_ =	strace @p4 $0x90000053  }
0x40: {  	s13 =	smov.u32 s17;
	s0 =	sadd.s32 $0x1, s31;
	_ =	strace $0x80000054  }
0x41: {  	s17 =	sadd.s32 s3, s21;
	s25 =	simm.s32 $0x1;
	_ =	swait.ge [sflag:s0], $0x80  }
0x42: {  	s21 =	sadd.s32 $0x1, s21;
	s25 =	simm.s32 @!p3 $0x0;
	[sflag:s0] =	ssyncset.done $0x0  }
0x43: {  	p3 =	seq.s32 s21, s5;
	p2 =	por p5, p5;
	[sflag:s0] =	ssyncadd.s32 $0xFFFFFF80  }
0x44: {  	s14 =	sadd.s32 s25, s14;
	s19 =	sadd.s32 @!p2 $0x3, s22;
	_ =	strace $0x90000054  }
0x45: {  	s22 =	sand.u32 $0x1, s15;
	s23 =	sshll.u32 s20, $0x7;
	_ =	strace $0x80000055  }
0x46: {  	s30 =	sshll.u32 s22, $0xE;
	p4 =	seq.s32 s7, s29;
	s24 =	rddreg [dreg:$0x3]  }
0x47: {  	s25 =	sor.u32 $0x100, s30;
	s0 =	sand.u32 $0x80, s23;
	s29 =	rddreg [dreg:$0x4]  }
0x48: {  	[tilespmem:s25], [sflag:$0x5] =	stream.indirect.gather [hbm4b:s24+s29], $0x80, s0, s29, $0x2000b8;
	[tilespmem:$0x8100] =	vst v63  }
0x49: {  	s18 =	sadd.s32 $0x1, s18;
	s21 =	simm.s32 @p3 $0x0;
	_ =	swait.ge [sflag:s10], $0x4000  }
0x4a: {  	p0 =	slt.u32 s12, s7;
	p3 =	sne.s32 s28, s21;
	s31 =	sld [smem:$0x7FB]  }
0x4b: {  	p1 =	sne.s32 s5, s18;
	p0 =	por !p0, !p3  }
.Ltmp2:
0x4c: {  	p5 =	seq.s32 s12, $0x0;
	[sflag:s10] =	ssyncset.done $0x0;
	(pc) =	sbr.rel @p1 .LBB2_5-.Ltmp2, $4  }
0x4d: {  	s24 =	simm.s32 $0x1;
	[sflag:s10] =	ssyncadd.s32 $0xFFFFC000;
	p6 =	seq.s32 s31, $0x1  }
0x4e: {  	_ =	strace $0x90000055;
	p6 =	por p4, p6;
	p4 =	por !p0, !p0  }
0x4f: {  	s24 =	simm.s32 @!p6 $0x0;
	s0 =	sadd.s32 @p4 s3, s21;
	s26 =	sand.u32 @p4 $0x1, s16  }
0x50: {  	_ =	strace @p6 $0x80000056;
	s28 =	sshll.u32 @p4 s0, $0x7;
	s23 =	sshll.u32 @p4 s26, $0x7  }
0x51: {  	s16 =	smov.u32 s13;
	s13 =	smov.u32 s17  }
.LBB2_7:
0x52: {  	s0 =	sld [smem:$0x7FD];
	_ =	sdelay $0x2  }
0x53: {  	p1 =	seq.s32 s0, $0x1  }
0x54: {  	p0 =	por !p6, !p1  }
0x55: {  	s16 =	sshll.u32 @!p0 s16, $0xB  }
0x56: {  	s0 =	rddreg [dreg:$0x5];
	s16 =	sand.u32 @!p0 $0x1FFFF800, s16  }
0x57: {  	s17 =	sadd.s32 @!p0 $0x3, s22;
	s0 =	sadd.s32 @!p0 s0, s16;
	s16 =	simm.s32 @!p0 $0x0  }
0x58: {  	[hbm4b:s0+s16] =	stream.linear.scatter @!p0 [tilespmem:s25], [sflag:s17], $0x4000, $0x200038;
	[tilespmem:$0x8100] =	vst v63  }
0x59: {  	_ =	strace @!p0 $0x90000056;
	p0 =	por p2, !p1  }
0x5a: {  	_ =	strace @!p0 $0x80000057  }
0x5b: {  	_ =	swait.ge @!p0 [sflag:s19], $0x4000  }
0x5c: {  	s18 =	simm.s32 $0x0;
	s0 =	sadd.s32 @p4 $0x14000, s28;
	[sflag:s19] =	ssyncset.done @!p0 $0x0  }
0x5d: {  	s16 =	sadd.s32 @p4 $0x1, s26;
	s17 =	sadd.s32 @p1 s24, s20;
	[sflag:s19] =	ssyncadd.s32 @!p0 $0xFFFFC000  }
0x5e: {  	s0 =	sshrl.u32 @p4 s0, $0x3;
	s18 =	smov.u32 @p1 s17;
	_ =	strace @!p0 $0x90000057  }
0x5f: {  	s17 =	simm.s32 @p4 $0x0;
	s0 =	sadd.s32 @p4 s4, s0;
	_ =	strace @p4 $0x80000053  }
0x60: {  	[tilespmem:s23], [sflag:s16] =	stream.linear.gather @p4 [hbm4b:s0+s17], $0x80, $0x200038;
	[tilespmem:$0x8100] =	vst v63  }
0x61: {  	s25 =	sand.u32 $0x1, s18;
	_ =	strace @p4 $0x90000053  }
0x62: {  	s0 =	sadd.s32 $0x1, s25;
	_ =	strace $0x80000054  }
0x63: {  	_ =	swait.ge [sflag:s0], $0x80  }
0x64: {  	[sflag:s0] =	ssyncset.done $0x0  }
0x65: {  	[sflag:s0] =	ssyncadd.s32 $0xFFFFFF80;
	s0 =	sadd.s32 @p1 s24, s15;
	s15 =	simm.s32 $0x0  }
0x66: {  	_ =	strace $0x90000054;
	s15 =	smov.u32 @p1 s0  }
0x67: {  	_ =	strace $0x80000055;
	s15 =	sand.u32 $0x1, s15  }
0x68: {  	s29 =	sshll.u32 s18, $0x7;
	s26 =	rddreg [dreg:$0x3];
	s30 =	sshll.u32 s15, $0xE  }
0x69: {  	s17 =	sand.u32 $0x80, s29;
	s28 =	rddreg [dreg:$0x4];
	s18 =	sor.u32 $0x100, s30  }
0x6a: {  	[tilespmem:s18], [sflag:$0x5] =	stream.indirect.gather [hbm4b:s26+s28], $0x80, s17, s28, $0x2000b8;
	[tilespmem:$0x8100] =	vst v63  }
0x6b: {  	_ =	swait.ge [sflag:s10], $0x4000  }
0x6c: {  	[sflag:s10] =	ssyncset.done $0x0  }
0x6d: {  	p6 =	seq.s32 s7, s12;
	p4 =	por p3, p3;
	[sflag:s10] =	ssyncadd.s32 $0xFFFFC000  }
0x6e: {  	p0 =	por p6, p4;
	_ =	strace $0x90000055  }
0x6f: {  	s13 =	sshll.u32 @p0 s13, $0xB;
	_ =	strace @p0 $0x80000056  }
0x70: {  	s13 =	sand.u32 @p0 $0x1FFFF800, s13;
	s0 =	rddreg [dreg:$0x5]  }
0x71: {  	s15 =	sadd.s32 @p0 $0x3, s15;
	s0 =	sadd.s32 @p0 s0, s13;
	s13 =	simm.s32 @p0 $0x0  }
0x72: {  	[hbm4b:s0+s13] =	stream.linear.scatter @p0 [tilespmem:s18], [sflag:s15], $0x4000, $0x200038;
	[tilespmem:$0x8100] =	vst v63  }
0x73: {  	p1 =	por p5, p5;
	s0 =	sand.u32 @!p5 $0x1, s14;
	_ =	strace @p0 $0x90000056  }
0x74: {  	s0 =	sadd.s32 @!p1 $0x3, s0;
	_ =	strace @!p1 $0x80000057  }
0x75: {  	p0 =	sne.s32 s12, $0x0;
	s12 =	simm.s32 $0x1;
	_ =	swait.ge @!p1 [sflag:s0], $0x4000  }
0x76: {  	s12 =	simm.s32 @!p0 $0x0;
	[sflag:s0] =	ssyncset.done @!p1 $0x0  }
0x77: {  	s11 =	sadd.s32 $0x1, s11;
	s12 =	sadd.s32 s12, s14;
	[sflag:s0] =	ssyncadd.s32 @!p1 $0xFFFFC000  }
0x78: {  	p0 =	sne.s32 s11, s8;
	s31 =	sand.u32 $0x1, s12;
	_ =	strace @!p1 $0x90000057  }
.Ltmp3:
0x79: {  	s0 =	sadd.s32 $0x3, s31;
	_ =	strace $0x80000058;
	(pc) =	sbr.rel @p0 .LBB2_1-.Ltmp3, $4  }
.Ltmp4:
0x7a: {  	_ =	swait.ge [sflag:s0], $0x4000;
	(pc) =	sbr.rel @!p0 .LBB2_8-.Ltmp4, $4  }
0x7b: {  	[sflag:s0] =	ssyncset.done $0x0  }
0x7c: {  	[sflag:s0] =	ssyncadd.s32 $0xFFFFC000  }
0x7d: {  	_ =	strace $0x90000058  }
0x7e: {  	_ = 	snop  }
.LBB2_2:
.Ltmp5:
0x7f: {  	(pc) =	sbr.rel .LBB2_7-.Ltmp5, $4  }
0x80: {  	p0 =	por $0x0, $0x0  }
0x81: {  	s0 =	simm.s32 @!p0 $0x0  }
0x82: {  	s12 =	simm.s32 $0x0;
	s15 =	simm.s32 $0x0;
	s0 =	simm.s32 @p0 $0x1  }
0x83: {  	s20 =	simm.s32 $0x0;
	s14 =	simm.s32 $0x0;
	[smem:$0x7FD] =	sst s0  }
.LBB2_4:
.Ltmp6:
0x84: {  	(pc) =	sbr.rel .LBB2_7-.Ltmp6, $3  }
0x85: {  	_ =	sdelay $0x1  }
0x86: {  	s16 =	smov.u32 s13  }
0x87: {  	s15 =	simm.s32 $0x0;
	s20 =	simm.s32 $0x0;
	s13 =	smov.u32 s17  }
.LBB2_8:
0x88: {  	_ =	sfence.sel $0x180000  }
0x89: {  	[bflag:$0x0] =	sbarrier.arrive $0xFFFF  }
0x8a: {  	_ =	strace $0x90000051  }
0x8b: {  	[bflag:$0x2] =	sbarrier.arrive $0xFFFF  }
0x8c: {  	p0 =	sne.s32 s1, $0x0;
	s0 =	rddreg [dreg:$0x2]  }
0x8d: {  	s0 =	sadd.s32 @!p0 $0x100000, s0  }
0x8e: {  	[sflag:s0] =	ssyncadd.tile.s32 @!p0 $0x1;
	_ =	shalt  }
.Lfunc_end2:
_tile_overlayer_lowered:
.L_overlay_start_2:
0x8f: {  	(tag) =	ssettag $0x2  }
0x90: {  	s0 =	rddreg [dreg:$0x0];
	s2 =	stileid.u32  }
0x91: {  	s1 =	rddreg [dreg:$0x1];
	p0 =	sne.s32 s2, $0x0  }
0x92: {  	s3 =	rddreg [dreg:$0x2];
	[bflag:$0x3] =	sbarrier.arrive $0xFFFF;
	s2 =	simm.s32 @!p0 $0x1C01  }
0x93: {  	[timem:s3], [sflag:s2] =	dma.local @!p0 [hbm:s0], s1  }
0x94: {  	s0 =	simm.s32 @!p0 $0x1  }
0x95: {  	_ =	swait.ge @!p0 [sflag:s0], s1  }
0x96: {  	s1 =	ssub.s32 @!p0 $0x0, s1;
	[sflag:s0] =	ssyncset.done @!p0 $0x0  }
0x97: {  	[sflag:s0] =	ssyncadd.s32 @!p0 s1  }
0x98: {  	[bflag:$0x3] =	sbarrier.arrive $0xFFFF  }
0x99: {  	_ =	shalt  }

// kernel: kernel.15.cloned.1.call-start
scs
__scs_entry_jumppad:
0x0: {  	(pc) =	sbr.rel $0x88, $3  }
0x1: {  	(tag) =	ssettag $0x0;
	lr =	simm.s32 $0x1  }
0x2: {  	[smem:$0x3F90] =	sst lr;
	_ =	strace $0xD0000000  }
0x3: {  	_ = 	snop  }
0x4: {  	_ = 	snop  }
0x5: {  	_ = 	snop  }
0x6: {  	_ = 	snop  }
0x7: {  	_ = 	snop  }
__scs_overlays_trampoline_lowered:
0x8: {  	[smem:$0x3F9F] =	sst s0  }
0x9: {  	[smem:$0x3FA0] =	sst s1  }
0xa: {  	[smem:$0x3FA1] =	sst s2  }
0xb: {  	[smem:$0x3FA2] =	sst s3  }
0xc: {  	[smem:$0x3FA3] =	sst s4  }
0xd: {  	[smem:$0x3FA4] =	sst s5  }
0xe: {  	[smem:$0x3FA5] =	sst s6  }
0xf: {  	[smem:$0x3FA6] =	sst s7  }
0x10: {  	[smem:$0x3FA7] =	sst s8  }
0x11: {  	[smem:$0x3FA8] =	sst s9;
	s0 =	simm.s32 @!p0 $0x0  }
0x12: {  	s1 =	sld [smem:$0x3F8E];
	s0 =	simm.s32 @p0 $0x1  }
0x13: {  	[smem:$0x3FA9] =	sst s0;
	s0 =	simm.s32 @!p1 $0x0  }
0x14: {  	s2 =	sld [smem:$0x3F8D];
	s0 =	simm.s32 @p1 $0x1  }
0x15: {  	[smem:$0x3FAA] =	sst s0;
	s0 =	simm.s32 @!p2 $0x0  }
0x16: {  	s3 =	sld [smem:$0x3FDB];
	s0 =	simm.s32 @p2 $0x1  }
0x17: {  	s4 =	simm.s32 $0x1BF5;
	[smem:$0x3FAC] =	sst s0  }
0x18: {  	s0 =	sld [smem:$0x3F8F];
	_ =	swait.ge [sflag:s4], $0x0  }
0x19: {  	s7 =	sld [smem:$0x3F90]  }
0x1a: {  	s8 =	sadd.s32 $0xFFFFE003, lr  }
0x1b: {  	s9 =	sadd.s32 $0xFFFFFEF7, lr;
	s5 =	simm.s32 $0xFFFFFFFF;
	p2 =	slt.u32 s8, $0xFFFFF086  }
0x1c: {  	p1 =	slt.u32 s9, $0xF7A;
	s5 =	simm.s32 @!p2 $0x0  }
0x1d: {  	s5 =	simm.s32 @p1 $0x1;
	p0 =	seq.s32 s7, s2  }
0x1e: {  	s7 =	smul.u32 @!p0 $0xF7A, s2;
	p2 =	seq.s32 @!p0 s5, $0x0  }
0x1f: {  	s9 =	smul.u32 $0xF7A, s1;
	s8 =	simm.s32 @!p0 $0x1BF5;
	p2 =	por !p2, p0  }
0x20: {  	[sflag:s8] =	ssyncset.s32 @!p0 $0xFFFFF086;
	s6 =	sadd.s32 @!p0 s3, s7;
	s7 =	simm.s32 @!p0 $0x108  }
0x21: {  	s3 =	sadd.s32 s3, s9;
	s6 =	sadd.s32 @!p0 $0x88, s6;
	s7 =	simm.s32 @p2 $0x1082  }
0x22: {  	[simem:s7], [sflag:s8] =	dma.local @!p0 [hbm:s6], $0xF7A  }
0x23: {  	s9 =	sor.u32 $0xD0000000, s2;
	s6 =	simm.s32 $0x108;
	_ =	swait.ge @!p0 [sflag:s8], $0x0  }
0x24: {  	s3 =	sadd.s32 $0x88, s3;
	s6 =	simm.s32 @!p1 $0x1082;
	[sflag:s4] =	ssyncset.s32 $0xFFFFF086  }
0x25: {  	[simem:s6], [sflag:s4] =	dma.local [hbm:s3], $0xF7A  }
0x26: {  	[smem:$0x3F90] =	sst s1;
	(tag) =	ssettag s2;
	_ =	strace s9  }
0x27: {  	s1 =	sld [smem:$0x3FA0]  }
0x28: {  	s2 =	sld [smem:$0x3FA1]  }
0x29: {  	s4 =	sld [smem:$0x3FA3]  }
0x2a: {  	p0 =	seq.s32 s5, $0x0;
	s5 =	sld [smem:$0x3FA4]  }
0x2b: {  	s6 =	sld [smem:$0x3FA5]  }
0x2c: {  	s7 =	sld [smem:$0x3FA6]  }
0x2d: {  	s3 =	simm.s32 $0x108;
	s8 =	sld [smem:$0x3FA7]  }
0x2e: {  	s3 =	simm.s32 @!p0 $0x1082;
	s9 =	sld [smem:$0x3FA8]  }
0x2f: {  	lr =	sadd.s32 s0, s3;
	s0 =	sld [smem:$0x3F9F]  }
0x30: {  	s3 =	sld [smem:$0x3FA2]  }
0x31: {  	[smem:$0x3FAB] =	sst s10  }
0x32: {  	s10 =	sld [smem:$0x3FA9];
	_ =	sdelay $0x3  }
0x33: {  	p0 =	seq.s32 s10, $0x1;
	s10 =	sld [smem:$0x3FAB];
	_ =	sdelay $0x3  }
0x34: {  	[smem:$0x3FAB] =	sst s10  }
0x35: {  	s10 =	sld [smem:$0x3FAA];
	_ =	sdelay $0x3  }
0x36: {  	p1 =	seq.s32 s10, $0x1;
	s10 =	sld [smem:$0x3FAB];
	_ =	sdelay $0x3  }
0x37: {  	[smem:$0x3FAB] =	sst s10  }
0x38: {  	s10 =	sld [smem:$0x3FAC]  }
0x39: {  	_ = 	snop;
	(pc) =	sbr.ind lr, $3  }
0x3a: {  	_ = 	snop  }
0x3b: {  	_ = 	snop  }
0x3c: {  	p2 =	seq.s32 s10, $0x1;
	s10 =	sld [smem:$0x3FAB]  }
0x3d: {  	_ =	shalt  }
0x3e: {  	_ =	shalt  }
0x3f: {  	_ =	shalt  }
0x40: {  	_ =	shalt  }
0x41: {  	_ =	shalt  }
0x42: {  	_ =	shalt  }
0x43: {  	_ =	shalt  }
0x44: {  	_ =	shalt  }
0x45: {  	_ =	shalt  }
0x46: {  	_ =	shalt  }
0x47: {  	_ =	shalt  }
0x48: {  	_ =	shalt  }
0x49: {  	_ =	shalt  }
0x4a: {  	_ =	shalt  }
0x4b: {  	_ =	shalt  }
0x4c: {  	_ =	shalt  }
0x4d: {  	_ =	shalt  }
0x4e: {  	_ =	shalt  }
0x4f: {  	_ =	shalt  }
0x50: {  	_ =	shalt  }
0x51: {  	_ =	shalt  }
0x52: {  	_ =	shalt  }
0x53: {  	_ =	shalt  }
0x54: {  	_ =	shalt  }
0x55: {  	_ =	shalt  }
0x56: {  	_ =	shalt  }
0x57: {  	_ =	shalt  }
0x58: {  	_ =	shalt  }
0x59: {  	_ =	shalt  }
0x5a: {  	_ =	shalt  }
0x5b: {  	_ =	shalt  }
0x5c: {  	_ =	shalt  }
0x5d: {  	_ =	shalt  }
0x5e: {  	_ =	shalt  }
0x5f: {  	_ =	shalt  }
0x60: {  	_ =	shalt  }
0x61: {  	_ =	shalt  }
0x62: {  	_ =	shalt  }
0x63: {  	_ =	shalt  }
0x64: {  	_ =	shalt  }
0x65: {  	_ =	shalt  }
0x66: {  	_ =	shalt  }
0x67: {  	_ =	shalt  }
0x68: {  	_ =	shalt  }
0x69: {  	_ =	shalt  }
0x6a: {  	_ =	shalt  }
0x6b: {  	_ =	shalt  }
0x6c: {  	_ =	shalt  }
0x6d: {  	_ =	shalt  }
0x6e: {  	_ =	shalt  }
0x6f: {  	_ =	shalt  }
0x70: {  	_ =	shalt  }
0x71: {  	_ =	shalt  }
0x72: {  	_ =	shalt  }
0x73: {  	_ =	shalt  }
0x74: {  	_ =	shalt  }
0x75: {  	_ =	shalt  }
0x76: {  	_ =	shalt  }
0x77: {  	_ =	shalt  }
0x78: {  	_ =	shalt  }
0x79: {  	_ =	shalt  }
0x7a: {  	_ =	shalt  }
0x7b: {  	_ =	shalt  }
0x7c: {  	_ =	shalt  }
0x7d: {  	_ =	shalt  }
0x7e: {  	_ =	shalt  }
0x7f: {  	_ =	shalt  }
0x80: {  	_ =	shalt  }
0x81: {  	_ =	shalt  }
0x82: {  	_ =	shalt  }
0x83: {  	_ =	shalt  }
0x84: {  	_ =	shalt  }
0x85: {  	_ =	shalt  }
0x86: {  	_ =	shalt  }
0x87: {  	_ =	shalt  }
.Lfunc_end0:
.L_simem_size_0:
called_computation.2_lowered:
.L_overlay_start_0:
0x88: {  	s2 =	sld [smem:$0x3FD9]  }
0x89: {  	s3 =	sld [smem:$0x3FFE];
	_ =	sdelay $0x1  }
0x8a: {  	s1 =	srdreg.scid  }
0x8b: {  	s0 =	sand.u32 $0x1, s1  }
0x8c: {  	s17 =	sshll.u32 s0, $0xA;
	s2 =	sadd.s32 s3, s2  }
0x8d: {  	s2 =	sadd.s32 s2, s17  }
0x8e: {  	[smem:$0x3FB7] =	sst s2  }
0x8f: {  	_ = 	snop  }
0x90: {  	s18 =	sld [smem:$0x3FD0];
	(tm) =	ssettm $0x1  }
0x91: {  	s19 =	sld [smem:$0x3FFB];
	_ =	sdelay $0x3  }
0x92: {  	_ =	strace s19  }
0x93: {  	s2 =	sld [smem:$0x3FFC];
	_ =	sdelay $0x3  }
0x94: {  	_ =	strace s2  }
0x95: {  	s2 =	sld [smem:$0x3FFD];
	_ =	sdelay $0x3  }
0x96: {  	_ =	strace s2  }
0x97: {  	_ =	strace $0x8FFFFFFF  }
0x98: {  	s20 =	sld [smem:$0x3FDB];
	_ =	sdelay $0x1  }
0x99: {  	s4 =	simm.s32 $_scs_section_size  }
0x9a: {  	s5 =	simm.s32 $_size__tile_overlayer_lowered;
	s6 =	simm.s32 $_tile_overlayer_lowered  }
0x9b: {  	s7 =	simm.s32 $0x1BFF;
	s21 =	sshll.u32 s6, $0x1;
	s4 =	sadd.s32 s4, s20  }
0x9c: {  	s22 =	simm.s32 $0x0;
	s5 =	sshll.u32 s5, $0x1;
	s6 =	sadd.s32 s21, s4  }
0x9d: {  	[timem:s22], [sflag:s7] =	dma.local [hbm:s6], s5  }
0x9e: {  	_ =	swait.ge [sflag:s7], s5  }
0x9f: {  	s5 =	ssub.s32 $0x0, s5;
	[sflag:s7] =	ssyncset.done $0x0  }
0xa0: {  	[sflag:s7] =	ssyncadd.s32 s5;
	_ =	sdelay $0x1  }
0xa1: {  	s23 =	simm.s32 $0x1B8B  }
0xa2: {  	_ =	swait.ge [sflag:s23], $0x1  }
0xa3: {  	[sflag:s23] =	ssyncset.done $0x0  }
0xa4: {  	[sflag:s23] =	ssyncadd.s32 $0xFFFFFFFF  }
0xa5: {  	s5 =	sld [smem:$0x0]  }
0xa6: {  	s6 =	sand.u32 $0xFFFFFFFE, s1  }
0xa7: {  	p0 =	sne.s32 s1, s6  }
0xa8: {  	s6 =	sshll.u32 @p0 s6, $0xE  }
0xa9: {  	s6 =	sadd.s32 @p0 $0x11B8D, s6;
	s7 =	sshll.u32 @p0 s5, $0x11  }
0xaa: {  	s6 =	sor.u32 @p0 s7, s6  }
0xab: {  	[sflag:s6] =	ssyncadd.remote.s32 @p0 $0x1;
	_ =	sdelay $0x1  }
0xac: {  	s6 =	simm.s32 @p0 $0x1B8D  }
0xad: {  	_ =	swait.eq @p0 [sflag:s6], $0x1  }
0xae: {  	[sflag:s6] =	ssyncadd.s32 @p0 $0xFFFFFFFF  }
0xaf: {  	s7 =	sshll.u32 @!p0 s1, $0xE  }
0xb0: {  	s7 =	sor.u32 @!p0 $0x4000, s7;
	s6 =	simm.s32 @!p0 $0x1B8D  }
0xb1: {  	s5 =	sshll.u32 @!p0 s5, $0x11;
	s7 =	sadd.s32 @!p0 $0x11B8D, s7;
	_ =	swait.eq @!p0 [sflag:s6], $0x1  }
0xb2: {  	s5 =	sor.u32 @!p0 s5, s7;
	[sflag:s6] =	ssyncadd.s32 @!p0 $0xFFFFFFFF  }
0xb3: {  	s25 =	simm.s32 $0x1B8E;
	s24 =	sld [smem:$0x3FFE];
	[sflag:s5] =	ssyncadd.remote.s32 @!p0 $0x1  }
0xb4: {  	s26 =	simm.s32 $execute0_lowered;
	[smem:$0x3FD2] =	sst s25  }
0xb5: {  	s6 =	sshll.u32 s26, $0x1;
	_ =	strace $0x8000005A;
	[dreg:$0x1] =	wrdreg $0xFFFFFFFF  }
0xb6: {  	s28 =	simm.s32 $_size_execute0_lowered;
	s4 =	sadd.s32 s4, s6;
	[dreg:$0x0] =	wrdreg $0x0  }
0xb7: {  	s6 =	sshll.u32 s28, $0x1;
	[dreg:$0x2] =	wrdreg s4  }
0xb8: {  	[dreg:$0x3] =	wrdreg s6  }
0xb9: {  	[dreg:$0x4] =	wrdreg $0xC0  }
0xba: {  	_ =	task [dreg:s22], $0x5FFFF  }
0xbb: {  	[dreg:$0x1] =	wrdreg $0xFFFFFFFF  }
0xbc: {  	[dreg:$0x0] =	wrdreg $0x60  }
0xbd: {  	[dreg:$0x2] =	wrdreg s24  }
0xbe: {  	[dreg:$0x3] =	wrdreg s18  }
0xbf: {  	[dreg:$0x4] =	wrdreg $0x30000  }
0xc0: {  	[dreg:$0x5] =	wrdreg $0xA  }
0xc1: {  	_ =	task.clear_ibuf [dreg:s22], $0x6FFFF;
	_ =	strace $0x9000005A  }
0xc2: {  	s29 =	simm.s32 $0xA;
	_ =	strace $0x8000005C  }
0xc3: {  	_ =	swait.ge [sflag:s29], $0x1  }
0xc4: {  	[sflag:s29] =	ssyncadd.s32 $0xFFFFFFFF  }
0xc5: {  	_ =	strace $0x9000005C  }
0xc6: {  	_ =	sfence  }
0xc7: {  	s30 =	sld [smem:$0x0];
	_ =	sdelay $0x2  }
0xc8: {  	s31 =	sshll.u32 s1, $0xD;
	s1 =	sshrl.u32 s1, $0x2  }
0xc9: {  	s4 =	sand.u32 $0x4000, s31;
	s1 =	sadd.s32 s1, s30  }
0xca: {  	s0 =	sor.u32 s4, s0;
	s1 =	sshll.u32 s1, $0x11  }
0xcb: {  	s0 =	sor.u32 s1, s0  }
0xcc: {  	s0 =	sadd.s32 $0x8F2B, s0  }
0xcd: {  	[sflag:s0] =	ssyncadd.remote.s32 $0x1  }
0xce: {  	_ =	sfence.sel $0xFFFF  }
0xcf: {  	[dreg:$0x0] =	wrdreg $0xFFFFFFFF;
	(pc) =	sbr.abs _section_cstart, $3  }
0xd0: {  	[dreg:$0x1] =	wrdreg $0xFFFFFFFF  }
0xd1: {  	_ =	task.clear_ibuf [dreg:s22], $0x2FFFF;
	_ =	strace $0x9FFFFFFF  }
0xd2: {  	(tm) =	ssettm $0x7FFFFFFF  }
0xd3: {  	_ =	shalt  }
tec
execute0_lowered:
.L_overlay_start_1:
0x0: {  	(tag) =	ssettag $0x1  }
0x1: {  	s4 =	rddreg [dreg:$0x0];
	s1 =	stileid.u32  }
0x2: {  	s8 =	rddreg [dreg:$0x1];
	s7 =	smul.u32 $0x13C00, s1  }
0x3: {  	s0 =	srdreg.scid;
	s10 =	smul.u32 $0x9E00, s1  }
0x4: {  	s2 =	rddreg [dreg:$0x2];
	s3 =	simm.s32 $0x0;
	s30 =	smul.u32 $0xA00, s1  }
0x5: {  	s15 =	simm.s32 $0x2;
	s5 =	sand.u32 $0x1, s0;
	s12 =	smul.u32 $0xA000, s1  }
0x6: {  	s16 =	simm.s32 $0x0;
	s0 =	rddreg [dreg:$0x3];
	s6 =	smul.u32 $0x13C000, s5  }
0x7: {  	[smem:$0x7FF] =	sst s3;
	s13 =	sshll.u32 s1, $0x6;
	s9 =	smul.u32 $0xA0000, s5  }
0x8: {  	_ =	strace $0x8000005B;
	s28 =	smul.u32 $0xA000, s5;
	s29 =	ssub.s32 $0x2, s5  }
0x9: {  	s13 =	sor.u32 $0x1C01, s13;
	s11 =	sshrl.u32 s29, $0x1;
	s10 =	sshrl.u32 s10, $0x2  }
0xa: {  	s6 =	sadd.s32 s7, s6;
	s9 =	sadd.s32 s9, s4;
	s11 =	ssub.s32 s29, s11  }
0xb: {  	s7 =	sadd.s32 s30, s28;
	s6 =	sshrl.u32 s6, $0x3;
	s9 =	sadd.s32 s12, s9  }
0xc: {  	s31 =	sshrl.u32 s7, $0x3;
	s12 =	simm.s32 $0x80;
	s6 =	sadd.s32 s6, s4  }
0xd: {  	s4 =	sadd.s32 s10, s2;
	s7 =	sadd.s32 $0x27A400, s9;
	s8 =	sadd.s32 s31, s8  }
0xe: {  	s9 =	simm.s32 $0x880;
	s10 =	simm.s32 $0x1;
	s5 =	sadd.s32 $0x9400, s6  }
0xf: {  	v0 =	vimm.f32 $0.0e+00;
	s6 =	smax.u32 s11, $0x1;
	s11 =	simm.s32 $0x10;
	s14 =	sshrl.u32 s4, $0x3  }
.LBB2_1:
0x10: {  	s17 =	simm.s32 $0x40;
	s18 =	simm.s32 $0x0  }
.LBB2_2:
0x11: {  	p0 =	sne.s32 s17, $0x9DC0;
	[tilespmem:s18+$0x880] =	vst v0;
	s18 =	smov.u32 s17;
	s17 =	sadd.s32 $0x40, s17  }
.Ltmp0:
0x12: {  	(pc) =	sbr.rel @p0 .LBB2_2-.Ltmp0, $2  }
0x13: {  	_ =	sdelay $0x2  }
0x14: {  	s18 =	sshra.s32 s18, $0x2  }
0x15: {  	[tilespmem:s18+$0x880] =	vst v0  }
0x16: {  	[spmem:s4] =	stream.linear.scatter [tilespmem:s9], [sflag:$0x1], $0x2780, $0x38;
	[tilespmem:$0x5780] =	vst v63  }
0x17: {  	_ =	swait.ge [sflag:s10], $0x2780  }
0x18: {  	[sflag:s10] =	ssyncset.done $0x0  }
0x19: {  	[sflag:s10] =	ssyncadd.s32 $0xFFFFD880  }
0x1a: {  	s17 =	sadd.s32 $0x0, s8;
	[bflag:$0x0] =	sbarrier.arrive $0xFFFF  }
0x1b: {  	[tilespmem:s3], [sflag:$0x1] =	stream.linear.gather [hbm4b:s17+s3], $0x80, $0x38;
	[tilespmem:$0x5780] =	vst v63  }
0x1c: {  	_ =	swait.ge [sflag:s10], $0x80  }
0x1d: {  	[sflag:s10] =	ssyncset.done $0x0  }
0x1e: {  	[sflag:s10] =	ssyncadd.s32 $0xFFFFFF80  }
0x1f: {  	[tilespmem:s12], [sflag:$0x1] =	stream.strided.gather [hbm4b:s7+s11], $0x800, s12, s11, $0x38;
	[tilespmem:$0x5780] =	vst v63  }
0x20: {  	_ =	swait.ge [sflag:s10], $0x800  }
0x21: {  	[sflag:s10] =	ssyncset.done $0x0  }
0x22: {  	[sflag:s10] =	ssyncadd.s32 $0xFFFFF800  }
0x23: {  	[spmem:s2] =	stream.indirect.scatter.add.f32 [tilespmem:s12], [sflag:$0x1], $0x10, s3, s12, $0xb8;
	[tilespmem:$0x5780] =	vst v63  }
0x24: {  	s18 =	simm.s32 $0x10;
	_ =	swait.ge [sflag:s10], $0x800  }
0x25: {  	s19 =	simm.s32 $0x20;
	s17 =	sadd.s32 $0x800, s7;
	[sflag:s10] =	ssyncset.done $0x0  }
.LBB2_4:
0x26: {  	s20 =	sadd.s32 s18, s8  }
0x27: {  	[sflag:s10] =	ssyncadd.s32 $0xFFFFF800;
	s18 =	smov.u32 s19;
	s21 =	sadd.s32 $0x10, s19  }
0x28: {  	[tilespmem:s3], [sflag:$0x1] =	stream.linear.gather [hbm4b:s20+s3], $0x80, $0x38;
	[tilespmem:$0x5780] =	vst v63  }
0x29: {  	p0 =	sne.s32 s19, $0x130;
	_ =	swait.ge [sflag:s10], $0x80  }
0x2a: {  	[sflag:s10] =	ssyncset.done $0x0  }
0x2b: {  	[sflag:s10] =	ssyncadd.s32 $0xFFFFFF80  }
0x2c: {  	[tilespmem:s12], [sflag:$0x1] =	stream.strided.gather [hbm4b:s17+s11], $0x800, s12, s11, $0x38;
	[tilespmem:$0x5780] =	vst v63  }
0x2d: {  	_ =	swait.ge [sflag:s10], $0x800  }
.Ltmp1:
0x2e: {  	[sflag:s10] =	ssyncset.done $0x0;
	(pc) =	sbr.rel @p0 .LBB2_4-.Ltmp1, $4  }
0x2f: {  	[sflag:s10] =	ssyncadd.s32 $0xFFFFF800  }
0x30: {  	[spmem:s2] =	stream.indirect.scatter.add.f32 [tilespmem:s12], [sflag:$0x1], $0x10, s3, s12, $0xb8;
	[tilespmem:$0x5780] =	vst v63  }
0x31: {  	_ =	swait.ge [sflag:s10], $0x800  }
0x32: {  	s19 =	smov.u32 s21;
	s17 =	sadd.s32 $0x800, s17;
	[sflag:s10] =	ssyncset.done $0x0  }
0x33: {  	s18 =	sadd.s32 s18, s8;
	[sflag:s10] =	ssyncadd.s32 $0xFFFFF800  }
0x34: {  	[tilespmem:s3], [sflag:$0x1] =	stream.linear.gather [hbm4b:s18+s3], $0x80, $0x38;
	[tilespmem:$0x5780] =	vst v63  }
0x35: {  	_ =	swait.ge [sflag:s10], $0x80  }
0x36: {  	[sflag:s10] =	ssyncset.done $0x0  }
0x37: {  	[sflag:s10] =	ssyncadd.s32 $0xFFFFFF80  }
0x38: {  	[tilespmem:s12], [sflag:$0x1] =	stream.strided.gather [hbm4b:s17+s11], $0x800, s12, s11, $0x38;
	[tilespmem:$0x5780] =	vst v63  }
0x39: {  	_ =	swait.ge [sflag:s10], $0x800  }
0x3a: {  	[sflag:s10] =	ssyncset.done $0x0  }
0x3b: {  	[sflag:s10] =	ssyncadd.s32 $0xFFFFF800  }
0x3c: {  	[spmem:s2] =	stream.indirect.scatter.add.f32 [tilespmem:s12], [sflag:$0x1], $0x10, s3, s12, $0xb8;
	[tilespmem:$0x5780] =	vst v63  }
0x3d: {  	_ =	swait.ge [sflag:s10], $0x800  }
0x3e: {  	s16 =	sadd.s32 $0x1, s16;
	[sflag:s10] =	ssyncset.done $0x0  }
0x3f: {  	p0 =	sne.s32 s16, s6;
	[sflag:s10] =	ssyncadd.s32 $0xFFFFF800  }
.Ltmp2:
0x40: {  	[bflag:$0x0] =	sbarrier.arrive $0xFFFF;
	(pc) =	sbr.rel @p0 .LBB2_1-.Ltmp2, $4  }
0x41: {  	[hbm:s5@s11], [sflag:s13] =	dma.strided [spmem:s14@s15], $0x4F0, s10, $0x2   }
0x42: {  	_ =	swait.ge [sflag:s10], $0x4F0  }
0x43: {  	[sflag:s10] =	ssyncset.done $0x0  }
0x44: {  	[sflag:s10] =	ssyncadd.s32 $0xFFFFFB10  }
0x45: {  	_ =	sfence.sel $0x180000  }
0x46: {  	[bflag:$0x0] =	sbarrier.arrive $0xFFFF  }
0x47: {  	p0 =	sne.s32 s1, $0x0;
	_ =	strace $0x9000005B  }
0x48: {  	s0 =	sadd.s32 @!p0 $0x100000, s0;
	[bflag:$0x2] =	sbarrier.arrive $0xFFFF  }
0x49: {  	[sflag:s0] =	ssyncadd.tile.s32 @!p0 $0x1;
	_ =	shalt  }
.Lfunc_end2:
_tile_overlayer_lowered:
.L_overlay_start_2:
0x4a: {  	(tag) =	ssettag $0x2  }
0x4b: {  	s0 =	rddreg [dreg:$0x0];
	s2 =	stileid.u32  }
0x4c: {  	s1 =	rddreg [dreg:$0x1];
	p0 =	sne.s32 s2, $0x0  }
0x4d: {  	s3 =	rddreg [dreg:$0x2];
	[bflag:$0x3] =	sbarrier.arrive $0xFFFF;
	s2 =	simm.s32 @!p0 $0x1C01  }
0x4e: {  	[timem:s3], [sflag:s2] =	dma.local @!p0 [hbm:s0], s1  }
0x4f: {  	s0 =	simm.s32 @!p0 $0x1  }
0x50: {  	_ =	swait.ge @!p0 [sflag:s0], s1  }
0x51: {  	s1 =	ssub.s32 @!p0 $0x0, s1;
	[sflag:s0] =	ssyncset.done @!p0 $0x0  }
0x52: {  	[sflag:s0] =	ssyncadd.s32 @!p0 s1  }
0x53: {  	[bflag:$0x3] =	sbarrier.arrive $0xFFFF  }
0x54: {  	_ =	shalt  }

// kernel: kernel.18.cloned.1.call-start
scs
__scs_entry_jumppad:
0x0: {  	(pc) =	sbr.rel $0x88, $3  }
0x1: {  	(tag) =	ssettag $0x0;
	lr =	simm.s32 $0x1  }
0x2: {  	[smem:$0x3F90] =	sst lr;
	_ =	strace $0xD0000000  }
0x3: {  	_ = 	snop  }
0x4: {  	_ = 	snop  }
0x5: {  	_ = 	snop  }
0x6: {  	_ = 	snop  }
0x7: {  	_ = 	snop  }
__scs_overlays_trampoline_lowered:
0x8: {  	[smem:$0x3F9F] =	sst s0  }
0x9: {  	[smem:$0x3FA0] =	sst s1  }
0xa: {  	[smem:$0x3FA1] =	sst s2  }
0xb: {  	[smem:$0x3FA2] =	sst s3  }
0xc: {  	[smem:$0x3FA3] =	sst s4  }
0xd: {  	[smem:$0x3FA4] =	sst s5  }
0xe: {  	[smem:$0x3FA5] =	sst s6  }
0xf: {  	[smem:$0x3FA6] =	sst s7  }
0x10: {  	[smem:$0x3FA7] =	sst s8  }
0x11: {  	[smem:$0x3FA8] =	sst s9;
	s0 =	simm.s32 @!p0 $0x0  }
0x12: {  	s1 =	sld [smem:$0x3F8E];
	s0 =	simm.s32 @p0 $0x1  }
0x13: {  	[smem:$0x3FA9] =	sst s0;
	s0 =	simm.s32 @!p1 $0x0  }
0x14: {  	s2 =	sld [smem:$0x3F8D];
	s0 =	simm.s32 @p1 $0x1  }
0x15: {  	[smem:$0x3FAA] =	sst s0;
	s0 =	simm.s32 @!p2 $0x0  }
0x16: {  	s3 =	sld [smem:$0x3FDB];
	s0 =	simm.s32 @p2 $0x1  }
0x17: {  	s4 =	simm.s32 $0x1BF5;
	[smem:$0x3FAC] =	sst s0  }
0x18: {  	s0 =	sld [smem:$0x3F8F];
	_ =	swait.ge [sflag:s4], $0x0  }
0x19: {  	s7 =	sld [smem:$0x3F90]  }
0x1a: {  	s8 =	sadd.s32 $0xFFFFE003, lr  }
0x1b: {  	s9 =	sadd.s32 $0xFFFFFEF7, lr;
	s5 =	simm.s32 $0xFFFFFFFF;
	p2 =	slt.u32 s8, $0xFFFFF086  }
0x1c: {  	p1 =	slt.u32 s9, $0xF7A;
	s5 =	simm.s32 @!p2 $0x0  }
0x1d: {  	s5 =	simm.s32 @p1 $0x1;
	p0 =	seq.s32 s7, s2  }
0x1e: {  	s7 =	smul.u32 @!p0 $0xF7A, s2;
	p2 =	seq.s32 @!p0 s5, $0x0  }
0x1f: {  	s9 =	smul.u32 $0xF7A, s1;
	s8 =	simm.s32 @!p0 $0x1BF5;
	p2 =	por !p2, p0  }
0x20: {  	[sflag:s8] =	ssyncset.s32 @!p0 $0xFFFFF086;
	s6 =	sadd.s32 @!p0 s3, s7;
	s7 =	simm.s32 @!p0 $0x108  }
0x21: {  	s3 =	sadd.s32 s3, s9;
	s6 =	sadd.s32 @!p0 $0x88, s6;
	s7 =	simm.s32 @p2 $0x1082  }
0x22: {  	[simem:s7], [sflag:s8] =	dma.local @!p0 [hbm:s6], $0xF7A  }
0x23: {  	s9 =	sor.u32 $0xD0000000, s2;
	s6 =	simm.s32 $0x108;
	_ =	swait.ge @!p0 [sflag:s8], $0x0  }
0x24: {  	s3 =	sadd.s32 $0x88, s3;
	s6 =	simm.s32 @!p1 $0x1082;
	[sflag:s4] =	ssyncset.s32 $0xFFFFF086  }
0x25: {  	[simem:s6], [sflag:s4] =	dma.local [hbm:s3], $0xF7A  }
0x26: {  	[smem:$0x3F90] =	sst s1;
	(tag) =	ssettag s2;
	_ =	strace s9  }
0x27: {  	s1 =	sld [smem:$0x3FA0]  }
0x28: {  	s2 =	sld [smem:$0x3FA1]  }
0x29: {  	s4 =	sld [smem:$0x3FA3]  }
0x2a: {  	p0 =	seq.s32 s5, $0x0;
	s5 =	sld [smem:$0x3FA4]  }
0x2b: {  	s6 =	sld [smem:$0x3FA5]  }
0x2c: {  	s7 =	sld [smem:$0x3FA6]  }
0x2d: {  	s3 =	simm.s32 $0x108;
	s8 =	sld [smem:$0x3FA7]  }
0x2e: {  	s3 =	simm.s32 @!p0 $0x1082;
	s9 =	sld [smem:$0x3FA8]  }
0x2f: {  	lr =	sadd.s32 s0, s3;
	s0 =	sld [smem:$0x3F9F]  }
0x30: {  	s3 =	sld [smem:$0x3FA2]  }
0x31: {  	[smem:$0x3FAB] =	sst s10  }
0x32: {  	s10 =	sld [smem:$0x3FA9];
	_ =	sdelay $0x3  }
0x33: {  	p0 =	seq.s32 s10, $0x1;
	s10 =	sld [smem:$0x3FAB];
	_ =	sdelay $0x3  }
0x34: {  	[smem:$0x3FAB] =	sst s10  }
0x35: {  	s10 =	sld [smem:$0x3FAA];
	_ =	sdelay $0x3  }
0x36: {  	p1 =	seq.s32 s10, $0x1;
	s10 =	sld [smem:$0x3FAB];
	_ =	sdelay $0x3  }
0x37: {  	[smem:$0x3FAB] =	sst s10  }
0x38: {  	s10 =	sld [smem:$0x3FAC]  }
0x39: {  	_ = 	snop;
	(pc) =	sbr.ind lr, $3  }
0x3a: {  	_ = 	snop  }
0x3b: {  	_ = 	snop  }
0x3c: {  	p2 =	seq.s32 s10, $0x1;
	s10 =	sld [smem:$0x3FAB]  }
0x3d: {  	_ =	shalt  }
0x3e: {  	_ =	shalt  }
0x3f: {  	_ =	shalt  }
0x40: {  	_ =	shalt  }
0x41: {  	_ =	shalt  }
0x42: {  	_ =	shalt  }
0x43: {  	_ =	shalt  }
0x44: {  	_ =	shalt  }
0x45: {  	_ =	shalt  }
0x46: {  	_ =	shalt  }
0x47: {  	_ =	shalt  }
0x48: {  	_ =	shalt  }
0x49: {  	_ =	shalt  }
0x4a: {  	_ =	shalt  }
0x4b: {  	_ =	shalt  }
0x4c: {  	_ =	shalt  }
0x4d: {  	_ =	shalt  }
0x4e: {  	_ =	shalt  }
0x4f: {  	_ =	shalt  }
0x50: {  	_ =	shalt  }
0x51: {  	_ =	shalt  }
0x52: {  	_ =	shalt  }
0x53: {  	_ =	shalt  }
0x54: {  	_ =	shalt  }
0x55: {  	_ =	shalt  }
0x56: {  	_ =	shalt  }
0x57: {  	_ =	shalt  }
0x58: {  	_ =	shalt  }
0x59: {  	_ =	shalt  }
0x5a: {  	_ =	shalt  }
0x5b: {  	_ =	shalt  }
0x5c: {  	_ =	shalt  }
0x5d: {  	_ =	shalt  }
0x5e: {  	_ =	shalt  }
0x5f: {  	_ =	shalt  }
0x60: {  	_ =	shalt  }
0x61: {  	_ =	shalt  }
0x62: {  	_ =	shalt  }
0x63: {  	_ =	shalt  }
0x64: {  	_ =	shalt  }
0x65: {  	_ =	shalt  }
0x66: {  	_ =	shalt  }
0x67: {  	_ =	shalt  }
0x68: {  	_ =	shalt  }
0x69: {  	_ =	shalt  }
0x6a: {  	_ =	shalt  }
0x6b: {  	_ =	shalt  }
0x6c: {  	_ =	shalt  }
0x6d: {  	_ =	shalt  }
0x6e: {  	_ =	shalt  }
0x6f: {  	_ =	shalt  }
0x70: {  	_ =	shalt  }
0x71: {  	_ =	shalt  }
0x72: {  	_ =	shalt  }
0x73: {  	_ =	shalt  }
0x74: {  	_ =	shalt  }
0x75: {  	_ =	shalt  }
0x76: {  	_ =	shalt  }
0x77: {  	_ =	shalt  }
0x78: {  	_ =	shalt  }
0x79: {  	_ =	shalt  }
0x7a: {  	_ =	shalt  }
0x7b: {  	_ =	shalt  }
0x7c: {  	_ =	shalt  }
0x7d: {  	_ =	shalt  }
0x7e: {  	_ =	shalt  }
0x7f: {  	_ =	shalt  }
0x80: {  	_ =	shalt  }
0x81: {  	_ =	shalt  }
0x82: {  	_ =	shalt  }
0x83: {  	_ =	shalt  }
0x84: {  	_ =	shalt  }
0x85: {  	_ =	shalt  }
0x86: {  	_ =	shalt  }
0x87: {  	_ =	shalt  }
.Lfunc_end0:
.L_simem_size_0:
called_computation.3_lowered:
.L_overlay_start_0:
0x88: {  	s2 =	sld [smem:$0x3FD9]  }
0x89: {  	s3 =	sld [smem:$0x3FFE];
	_ =	sdelay $0x1  }
0x8a: {  	s1 =	srdreg.scid  }
0x8b: {  	s0 =	sand.u32 $0x1, s1  }
0x8c: {  	s17 =	sshll.u32 s0, $0xA;
	s2 =	sadd.s32 s3, s2  }
0x8d: {  	s2 =	sadd.s32 s2, s17  }
0x8e: {  	[smem:$0x3FB7] =	sst s2  }
0x8f: {  	_ = 	snop  }
0x90: {  	s18 =	sld [smem:$0x3FD0];
	(tm) =	ssettm $0x1  }
0x91: {  	s19 =	sld [smem:$0x3FFB];
	_ =	sdelay $0x3  }
0x92: {  	_ =	strace s19  }
0x93: {  	s2 =	sld [smem:$0x3FFC];
	_ =	sdelay $0x3  }
0x94: {  	_ =	strace s2  }
0x95: {  	s2 =	sld [smem:$0x3FFD];
	_ =	sdelay $0x3  }
0x96: {  	_ =	strace s2  }
0x97: {  	_ =	strace $0x8FFFFFFF  }
0x98: {  	s20 =	sld [smem:$0x3FDB];
	_ =	sdelay $0x1  }
0x99: {  	s4 =	simm.s32 $_scs_section_size  }
0x9a: {  	s5 =	simm.s32 $_size__tile_overlayer_lowered;
	s6 =	simm.s32 $_tile_overlayer_lowered  }
0x9b: {  	s7 =	simm.s32 $0x1BFF;
	s21 =	sshll.u32 s6, $0x1;
	s4 =	sadd.s32 s4, s20  }
0x9c: {  	s22 =	simm.s32 $0x0;
	s5 =	sshll.u32 s5, $0x1;
	s6 =	sadd.s32 s21, s4  }
0x9d: {  	[timem:s22], [sflag:s7] =	dma.local [hbm:s6], s5  }
0x9e: {  	_ =	swait.ge [sflag:s7], s5  }
0x9f: {  	s5 =	ssub.s32 $0x0, s5;
	[sflag:s7] =	ssyncset.done $0x0  }
0xa0: {  	[sflag:s7] =	ssyncadd.s32 s5;
	_ =	sdelay $0x1  }
0xa1: {  	s23 =	simm.s32 $0x1B8B  }
0xa2: {  	_ =	swait.ge [sflag:s23], $0x1  }
0xa3: {  	[sflag:s23] =	ssyncset.done $0x0  }
0xa4: {  	[sflag:s23] =	ssyncadd.s32 $0xFFFFFFFF  }
0xa5: {  	s5 =	sld [smem:$0x0]  }
0xa6: {  	s6 =	sand.u32 $0xFFFFFFFE, s1  }
0xa7: {  	p0 =	sne.s32 s1, s6  }
0xa8: {  	s6 =	sshll.u32 @p0 s6, $0xE  }
0xa9: {  	s6 =	sadd.s32 @p0 $0x11B8D, s6;
	s7 =	sshll.u32 @p0 s5, $0x11  }
0xaa: {  	s6 =	sor.u32 @p0 s7, s6  }
0xab: {  	[sflag:s6] =	ssyncadd.remote.s32 @p0 $0x1;
	_ =	sdelay $0x1  }
0xac: {  	s6 =	simm.s32 @p0 $0x1B8D  }
0xad: {  	_ =	swait.eq @p0 [sflag:s6], $0x1  }
0xae: {  	[sflag:s6] =	ssyncadd.s32 @p0 $0xFFFFFFFF  }
0xaf: {  	s7 =	sshll.u32 @!p0 s1, $0xE  }
0xb0: {  	s7 =	sor.u32 @!p0 $0x4000, s7;
	s6 =	simm.s32 @!p0 $0x1B8D  }
0xb1: {  	s5 =	sshll.u32 @!p0 s5, $0x11;
	s7 =	sadd.s32 @!p0 $0x11B8D, s7;
	_ =	swait.eq @!p0 [sflag:s6], $0x1  }
0xb2: {  	s5 =	sor.u32 @!p0 s5, s7;
	[sflag:s6] =	ssyncadd.s32 @!p0 $0xFFFFFFFF  }
0xb3: {  	s25 =	simm.s32 $0x1B8E;
	s24 =	sld [smem:$0x3FFE];
	[sflag:s5] =	ssyncadd.remote.s32 @!p0 $0x1  }
0xb4: {  	s26 =	simm.s32 $execute0_lowered;
	[smem:$0x3FD2] =	sst s25  }
0xb5: {  	s6 =	sshll.u32 s26, $0x1;
	_ =	strace $0x8000005D;
	[dreg:$0x1] =	wrdreg $0xFFFFFFFF  }
0xb6: {  	s28 =	simm.s32 $_size_execute0_lowered;
	s4 =	sadd.s32 s4, s6;
	[dreg:$0x0] =	wrdreg $0x0  }
0xb7: {  	s6 =	sshll.u32 s28, $0x1;
	[dreg:$0x2] =	wrdreg s4  }
0xb8: {  	[dreg:$0x3] =	wrdreg s6  }
0xb9: {  	[dreg:$0x4] =	wrdreg $0xC0  }
0xba: {  	_ =	task [dreg:s22], $0x5FFFF  }
0xbb: {  	[dreg:$0x1] =	wrdreg $0xFFFFFFFF  }
0xbc: {  	[dreg:$0x0] =	wrdreg $0x60  }
0xbd: {  	[dreg:$0x2] =	wrdreg s24  }
0xbe: {  	[dreg:$0x3] =	wrdreg s18  }
0xbf: {  	[dreg:$0x4] =	wrdreg $0x30000  }
0xc0: {  	[dreg:$0x5] =	wrdreg $0x9  }
0xc1: {  	_ =	task.clear_ibuf [dreg:s22], $0x6FFFF;
	_ =	strace $0x9000005D  }
0xc2: {  	s29 =	simm.s32 $0x9;
	_ =	strace $0x8000005F  }
0xc3: {  	_ =	swait.ge [sflag:s29], $0x1  }
0xc4: {  	[sflag:s29] =	ssyncadd.s32 $0xFFFFFFFF  }
0xc5: {  	_ =	strace $0x9000005F  }
0xc6: {  	_ =	sfence  }
0xc7: {  	s30 =	sld [smem:$0x0];
	_ =	sdelay $0x2  }
0xc8: {  	s31 =	sshll.u32 s1, $0xD;
	s1 =	sshrl.u32 s1, $0x2  }
0xc9: {  	s4 =	sand.u32 $0x4000, s31;
	s1 =	sadd.s32 s1, s30  }
0xca: {  	s0 =	sor.u32 s4, s0;
	s1 =	sshll.u32 s1, $0x11  }
0xcb: {  	s0 =	sor.u32 s1, s0  }
0xcc: {  	s0 =	sadd.s32 $0x8F2B, s0  }
0xcd: {  	[sflag:s0] =	ssyncadd.remote.s32 $0x1  }
0xce: {  	_ =	sfence.sel $0xFFFF  }
0xcf: {  	[dreg:$0x0] =	wrdreg $0xFFFFFFFF;
	(pc) =	sbr.abs _section_cstart, $3  }
0xd0: {  	[dreg:$0x1] =	wrdreg $0xFFFFFFFF  }
0xd1: {  	_ =	task.clear_ibuf [dreg:s22], $0x2FFFF;
	_ =	strace $0x9FFFFFFF  }
0xd2: {  	(tm) =	ssettm $0x7FFFFFFF  }
0xd3: {  	_ =	shalt  }
tec
execute0_lowered:
.L_overlay_start_1:
0x0: {  	(tag) =	ssettag $0x1  }
0x1: {  	s4 =	rddreg [dreg:$0x0]  }
0x2: {  	s9 =	rddreg [dreg:$0x1];
	s0 =	srdreg.scid  }
0x3: {  	s2 =	rddreg [dreg:$0x2];
	s1 =	stileid.u32;
	s3 =	simm.s32 $0x0  }
0x4: {  	s15 =	simm.s32 $0x5780;
	s16 =	simm.s32 $0x5788;
	s6 =	smul.u32 $0x13C00, s1  }
0x5: {  	s17 =	simm.s32 $0x8;
	s19 =	simm.s32 $0x2;
	s22 =	smul.u32 $0x988, s1  }
0x6: {  	s7 =	sand.u32 $0x1, s0;
	s0 =	rddreg [dreg:$0x3];
	s23 =	smul.u32 $0x9E00, s1  }
0x7: {  	s20 =	simm.s32 $0x0;
	[smem:$0x7FF] =	sst s3;
	s14 =	smul.u32 $0x9880, s1  }
0x8: {  	s10 =	sadd.s32 $0x3BA400, s4;
	s18 =	sshll.u32 s1, $0x6;
	s5 =	smul.u32 $0x13C000, s7  }
0x9: {  	s8 =	smul.u32 $0x9880, s7;
	_ =	strace $0x8000005E;
	s11 =	ssub.s32 $0x2, s7  }
0xa: {  	s30 =	smul.u32 $0x98800, s7;
	s18 =	sor.u32 $0x1C01, s18;
	s12 =	sshrl.u32 s11, $0x1  }
0xb: {  	s25 =	sshrl.u32 s23, $0x2;
	s5 =	sadd.s32 s6, s5;
	s8 =	sadd.s32 s22, s8  }
0xc: {  	s11 =	ssub.s32 s11, s12;
	s12 =	simm.s32 $0x1;
	s5 =	sshrl.u32 s5, $0x3  }
0xd: {  	s24 =	sshrl.u32 s8, $0x3;
	s28 =	sshll.u32 s8, $0x4;
	s8 =	sadd.s32 $0x14000, s8  }
0xe: {  	s13 =	sadd.s32 s5, s4;
	s26 =	sadd.s32 s9, s24;
	s4 =	sadd.s32 s25, s2  }
0xf: {  	s29 =	sadd.s32 s28, s10;
	s31 =	sshrl.u32 s8, $0x3;
	s8 =	smax.u32 s11, $0x1  }
0x10: {  	s10 =	sadd.s32 s30, s10;
	s11 =	simm.s32 $0x880;
	s5 =	sadd.s32 $0x2930, s26  }
0x11: {  	s6 =	sadd.s32 $0x9800, s29;
	s7 =	sadd.s32 $0x58400, s13;
	s9 =	sadd.s32 s31, s9  }
0x12: {  	v0 =	vimm.f32 $0.0e+00;
	s10 =	sadd.s32 s14, s10;
	s13 =	simm.s32 $0x10;
	s14 =	simm.s32 $0x80  }
.LBB2_1:
0x13: {  	s21 =	simm.s32 $0x40;
	s22 =	simm.s32 $0x0  }
.LBB2_2:
0x14: {  	p0 =	sne.s32 s21, $0x9DC0;
	[tilespmem:s22+$0x880] =	vst v0;
	s22 =	smov.u32 s21;
	s21 =	sadd.s32 $0x40, s21  }
.Ltmp0:
0x15: {  	(pc) =	sbr.rel @p0 .LBB2_2-.Ltmp0, $2  }
0x16: {  	_ =	sdelay $0x2  }
0x17: {  	s22 =	sshra.s32 s22, $0x2  }
0x18: {  	[tilespmem:s22+$0x880] =	vst v0  }
0x19: {  	[spmem:s4] =	stream.linear.scatter [tilespmem:s11], [sflag:$0x1], $0x2780, $0x38;
	[tilespmem:$0x5808] =	vst v63  }
0x1a: {  	_ =	swait.ge [sflag:s12], $0x2780  }
0x1b: {  	[sflag:s12] =	ssyncset.done $0x0  }
0x1c: {  	[sflag:s12] =	ssyncadd.s32 $0xFFFFD880  }
0x1d: {  	s21 =	sadd.s32 $0x0, s9;
	[bflag:$0x0] =	sbarrier.arrive $0xFFFF  }
0x1e: {  	[tilespmem:s3], [sflag:$0x1] =	stream.linear.gather [hbm4b:s21+s3], $0x80, $0x38;
	[tilespmem:$0x5808] =	vst v63  }
0x1f: {  	_ =	swait.ge [sflag:s12], $0x80  }
0x20: {  	[sflag:s12] =	ssyncset.done $0x0  }
0x21: {  	[sflag:s12] =	ssyncadd.s32 $0xFFFFFF80  }
0x22: {  	[tilespmem:s14], [sflag:$0x1] =	stream.strided.gather [hbm4b:s10+s13], $0x800, s14, s13, $0x38;
	[tilespmem:$0x5808] =	vst v63  }
0x23: {  	_ =	swait.ge [sflag:s12], $0x800  }
0x24: {  	[sflag:s12] =	ssyncset.done $0x0  }
0x25: {  	[sflag:s12] =	ssyncadd.s32 $0xFFFFF800  }
0x26: {  	[spmem:s2] =	stream.indirect.scatter.add.f32 [tilespmem:s14], [sflag:$0x1], $0x10, s3, s14, $0xb8;
	[tilespmem:$0x5808] =	vst v63  }
0x27: {  	s22 =	simm.s32 $0x10;
	_ =	swait.ge [sflag:s12], $0x800  }
0x28: {  	s23 =	simm.s32 $0x20;
	s21 =	sadd.s32 $0x800, s10;
	[sflag:s12] =	ssyncset.done $0x0  }
.LBB2_4:
0x29: {  	s24 =	sadd.s32 s22, s9  }
0x2a: {  	[sflag:s12] =	ssyncadd.s32 $0xFFFFF800;
	s22 =	smov.u32 s23;
	s25 =	sadd.s32 $0x10, s23  }
0x2b: {  	[tilespmem:s3], [sflag:$0x1] =	stream.linear.gather [hbm4b:s24+s3], $0x80, $0x38;
	[tilespmem:$0x5808] =	vst v63  }
0x2c: {  	p0 =	sne.s32 s23, $0x120;
	_ =	swait.ge [sflag:s12], $0x80  }
0x2d: {  	[sflag:s12] =	ssyncset.done $0x0  }
0x2e: {  	[sflag:s12] =	ssyncadd.s32 $0xFFFFFF80  }
0x2f: {  	[tilespmem:s14], [sflag:$0x1] =	stream.strided.gather [hbm4b:s21+s13], $0x800, s14, s13, $0x38;
	[tilespmem:$0x5808] =	vst v63  }
0x30: {  	_ =	swait.ge [sflag:s12], $0x800  }
.Ltmp1:
0x31: {  	[sflag:s12] =	ssyncset.done $0x0;
	(pc) =	sbr.rel @p0 .LBB2_4-.Ltmp1, $4  }
0x32: {  	[sflag:s12] =	ssyncadd.s32 $0xFFFFF800  }
0x33: {  	[spmem:s2] =	stream.indirect.scatter.add.f32 [tilespmem:s14], [sflag:$0x1], $0x10, s3, s14, $0xb8;
	[tilespmem:$0x5808] =	vst v63  }
0x34: {  	_ =	swait.ge [sflag:s12], $0x800  }
0x35: {  	s23 =	smov.u32 s25;
	s21 =	sadd.s32 $0x800, s21;
	[sflag:s12] =	ssyncset.done $0x0  }
0x36: {  	s22 =	sadd.s32 s22, s9;
	[sflag:s12] =	ssyncadd.s32 $0xFFFFF800  }
0x37: {  	[tilespmem:s3], [sflag:$0x1] =	stream.linear.gather [hbm4b:s22+s3], $0x80, $0x38;
	[tilespmem:$0x5808] =	vst v63  }
0x38: {  	_ =	swait.ge [sflag:s12], $0x80  }
0x39: {  	[sflag:s12] =	ssyncset.done $0x0  }
0x3a: {  	[sflag:s12] =	ssyncadd.s32 $0xFFFFFF80  }
0x3b: {  	[tilespmem:s14], [sflag:$0x1] =	stream.strided.gather [hbm4b:s21+s13], $0x800, s14, s13, $0x38;
	[tilespmem:$0x5808] =	vst v63  }
0x3c: {  	_ =	swait.ge [sflag:s12], $0x800  }
0x3d: {  	[sflag:s12] =	ssyncset.done $0x0  }
0x3e: {  	[sflag:s12] =	ssyncadd.s32 $0xFFFFF800  }
0x3f: {  	[spmem:s2] =	stream.indirect.scatter.add.f32 [tilespmem:s14], [sflag:$0x1], $0x10, s3, s14, $0xb8;
	[tilespmem:$0x5808] =	vst v63  }
0x40: {  	_ =	swait.ge [sflag:s12], $0x800  }
0x41: {  	[sflag:s12] =	ssyncset.done $0x0  }
0x42: {  	[sflag:s12] =	ssyncadd.s32 $0xFFFFF800  }
0x43: {  	[tilespmem:s15], [sflag:$0x1] =	stream.linear.gather [hbm4b:s5+s3], $0x8, $0x38;
	[tilespmem:$0x5808] =	vst v63  }
0x44: {  	_ =	swait.ge [sflag:s12], $0x8  }
0x45: {  	[sflag:s12] =	ssyncset.done $0x0  }
0x46: {  	[sflag:s12] =	ssyncadd.s32 $0xFFFFFFF8  }
0x47: {  	[tilespmem:s16], [sflag:$0x1] =	stream.strided.gather [hbm4b:s6+s13], $0x80, s14, s13, $0x38;
	[tilespmem:$0x5808] =	vst v63  }
0x48: {  	_ =	swait.ge [sflag:s12], $0x80  }
0x49: {  	[sflag:s12] =	ssyncset.done $0x0  }
0x4a: {  	[sflag:s12] =	ssyncadd.s32 $0xFFFFFF80  }
0x4b: {  	[spmem:s2] =	stream.indirect.scatter.add.f32 [tilespmem:s16], [sflag:$0x1], $0x10, s15, s17, $0xb8;
	[tilespmem:$0x5808] =	vst v63  }
0x4c: {  	_ =	swait.ge [sflag:s12], $0x80  }
0x4d: {  	s20 =	sadd.s32 $0x1, s20;
	[sflag:s12] =	ssyncset.done $0x0  }
0x4e: {  	p0 =	sne.s32 s20, s8;
	[sflag:s12] =	ssyncadd.s32 $0xFFFFFF80  }
.Ltmp2:
0x4f: {  	s31 =	sshrl.u32 s4, $0x3;
	[bflag:$0x0] =	sbarrier.arrive $0xFFFF;
	(pc) =	sbr.rel @p0 .LBB2_1-.Ltmp2, $4  }
0x50: {  	[hbm:s7@s13], [sflag:s18] =	dma.strided [spmem:s31@s19], $0x4F0, s12, $0x2   }
0x51: {  	_ =	swait.ge [sflag:s12], $0x4F0  }
0x52: {  	[sflag:s12] =	ssyncset.done $0x0  }
0x53: {  	[sflag:s12] =	ssyncadd.s32 $0xFFFFFB10  }
0x54: {  	_ =	sfence.sel $0x180000  }
0x55: {  	[bflag:$0x0] =	sbarrier.arrive $0xFFFF  }
0x56: {  	p0 =	sne.s32 s1, $0x0;
	_ =	strace $0x9000005E  }
0x57: {  	s0 =	sadd.s32 @!p0 $0x100000, s0;
	[bflag:$0x2] =	sbarrier.arrive $0xFFFF  }
0x58: {  	[sflag:s0] =	ssyncadd.tile.s32 @!p0 $0x1;
	_ =	shalt  }
.Lfunc_end2:
_tile_overlayer_lowered:
.L_overlay_start_2:
0x59: {  	(tag) =	ssettag $0x2  }
0x5a: {  	s0 =	rddreg [dreg:$0x0];
	s2 =	stileid.u32  }
0x5b: {  	s1 =	rddreg [dreg:$0x1];
	p0 =	sne.s32 s2, $0x0  }
0x5c: {  	s3 =	rddreg [dreg:$0x2];
	[bflag:$0x3] =	sbarrier.arrive $0xFFFF;
	s2 =	simm.s32 @!p0 $0x1C01  }
0x5d: {  	[timem:s3], [sflag:s2] =	dma.local @!p0 [hbm:s0], s1  }
0x5e: {  	s0 =	simm.s32 @!p0 $0x1  }
0x5f: {  	_ =	swait.ge @!p0 [sflag:s0], s1  }
0x60: {  	s1 =	ssub.s32 @!p0 $0x0, s1;
	[sflag:s0] =	ssyncset.done @!p0 $0x0  }
0x61: {  	[sflag:s0] =	ssyncadd.s32 @!p0 s1  }
0x62: {  	[bflag:$0x3] =	sbarrier.arrive $0xFFFF  }
0x63: {  	_ =	shalt  }

// kernel: kernel.9.cloned.1.call-start
scs
__scs_entry_jumppad:
0x0: {  	(pc) =	sbr.rel $0x88, $3  }
0x1: {  	(tag) =	ssettag $0x0;
	lr =	simm.s32 $0x1  }
0x2: {  	[smem:$0x3F90] =	sst lr;
	_ =	strace $0xD0000000  }
0x3: {  	_ = 	snop  }
0x4: {  	_ = 	snop  }
0x5: {  	_ = 	snop  }
0x6: {  	_ = 	snop  }
0x7: {  	_ = 	snop  }
__scs_overlays_trampoline_lowered:
0x8: {  	[smem:$0x3F9F] =	sst s0  }
0x9: {  	[smem:$0x3FA0] =	sst s1  }
0xa: {  	[smem:$0x3FA1] =	sst s2  }
0xb: {  	[smem:$0x3FA2] =	sst s3  }
0xc: {  	[smem:$0x3FA3] =	sst s4  }
0xd: {  	[smem:$0x3FA4] =	sst s5  }
0xe: {  	[smem:$0x3FA5] =	sst s6  }
0xf: {  	[smem:$0x3FA6] =	sst s7  }
0x10: {  	[smem:$0x3FA7] =	sst s8  }
0x11: {  	[smem:$0x3FA8] =	sst s9;
	s0 =	simm.s32 @!p0 $0x0  }
0x12: {  	s1 =	sld [smem:$0x3F8E];
	s0 =	simm.s32 @p0 $0x1  }
0x13: {  	[smem:$0x3FA9] =	sst s0;
	s0 =	simm.s32 @!p1 $0x0  }
0x14: {  	s2 =	sld [smem:$0x3F8D];
	s0 =	simm.s32 @p1 $0x1  }
0x15: {  	[smem:$0x3FAA] =	sst s0;
	s0 =	simm.s32 @!p2 $0x0  }
0x16: {  	s3 =	sld [smem:$0x3FDB];
	s0 =	simm.s32 @p2 $0x1  }
0x17: {  	s4 =	simm.s32 $0x1BF5;
	[smem:$0x3FAC] =	sst s0  }
0x18: {  	s0 =	sld [smem:$0x3F8F];
	_ =	swait.ge [sflag:s4], $0x0  }
0x19: {  	s7 =	sld [smem:$0x3F90]  }
0x1a: {  	s8 =	sadd.s32 $0xFFFFE003, lr  }
0x1b: {  	s9 =	sadd.s32 $0xFFFFFEF7, lr;
	s5 =	simm.s32 $0xFFFFFFFF;
	p2 =	slt.u32 s8, $0xFFFFF086  }
0x1c: {  	p1 =	slt.u32 s9, $0xF7A;
	s5 =	simm.s32 @!p2 $0x0  }
0x1d: {  	s5 =	simm.s32 @p1 $0x1;
	p0 =	seq.s32 s7, s2  }
0x1e: {  	s7 =	smul.u32 @!p0 $0xF7A, s2;
	p2 =	seq.s32 @!p0 s5, $0x0  }
0x1f: {  	s9 =	smul.u32 $0xF7A, s1;
	s8 =	simm.s32 @!p0 $0x1BF5;
	p2 =	por !p2, p0  }
0x20: {  	[sflag:s8] =	ssyncset.s32 @!p0 $0xFFFFF086;
	s6 =	sadd.s32 @!p0 s3, s7;
	s7 =	simm.s32 @!p0 $0x108  }
0x21: {  	s3 =	sadd.s32 s3, s9;
	s6 =	sadd.s32 @!p0 $0x88, s6;
	s7 =	simm.s32 @p2 $0x1082  }
0x22: {  	[simem:s7], [sflag:s8] =	dma.local @!p0 [hbm:s6], $0xF7A  }
0x23: {  	s9 =	sor.u32 $0xD0000000, s2;
	s6 =	simm.s32 $0x108;
	_ =	swait.ge @!p0 [sflag:s8], $0x0  }
0x24: {  	s3 =	sadd.s32 $0x88, s3;
	s6 =	simm.s32 @!p1 $0x1082;
	[sflag:s4] =	ssyncset.s32 $0xFFFFF086  }
0x25: {  	[simem:s6], [sflag:s4] =	dma.local [hbm:s3], $0xF7A  }
0x26: {  	[smem:$0x3F90] =	sst s1;
	(tag) =	ssettag s2;
	_ =	strace s9  }
0x27: {  	s1 =	sld [smem:$0x3FA0]  }
0x28: {  	s2 =	sld [smem:$0x3FA1]  }
0x29: {  	s4 =	sld [smem:$0x3FA3]  }
0x2a: {  	p0 =	seq.s32 s5, $0x0;
	s5 =	sld [smem:$0x3FA4]  }
0x2b: {  	s6 =	sld [smem:$0x3FA5]  }
0x2c: {  	s7 =	sld [smem:$0x3FA6]  }
0x2d: {  	s3 =	simm.s32 $0x108;
	s8 =	sld [smem:$0x3FA7]  }
0x2e: {  	s3 =	simm.s32 @!p0 $0x1082;
	s9 =	sld [smem:$0x3FA8]  }
0x2f: {  	lr =	sadd.s32 s0, s3;
	s0 =	sld [smem:$0x3F9F]  }
0x30: {  	s3 =	sld [smem:$0x3FA2]  }
0x31: {  	[smem:$0x3FAB] =	sst s10  }
0x32: {  	s10 =	sld [smem:$0x3FA9];
	_ =	sdelay $0x3  }
0x33: {  	p0 =	seq.s32 s10, $0x1;
	s10 =	sld [smem:$0x3FAB];
	_ =	sdelay $0x3  }
0x34: {  	[smem:$0x3FAB] =	sst s10  }
0x35: {  	s10 =	sld [smem:$0x3FAA];
	_ =	sdelay $0x3  }
0x36: {  	p1 =	seq.s32 s10, $0x1;
	s10 =	sld [smem:$0x3FAB];
	_ =	sdelay $0x3  }
0x37: {  	[smem:$0x3FAB] =	sst s10  }
0x38: {  	s10 =	sld [smem:$0x3FAC]  }
0x39: {  	_ = 	snop;
	(pc) =	sbr.ind lr, $3  }
0x3a: {  	_ = 	snop  }
0x3b: {  	_ = 	snop  }
0x3c: {  	p2 =	seq.s32 s10, $0x1;
	s10 =	sld [smem:$0x3FAB]  }
0x3d: {  	_ =	shalt  }
0x3e: {  	_ =	shalt  }
0x3f: {  	_ =	shalt  }
0x40: {  	_ =	shalt  }
0x41: {  	_ =	shalt  }
0x42: {  	_ =	shalt  }
0x43: {  	_ =	shalt  }
0x44: {  	_ =	shalt  }
0x45: {  	_ =	shalt  }
0x46: {  	_ =	shalt  }
0x47: {  	_ =	shalt  }
0x48: {  	_ =	shalt  }
0x49: {  	_ =	shalt  }
0x4a: {  	_ =	shalt  }
0x4b: {  	_ =	shalt  }
0x4c: {  	_ =	shalt  }
0x4d: {  	_ =	shalt  }
0x4e: {  	_ =	shalt  }
0x4f: {  	_ =	shalt  }
0x50: {  	_ =	shalt  }
0x51: {  	_ =	shalt  }
0x52: {  	_ =	shalt  }
0x53: {  	_ =	shalt  }
0x54: {  	_ =	shalt  }
0x55: {  	_ =	shalt  }
0x56: {  	_ =	shalt  }
0x57: {  	_ =	shalt  }
0x58: {  	_ =	shalt  }
0x59: {  	_ =	shalt  }
0x5a: {  	_ =	shalt  }
0x5b: {  	_ =	shalt  }
0x5c: {  	_ =	shalt  }
0x5d: {  	_ =	shalt  }
0x5e: {  	_ =	shalt  }
0x5f: {  	_ =	shalt  }
0x60: {  	_ =	shalt  }
0x61: {  	_ =	shalt  }
0x62: {  	_ =	shalt  }
0x63: {  	_ =	shalt  }
0x64: {  	_ =	shalt  }
0x65: {  	_ =	shalt  }
0x66: {  	_ =	shalt  }
0x67: {  	_ =	shalt  }
0x68: {  	_ =	shalt  }
0x69: {  	_ =	shalt  }
0x6a: {  	_ =	shalt  }
0x6b: {  	_ =	shalt  }
0x6c: {  	_ =	shalt  }
0x6d: {  	_ =	shalt  }
0x6e: {  	_ =	shalt  }
0x6f: {  	_ =	shalt  }
0x70: {  	_ =	shalt  }
0x71: {  	_ =	shalt  }
0x72: {  	_ =	shalt  }
0x73: {  	_ =	shalt  }
0x74: {  	_ =	shalt  }
0x75: {  	_ =	shalt  }
0x76: {  	_ =	shalt  }
0x77: {  	_ =	shalt  }
0x78: {  	_ =	shalt  }
0x79: {  	_ =	shalt  }
0x7a: {  	_ =	shalt  }
0x7b: {  	_ =	shalt  }
0x7c: {  	_ =	shalt  }
0x7d: {  	_ =	shalt  }
0x7e: {  	_ =	shalt  }
0x7f: {  	_ =	shalt  }
0x80: {  	_ =	shalt  }
0x81: {  	_ =	shalt  }
0x82: {  	_ =	shalt  }
0x83: {  	_ =	shalt  }
0x84: {  	_ =	shalt  }
0x85: {  	_ =	shalt  }
0x86: {  	_ =	shalt  }
0x87: {  	_ =	shalt  }
.Lfunc_end0:
.L_simem_size_0:
called_computation_lowered:
.L_overlay_start_0:
0x88: {  	s2 =	sld [smem:$0x3FD9]  }
0x89: {  	s3 =	sld [smem:$0x3FFE];
	_ =	sdelay $0x1  }
0x8a: {  	s1 =	srdreg.scid  }
0x8b: {  	s0 =	sand.u32 $0x1, s1  }
0x8c: {  	s17 =	sshll.u32 s0, $0xA;
	s2 =	sadd.s32 s3, s2  }
0x8d: {  	s2 =	sadd.s32 s2, s17  }
0x8e: {  	[smem:$0x3FB7] =	sst s2  }
0x8f: {  	_ = 	snop  }
0x90: {  	s2 =	sld [smem:$0x3FC9];
	(tm) =	ssettm $0x1  }
0x91: {  	s18 =	sld [smem:$0x3FFB];
	_ =	sdelay $0x3  }
0x92: {  	_ =	strace s18  }
0x93: {  	s3 =	sld [smem:$0x3FFC];
	_ =	sdelay $0x3  }
0x94: {  	_ =	strace s3  }
0x95: {  	s3 =	sld [smem:$0x3FFD];
	_ =	sdelay $0x3  }
0x96: {  	_ =	strace s3  }
0x97: {  	_ =	strace $0x8FFFFFFF  }
0x98: {  	s19 =	sld [smem:$0x3FDB];
	_ =	sdelay $0x1  }
0x99: {  	s4 =	simm.s32 $_scs_section_size  }
0x9a: {  	s5 =	simm.s32 $_size__tile_overlayer_lowered;
	s6 =	simm.s32 $_tile_overlayer_lowered  }
0x9b: {  	s22 =	simm.s32 $0x1BFF;
	s21 =	sshll.u32 s6, $0x1;
	s3 =	sadd.s32 s4, s19  }
0x9c: {  	s7 =	simm.s32 $0x0;
	s20 =	sshll.u32 s5, $0x1;
	s5 =	sadd.s32 s21, s3  }
0x9d: {  	[timem:s7], [sflag:s22] =	dma.local [hbm:s5], s20  }
0x9e: {  	_ =	swait.ge [sflag:s22], s20  }
0x9f: {  	s4 =	ssub.s32 $0x0, s20;
	[sflag:s22] =	ssyncset.done $0x0  }
0xa0: {  	[sflag:s22] =	ssyncadd.s32 s4;
	_ =	sdelay $0x1  }
0xa1: {  	s23 =	simm.s32 $0x1B8B  }
0xa2: {  	_ =	swait.ge [sflag:s23], $0x1  }
0xa3: {  	[sflag:s23] =	ssyncset.done $0x0  }
0xa4: {  	s25 =	simm.s32 $0x1B8E;
	s24 =	sld [smem:$0x3FFE];
	[sflag:s23] =	ssyncadd.s32 $0xFFFFFFFF  }
0xa5: {  	s26 =	simm.s32 $execute0_lowered;
	[smem:$0x3FD2] =	sst s25  }
0xa6: {  	s5 =	sshll.u32 s26, $0x1;
	_ =	strace $0x80000046;
	[dreg:$0x1] =	wrdreg $0xFFFFFFFF  }
0xa7: {  	s28 =	simm.s32 $_size_execute0_lowered;
	s3 =	sadd.s32 s3, s5;
	[dreg:$0x0] =	wrdreg $0x0  }
0xa8: {  	s5 =	sshll.u32 s28, $0x1;
	[dreg:$0x2] =	wrdreg s3  }
0xa9: {  	[dreg:$0x3] =	wrdreg s5  }
0xaa: {  	[dreg:$0x4] =	wrdreg $0xC0  }
0xab: {  	_ =	task [dreg:s7], $0x5FFFF  }
0xac: {  	[dreg:$0x1] =	wrdreg $0xFFFFFFFF  }
0xad: {  	[dreg:$0x0] =	wrdreg $0x60  }
0xae: {  	[dreg:$0x2] =	wrdreg s2  }
0xaf: {  	[dreg:$0x3] =	wrdreg s24  }
0xb0: {  	[dreg:$0x4] =	wrdreg $0xA  }
0xb1: {  	_ =	task.clear_ibuf [dreg:s7], $0x5FFFF;
	_ =	strace $0x90000046  }
0xb2: {  	s29 =	simm.s32 $0xA;
	_ =	strace $0x8000004F  }
0xb3: {  	_ =	swait.ge [sflag:s29], $0x1  }
0xb4: {  	[sflag:s29] =	ssyncadd.s32 $0xFFFFFFFF  }
0xb5: {  	_ =	strace $0x9000004F  }
0xb6: {  	_ =	sfence  }
0xb7: {  	s30 =	sld [smem:$0x0];
	_ =	sdelay $0x2  }
0xb8: {  	s31 =	sshll.u32 s1, $0xD;
	s1 =	sshrl.u32 s1, $0x2  }
0xb9: {  	s3 =	sand.u32 $0x4000, s31;
	s1 =	sadd.s32 s1, s30  }
0xba: {  	s0 =	sor.u32 s3, s0;
	s1 =	sshll.u32 s1, $0x11  }
0xbb: {  	s0 =	sor.u32 s1, s0  }
0xbc: {  	s0 =	sadd.s32 $0x8F2B, s0  }
0xbd: {  	[sflag:s0] =	ssyncadd.remote.s32 $0x1  }
0xbe: {  	_ =	sfence.sel $0xFFFF  }
0xbf: {  	[dreg:$0x0] =	wrdreg $0xFFFFFFFF;
	(pc) =	sbr.abs _section_cstart, $3  }
0xc0: {  	[dreg:$0x1] =	wrdreg $0xFFFFFFFF  }
0xc1: {  	_ =	task.clear_ibuf [dreg:s7], $0x2FFFF;
	_ =	strace $0x9FFFFFFF  }
0xc2: {  	(tm) =	ssettm $0x7FFFFFFF  }
0xc3: {  	_ =	shalt  }
tec
execute0_lowered:
.L_overlay_start_1:
0x0: {  	(tag) =	ssettag $0x1  }
0x1: {  	s0 =	rddreg [dreg:$0x0]  }
0x2: {  	s3 =	rddreg [dreg:$0x1];
	s1 =	srdreg.scid;
	s2 =	simm.s32 $0x0  }
0x3: {  	s31 =	simm.s32 $0x80;
	s9 =	simm.s32 $0x4;
	[dreg:$0x3] =	wrdreg s0  }
0x4: {  	s10 =	simm.s32 $0x0;
	s0 =	rddreg [dreg:$0x2];
	s4 =	sand.u32 $0x1, s1  }
0x5: {  	[smem:$0x7FF] =	sst s2;
	s1 =	stileid.u32;
	s6 =	sadd.s32 $0x9400, s3  }
0x6: {  	s3 =	sadd.s32 $0x4400, s3;
	s5 =	sshll.u32 s4, $0x4;
	_ =	strace $0x80000047  }
0x7: {  	s4 =	ssub.s32 $0x2, s4;
	[dreg:$0x5] =	wrdreg s6;
	s5 =	sor.u32 s1, s5  }
0x8: {  	[dreg:$0x4] =	wrdreg s31;
	s7 =	sshrl.u32 s4, $0x1;
	s8 =	smul.u32 $0x140, s5  }
0x9: {  	s30 =	ssub.s32 s4, s7;
	s4 =	smul.u32 $0x14, s5;
	s7 =	simm.s32 $0x1  }
0xa: {  	s6 =	smax.u32 s30, $0x1;
	s5 =	sadd.s32 s3, s8;
	s8 =	simm.s32 $0x5  }
.LBB2_1:
0xb: {  	_ =	strace $0x80000048;
	s11 =	simm.s32 $0x1;
	p0 =	por $0x0, $0x0  }
0xc: {  	[tilespmem:s2], [sflag:$0x1] =	stream.linear.gather [hbm4b:s5+s2], $0x80, $0x200038;
	[tilespmem:$0x8100] =	vst v63  }
0xd: {  	s11 =	simm.s32 @p0 $0x0  }
0xe: {  	p4 =	por $0x1, $0x1;
	s20 =	sand.u32 $0x1, s2;
	p1 =	sne.s32 s11, $0x0  }
0xf: {  	p2 =	por $0x1, $0x1;
	s18 =	simm.s32 $0x12;
	p0 =	por !p4, !p1  }
0x10: {  	s16 =	simm.s32 $0x0;
	p5 =	por $0x0, $0x0;
	p0 =	por !p0, !p0  }
0x11: {  	s23 =	sadd.s32 $0x0, s4;
	s30 =	sadd.s32 $0x1, s20;
	s12 =	sadd.s32 @p0 s4, s11  }
0x12: {  	_ =	strace $0x90000048;
	s13 =	sand.u32 @p0 $0x1, s7;
	s12 =	sshll.u32 @p0 s12, $0x4  }
0x13: {  	_ =	strace @p0 $0x80000049;
	s15 =	simm.s32 @p0 $0x0;
	s12 =	sand.u32 @p0 $0x1FFFFFF0, s12  }
0x14: {  	s14 =	sshll.u32 @p0 s13, $0x7;
	s13 =	sadd.s32 @p0 $0x1, s13;
	s12 =	sadd.s32 @p0 s3, s12  }
0x15: {  	[tilespmem:s14], [sflag:s13] =	stream.linear.gather @p0 [hbm4b:s12+s15], $0x80, $0x200038;
	[tilespmem:$0x8100] =	vst v63  }
0x16: {  	p3 =	por p2, p2;
	s21 =	sshll.u32 s20, $0xE;
	_ =	strace @p0 $0x90000049  }
0x17: {  	s16 =	sand.u32 $0x80, s16;
	p2 =	por p5, p5;
	_ =	strace $0x8000004A  }
0x18: {  	s17 =	sadd.s32 $0x1, s11;
	s22 =	sor.u32 $0x100, s21;
	_ =	swait.ge [sflag:s30], $0x80  }
0x19: {  	s21 =	simm.s32 $0x1;
	p6 =	por p1, p1;
	[sflag:s30] =	ssyncset.done $0x0  }
0x1a: {  	p1 =	por p3, p3;
	p4 =	por $0x1, $0x1;
	[sflag:s30] =	ssyncadd.s32 $0xFFFFFF80  }
0x1b: {  	s12 =	simm.s32 $0x13;
	s15 =	sand.u32 @!p3 $0x1, s2;
	_ =	strace $0x9000004A  }
0x1c: {  	s13 =	simm.s32 $0x1;
	p3 =	seq.s32 s17, $0x14;
	_ =	strace $0x8000004B  }
0x1d: {  	s13 =	simm.s32 @!p0 $0x0;
	s17 =	simm.s32 @p3 $0x0;
	s19 =	rddreg [dreg:$0x4]  }
0x1e: {  	p0 =	por $0x0, $0x0;
	s14 =	sadd.s32 $0x1, s13;
	s31 =	rddreg [dreg:$0x3]  }
0x1f: {  	[tilespmem:s22], [sflag:$0x5] =	stream.indirect.gather [hbm4b:s31+s19], $0x80, s16, s19, $0x2000b8;
	[tilespmem:$0x8100] =	vst v63  }
0x20: {  	p3 =	sne.s32 s11, s17;
	s21 =	simm.s32 @!p0 $0x0;
	_ =	swait.ge [sflag:s8], $0x4000  }
0x21: {  	p5 =	por !p4, !p3;
	p4 =	por $0x0, $0x0;
	[sflag:s8] =	ssyncset.done $0x0  }
0x22: {  	s13 =	simm.s32 $0x0;
	p6 =	por p4, p6;
	[sflag:s8] =	ssyncadd.s32 $0xFFFFC000  }
0x23: {  	s16 =	simm.s32 $0x0;
	s19 =	simm.s32 $0x0;
	_ =	strace $0x9000004B  }
.LBB2_2:
0x24: {  	_ =	strace @p6 $0x8000004C;
	s13 =	sadd.s32 s21, s13;
	s21 =	smov.u32 s12  }
0x25: {  	s12 =	smov.u32 s18;
	s18 =	sadd.s32 $0xFFFFFFFF, s18;
	p0 =	por p3, p3  }
0x26: {  	s28 =	sshll.u32 @p6 s23, $0xB;
	s20 =	sadd.s32 @p6 $0x3, s20;
	s24 =	simm.s32 @!p0 $0x0  }
0x27: {  	s25 =	rddreg [dreg:$0x5];
	s28 =	sand.u32 @p6 $0x1FFFF800, s28;
	s24 =	simm.s32 @p0 $0x1  }
0x28: {  	s25 =	sadd.s32 @p6 s25, s28;
	s28 =	simm.s32 @p6 $0x0;
	p0 =	sne.s32 s18, $0x0  }
0x29: {  	[hbm4b:s25+s28] =	stream.linear.scatter @p6 [tilespmem:s22], [sflag:s20], $0x4000, $0x200038;
	[tilespmem:$0x8100] =	vst v63  }
0x2a: {  	s20 =	sadd.s32 @!p1 $0x3, s15;
	s15 =	simm.s32 @!p0 $0x0  }
0x2b: {  	s26 =	simm.s32 $0x1;
	[smem:$0x7FC] =	sst s24;
	s15 =	simm.s32 @p0 $0x1  }
0x2c: {  	s26 =	simm.s32 @!p6 $0x0;
	_ =	strace @p6 $0x9000004C;
	[smem:$0x7FD] =	sst s15  }
0x2d: {  	p5 =	por !p5, !p5;
	s19 =	sadd.s32 s26, s19;
	_ =	strace @!p1 $0x8000004D  }
0x2e: {  	s24 =	sand.u32 @!p2 $0x1, s13;
	s22 =	sand.u32 @p5 $0x1, s14;
	_ =	swait.ge @!p1 [sflag:s20], $0x4000  }
0x2f: {  	s15 =	smov.u32 s24;
	s24 =	sadd.s32 @p5 s4, s17;
	[sflag:s20] =	ssyncset.done @!p1 $0x0  }
0x30: {  	s25 =	sshll.u32 @p5 s22, $0x7;
	s24 =	sshll.u32 @p5 s24, $0x4;
	[sflag:s20] =	ssyncadd.s32 @!p1 $0xFFFFC000  }
0x31: {  	s20 =	sadd.s32 @p5 $0x1, s22;
	s22 =	sand.u32 @p5 $0x1FFFFFF0, s24;
	_ =	strace @!p1 $0x9000004D  }
0x32: {  	s24 =	simm.s32 @p5 $0x0;
	s22 =	sadd.s32 @p5 s3, s22;
	_ =	strace @p5 $0x80000049  }
0x33: {  	[tilespmem:s25], [sflag:s20] =	stream.linear.gather @p5 [hbm4b:s22+s24], $0x80, $0x200038;
	[tilespmem:$0x8100] =	vst v63  }
0x34: {  	s16 =	sadd.s32 s26, s16;
	s26 =	sand.u32 $0x1, s19;
	_ =	strace @p5 $0x90000049  }
0x35: {  	s24 =	sadd.s32 $0x1, s26;
	_ =	strace $0x8000004A  }
0x36: {  	_ =	swait.ge [sflag:s24], $0x80  }
0x37: {  	[sflag:s24] =	ssyncset.done $0x0  }
0x38: {  	s20 =	simm.s32 $0x1;
	[sflag:s24] =	ssyncadd.s32 $0xFFFFFF80  }
0x39: {  	s20 =	simm.s32 @!p5 $0x0;
	_ =	strace $0x9000004A  }
0x3a: {  	s14 =	sadd.s32 s20, s14;
	s20 =	sand.u32 $0x1, s16;
	_ =	strace $0x8000004B  }
0x3b: {  	s29 =	sshll.u32 s19, $0x7;
	s25 =	sshll.u32 s20, $0xE;
	s26 =	rddreg [dreg:$0x4]  }
0x3c: {  	s29 =	sand.u32 $0x80, s29;
	s22 =	sor.u32 $0x100, s25;
	s30 =	rddreg [dreg:$0x3]  }
0x3d: {  	[tilespmem:s22], [sflag:$0x5] =	stream.indirect.gather [hbm4b:s30+s26], $0x80, s29, s26, $0x2000b8;
	[tilespmem:$0x8100] =	vst v63  }
0x3e: {  	_ =	swait.ge [sflag:s8], $0x4000  }
0x3f: {  	s31 =	sadd.s32 $0x1, s17;
	[sflag:s8] =	ssyncset.done $0x0  }
0x40: {  	s23 =	sadd.s32 s4, s11;
	s11 =	smov.u32 s17;
	[sflag:s8] =	ssyncadd.s32 $0xFFFFC000  }
0x41: {  	p3 =	seq.s32 s31, $0x14;
	s17 =	smov.u32 s31;
	_ =	strace $0x9000004B  }
0x42: {  	s17 =	simm.s32 @p3 $0x0;
	s31 =	sld [smem:$0x7FD]  }
0x43: {  	p6 =	sne.s32 s12, $0x1;
	p0 =	sne.s32 s21, $0x14;
	p3 =	sne.s32 s11, s17  }
0x44: {  	p5 =	por !p6, !p3;
	p6 =	seq.s32 s21, $0x1;
	s21 =	simm.s32 $0x1  }
0x45: {  	s21 =	simm.s32 @!p0 $0x0;
	p0 =	seq.s32 s31, $0x1  }
.Ltmp0:
0x46: {  	s30 =	sld [smem:$0x7FC];
	(pc) =	sbr.rel @p0 .LBB2_2-.Ltmp0, $4  }
0x47: {  	_ = 	snop  }
0x48: {  	p4 =	seq.s32 s12, $0x14  }
0x49: {  	p1 =	por p2, p2;
	p2 =	por p4, p4;
	p4 =	seq.s32 s30, $0x1  }
0x4a: {  	p6 =	por p6, p4  }
0x4b: {  	_ =	strace @p6 $0x8000004C;
	s23 =	sshll.u32 @p6 s23, $0xB  }
0x4c: {  	s18 =	rddreg [dreg:$0x5];
	s23 =	sand.u32 @p6 $0x1FFFF800, s23  }
0x4d: {  	s20 =	sadd.s32 @p6 $0x3, s20;
	s18 =	sadd.s32 @p6 s18, s23;
	s23 =	simm.s32 @p6 $0x0  }
0x4e: {  	[hbm4b:s18+s23] =	stream.linear.scatter @p6 [tilespmem:s22], [sflag:s20], $0x4000, $0x200038;
	[tilespmem:$0x8100] =	vst v63  }
0x4f: {  	p0 =	por !p5, !p5;
	_ =	strace @p6 $0x9000004C  }
0x50: {  	s15 =	sadd.s32 @!p1 $0x3, s15;
	s17 =	sadd.s32 @p0 s4, s17;
	_ =	strace @!p1 $0x8000004D  }
0x51: {  	s14 =	sand.u32 @p0 $0x1, s14;
	s17 =	sshll.u32 @p0 s17, $0x4;
	_ =	swait.ge @!p1 [sflag:s15], $0x4000  }
0x52: {  	s18 =	simm.s32 $0x1;
	s20 =	sshll.u32 @p0 s14, $0x7;
	[sflag:s15] =	ssyncset.done @!p1 $0x0  }
0x53: {  	s14 =	sadd.s32 @p0 $0x1, s14;
	s18 =	simm.s32 @!p6 $0x0;
	[sflag:s15] =	ssyncadd.s32 @!p1 $0xFFFFC000  }
0x54: {  	s19 =	sadd.s32 s18, s19;
	s15 =	sand.u32 @p0 $0x1FFFFFF0, s17;
	_ =	strace @!p1 $0x9000004D  }
0x55: {  	s17 =	simm.s32 @p0 $0x0;
	s15 =	sadd.s32 @p0 s3, s15;
	_ =	strace @p0 $0x80000049  }
0x56: {  	[tilespmem:s20], [sflag:s14] =	stream.linear.gather @p0 [hbm4b:s15+s17], $0x80, $0x200038;
	[tilespmem:$0x8100] =	vst v63  }
0x57: {  	s25 =	sand.u32 $0x1, s19;
	_ =	strace @p0 $0x90000049  }
0x58: {  	s14 =	sadd.s32 $0x1, s25;
	_ =	strace $0x8000004A  }
0x59: {  	_ =	swait.ge [sflag:s14], $0x80  }
0x5a: {  	[sflag:s14] =	ssyncset.done $0x0  }
0x5b: {  	[sflag:s14] =	ssyncadd.s32 $0xFFFFFF80  }
0x5c: {  	s26 =	sadd.s32 s18, s16;
	_ =	strace $0x9000004A  }
0x5d: {  	s14 =	sand.u32 $0x1, s26;
	_ =	strace $0x8000004B  }
0x5e: {  	s30 =	sshll.u32 s19, $0x7;
	s31 =	sshll.u32 s14, $0xE;
	s28 =	rddreg [dreg:$0x4]  }
0x5f: {  	s17 =	sand.u32 $0x80, s30;
	s18 =	sor.u32 $0x100, s31;
	s29 =	rddreg [dreg:$0x3]  }
0x60: {  	[tilespmem:s18], [sflag:$0x5] =	stream.indirect.gather [hbm4b:s29+s28], $0x80, s17, s28, $0x2000b8;
	[tilespmem:$0x8100] =	vst v63  }
0x61: {  	_ =	swait.ge [sflag:s8], $0x4000  }
0x62: {  	[sflag:s8] =	ssyncset.done $0x0  }
0x63: {  	p5 =	por p3, p3;
	p6 =	seq.s32 s12, $0x1;
	[sflag:s8] =	ssyncadd.s32 $0xFFFFC000  }
0x64: {  	s11 =	sadd.s32 s4, s11;
	p0 =	por p6, p5;
	_ =	strace $0x9000004B  }
0x65: {  	s11 =	sshll.u32 @p0 s11, $0xB;
	_ =	strace @p0 $0x8000004C  }
0x66: {  	s13 =	sadd.s32 s21, s13;
	s11 =	sand.u32 @p0 $0x1FFFF800, s11;
	s12 =	rddreg [dreg:$0x5]  }
0x67: {  	s14 =	sadd.s32 @p0 $0x3, s14;
	s11 =	sadd.s32 @p0 s12, s11;
	s12 =	simm.s32 @p0 $0x0  }
0x68: {  	[hbm4b:s11+s12] =	stream.linear.scatter @p0 [tilespmem:s18], [sflag:s14], $0x4000, $0x200038;
	[tilespmem:$0x8100] =	vst v63  }
0x69: {  	p1 =	por p2, p2;
	s11 =	sand.u32 @!p2 $0x1, s13;
	_ =	strace @p0 $0x9000004C  }
0x6a: {  	s11 =	sadd.s32 @!p1 $0x3, s11;
	_ =	strace @!p1 $0x8000004D  }
0x6b: {  	_ =	swait.ge @!p1 [sflag:s11], $0x4000  }
0x6c: {  	[sflag:s11] =	ssyncset.done @!p1 $0x0  }
0x6d: {  	s10 =	sadd.s32 $0x1, s10;
	[sflag:s11] =	ssyncadd.s32 @!p1 $0xFFFFC000  }
0x6e: {  	p0 =	sne.s32 s10, s6;
	_ =	strace @!p1 $0x9000004D  }
.Ltmp1:
0x6f: {  	_ =	strace $0x8000004E;
	(pc) =	sbr.rel @p0 .LBB2_1-.Ltmp1, $4  }
0x70: {  	_ =	swait.ge [sflag:s9], $0x4000  }
0x71: {  	[sflag:s9] =	ssyncset.done $0x0  }
0x72: {  	[sflag:s9] =	ssyncadd.s32 $0xFFFFC000  }
0x73: {  	_ =	strace $0x9000004E  }
0x74: {  	_ =	sfence.sel $0x180000  }
0x75: {  	[bflag:$0x0] =	sbarrier.arrive $0xFFFF  }
0x76: {  	p0 =	sne.s32 s1, $0x0;
	_ =	strace $0x90000047  }
0x77: {  	s0 =	sadd.s32 @!p0 $0x100000, s0;
	[bflag:$0x2] =	sbarrier.arrive $0xFFFF  }
0x78: {  	[sflag:s0] =	ssyncadd.tile.s32 @!p0 $0x1;
	_ =	shalt  }
.Lfunc_end2:
_tile_overlayer_lowered:
.L_overlay_start_2:
0x79: {  	(tag) =	ssettag $0x2  }
0x7a: {  	s0 =	rddreg [dreg:$0x0];
	s2 =	stileid.u32  }
0x7b: {  	s1 =	rddreg [dreg:$0x1];
	p0 =	sne.s32 s2, $0x0  }
0x7c: {  	s3 =	rddreg [dreg:$0x2];
	[bflag:$0x3] =	sbarrier.arrive $0xFFFF;
	s2 =	simm.s32 @!p0 $0x1C01  }
0x7d: {  	[timem:s3], [sflag:s2] =	dma.local @!p0 [hbm:s0], s1  }
0x7e: {  	s0 =	simm.s32 @!p0 $0x1  }
0x7f: {  	_ =	swait.ge @!p0 [sflag:s0], s1  }
0x80: {  	s1 =	ssub.s32 @!p0 $0x0, s1;
	[sflag:s0] =	ssyncset.done @!p0 $0x0  }
0x81: {  	[sflag:s0] =	ssyncadd.s32 @!p0 s1  }
0x82: {  	[bflag:$0x3] =	sbarrier.arrive $0xFFFF  }
0x83: {  	_ =	shalt  }

</sc_bundles>
